<compile_context>
chip_gen: v7x
topology: tpu7x:2x2x1
jax: 0.10.2.dev20260603
libtpu: 0.0.44.dev20260713+nightly
codegen_flags: <defaults>
</compile_context>

<pallas_src>
import functools

import jax
import jax.numpy as jnp
from jax import lax
from jax.experimental import pallas as pl
from jax.experimental.pallas import tpu as pltpu
from jax.experimental.pallas import tpu_sc as plsc

NC = 2
NS = 16
NW = NC * NS
CHUNK = 128
WIN = 16


def _cdiv(a, b):
    return (a + b - 1) // b


def _sc_mesh():
    return plsc.VectorSubcoreMesh(core_axis_name="c", subcore_axis_name="s")


def _make_deg_kernel(N_a, NCH):
    rpt = N_a // NS

    @functools.partial(
        pl.kernel,
        out_type=jax.ShapeDtypeStruct((NC, N_a), jnp.float32),
        mesh=_sc_mesh(),
        scratch_types=[
            pltpu.VMEM((NCH, CHUNK), jnp.int32),
            pltpu.VMEM((NCH, CHUNK), jnp.float32),
            pltpu.VMEM((rpt,), jnp.float32),
            pltpu.VMEM_SHARED((N_a,), jnp.float32),
            pltpu.SemaphoreType.DMA,
        ],
    )
    def deg_kernel(dst_hbm, ew_hbm, out_hbm, dst_v, ew_v, zbuf, acc, ssem):
        c = lax.axis_index("c")
        s = lax.axis_index("s")
        wid = c * NS + s
        zero16 = jnp.zeros((16,), jnp.float32)

        def zfill(i, carry):
            zbuf[pl.ds(i * 16, 16)] = zero16
            return carry

        lax.fori_loop(0, rpt // 16, zfill, 0)
        r0 = s * rpt
        pltpu.sync_copy(zbuf, acc.at[pl.ds(r0, rpt)])
        pltpu.sync_copy(dst_hbm.at[wid], dst_v)
        pltpu.sync_copy(ew_hbm.at[wid], ew_v)
        plsc.subcore_barrier()

        def body(j, carry):
            pltpu.async_copy(ew_v.at[j], acc.at[dst_v.at[j]], ssem, add=True)
            return carry

        lax.fori_loop(0, NCH, body, 0)

        def drain(j, carry):
            pltpu.make_async_copy(ew_v.at[0], acc.at[dst_v.at[0]], ssem).wait()
            return carry

        lax.fori_loop(0, NCH, drain, 0)
        plsc.subcore_barrier()
        pltpu.sync_copy(acc.at[pl.ds(r0, rpt)], out_hbm.at[c, pl.ds(r0, rpt)])

    return deg_kernel


def _make_agg_kernel(N_a, D, K0, K1):
    rpt = N_a // NS
    KMAX = max(K0, K1)

    @functools.partial(
        pl.kernel,
        out_type=jax.ShapeDtypeStruct((NC, N_a, D), jnp.float32),
        mesh=_sc_mesh(),
        scratch_types=[
            pltpu.VMEM((KMAX, CHUNK), jnp.int32),
            pltpu.VMEM((4, CHUNK), jnp.int32),
            pltpu.VMEM((CHUNK, D), jnp.float32),
            pltpu.VMEM((CHUNK, D), jnp.float32),
            pltpu.VMEM_SHARED((N_a, D), jnp.float32),
            pltpu.SemaphoreType.DMA,
            pltpu.SemaphoreType.DMA,
            pltpu.SemaphoreType.DMA,
            pltpu.SemaphoreType.DMA,
            pltpu.SemaphoreType.DMA,
            pltpu.SemaphoreType.DMA,
            pltpu.SemaphoreType.DMA,
            pltpu.SemaphoreType.DMA,
        ],
    )
    def agg_kernel(src_hbm, dst_hbm, g_hbm, out_hbm,
                   src_v, didx, rows0, rows1, acc,
                   gs0, gs1, ss0, ss1, is0, is1, is2, is3):
        c = lax.axis_index("c")
        s = lax.axis_index("s")
        nch = jnp.where(c == 0, K0, K1)
        base = jnp.where(c == 0, s * K0, NS * K0 + s * K1)
        zero16 = jnp.zeros((16,), jnp.float32)
        for i in range(16):
            for k in range(D // 16):
                rows0[i, pl.ds(k * 16, 16)] = zero16
        r0 = s * rpt
        zview = rows0.at[pl.ds(0, 16)]

        def zcopy(t, carry):
            pltpu.sync_copy(zview, acc.at[pl.ds(r0 + t * 16, 16)])
            return carry

        lax.fori_loop(0, rpt // 16, zcopy, 0)
        pltpu.sync_copy(src_hbm.at[pl.ds(base, KMAX)], src_v)
        plsc.subcore_barrier()

        rows = (rows0, rows1)
        gs = (gs0, gs1)
        ss = (ss0, ss1)
        isem = (is0, is1, is2, is3)

        def wait_gather(b, k):
            pltpu.make_async_copy(g_hbm.at[src_v.at[k]], rows[b],
                                  gs[b]).wait()

        def wait_scatter(b):
            pltpu.make_async_copy(rows[b], acc.at[didx.at[0]],
                                  ss[b]).wait()

        def wait_idx(u):
            pltpu.make_async_copy(dst_hbm.at[0], didx.at[u], isem[u]).wait()

        pltpu.sync_copy(dst_hbm.at[base], didx.at[0])
        pltpu.sync_copy(dst_hbm.at[base + 1], didx.at[1])
        pltpu.async_copy(g_hbm.at[src_v.at[0]], rows0, gs0)
        pltpu.async_copy(g_hbm.at[src_v.at[1]], rows1, gs1)

        def body(i, carry):
            kk = 4 * i
            for u in range(4):
                b = u % 2
                k = kk + u

                @pl.when(k >= 2)
                def _():
                    wait_idx(u)

                wait_gather(b, k)
                pltpu.async_copy(rows[b], acc.at[didx.at[u]], ss[b],
                                 add=True)

                @pl.when(k + 2 < nch)
                def _():
                    wait_scatter(b)
                    pltpu.async_copy(g_hbm.at[src_v.at[k + 2]], rows[b],
                                     gs[b])
                    pltpu.async_copy(dst_hbm.at[base + k + 2],
                                     didx.at[(u + 2) % 4],
                                     isem[(u + 2) % 4])

            return carry

        lax.fori_loop(0, nch // 4, body, 0)
        wait_scatter(0)
        wait_scatter(1)
        plsc.subcore_barrier()
        pltpu.sync_copy(acc.at[pl.ds(r0, rpt)],
                        out_hbm.at[c, pl.ds(r0, rpt)])

    return agg_kernel


def _make_aggs_kernel(N_a, NCH):
    rpt = N_a // NS

    @functools.partial(
        pl.kernel,
        out_type=jax.ShapeDtypeStruct((NC, N_a), jnp.float32),
        mesh=_sc_mesh(),
        scratch_types=[
            pltpu.VMEM((NCH, CHUNK), jnp.int32),
            pltpu.VMEM((NCH, CHUNK), jnp.int32),
            pltpu.VMEM((NCH, CHUNK), jnp.float32),
            pltpu.VMEM((rpt,), jnp.float32),
            pltpu.VMEM_SHARED((N_a,), jnp.float32),
            pltpu.SemaphoreType.DMA,
            pltpu.SemaphoreType.DMA,
        ],
    )
    def aggs_kernel(src_hbm, dst_hbm, g2_hbm, out_hbm,
                    src_v, dst_v, val_v, zbuf, acc, gsem, ssem):
        c = lax.axis_index("c")
        s = lax.axis_index("s")
        wid = c * NS + s
        zero16 = jnp.zeros((16,), jnp.float32)

        def zfill(i, carry):
            zbuf[pl.ds(i * 16, 16)] = zero16
            return carry

        lax.fori_loop(0, rpt // 16, zfill, 0)
        r0 = s * rpt
        pltpu.sync_copy(zbuf, acc.at[pl.ds(r0, rpt)])
        pltpu.sync_copy(src_hbm.at[wid], src_v)
        pltpu.sync_copy(dst_hbm.at[wid], dst_v)
        plsc.subcore_barrier()

        def fire_g(j, carry):
            pltpu.async_copy(g2_hbm.at[src_v.at[j]], val_v.at[j], gsem)
            return carry

        lax.fori_loop(0, NCH, fire_g, 0)

        def drain_g(j, carry):
            pltpu.make_async_copy(g2_hbm.at[src_v.at[0]], val_v.at[0],
                                  gsem).wait()
            return carry

        lax.fori_loop(0, NCH, drain_g, 0)

        def fire_s(j, carry):
            pltpu.async_copy(val_v.at[j], acc.at[dst_v.at[j]], ssem, add=True)
            return carry

        lax.fori_loop(0, NCH, fire_s, 0)

        def drain_s(j, carry):
            pltpu.make_async_copy(val_v.at[0], acc.at[dst_v.at[0]],
                                  ssem).wait()
            return carry

        lax.fori_loop(0, NCH, drain_s, 0)
        plsc.subcore_barrier()
        pltpu.sync_copy(acc.at[pl.ds(r0, rpt)], out_hbm.at[c, pl.ds(r0, rpt)])

    return aggs_kernel


def _tc1_body(N, N_a, feat_ref, w1_ref, degp_ref, g_ref):
    x = feat_ref[...]
    xn = x / jnp.sum(x, axis=1, keepdims=True)
    h = jnp.dot(xn, w1_ref[...], preferred_element_type=jnp.float32)
    deg = degp_ref[0, :N] + degp_ref[1, :N] + 1.0
    dinv = lax.rsqrt(deg)
    g_ref[0:N, :] = h * dinv[:, None]
    g_ref[N:N_a, :] = jnp.zeros((N_a - N, h.shape[1]), jnp.float32)


def _tc2_body(N, N_a, tp_ref, g_ref, degp_ref, b1_ref, w2_ref, g2_ref):
    t = tp_ref[0, :N, :] + tp_ref[1, :N, :] + g_ref[0:N, :]
    deg = degp_ref[0, :N] + degp_ref[1, :N] + 1.0
    dinv = lax.rsqrt(deg)
    out1 = t * dinv[:, None] + b1_ref[...][None, :]
    h1 = jnp.maximum(out1, 0.0)
    w2 = w2_ref[...][:, 0]
    z = jnp.sum(h1 * w2[None, :], axis=1)
    g2_ref[pl.ds(0, N)] = dinv * z
    g2_ref[pl.ds(N, N_a - N)] = jnp.zeros((N_a - N,), jnp.float32)


def _tc3_body(N, t2p_ref, g2_ref, degp_ref, b2_ref, out_ref):
    t2 = t2p_ref[0, :N] + t2p_ref[1, :N] + g2_ref[0:N]
    deg = degp_ref[0, :N] + degp_ref[1, :N] + 1.0
    dinv = lax.rsqrt(deg)
    out_ref[0, :] = dinv * t2 + b2_ref[0]


def kernel(feat, edge_index, edge_weight, W1, b1, W2, b2):
    N, D = feat.shape
    H = W1.shape[1]
    E = edge_index.shape[1]
    N_a = _cdiv(N + 1, NS * 16) * NS * 16
    EC = NW * CHUNK
    NCH = _cdiv(E, EC)
    if NCH % 2:
        NCH += 1
    E_pad = NCH * EC
    TOT = NCH * NW // NS
    K0 = max(4, 4 * int(round(TOT * 0.65 / 4)))
    K1 = TOT - K0

    src = edge_index[0]
    dst = edge_index[1]
    pad_i = jnp.full((E_pad - E,), N, jnp.int32)
    src_all = jnp.concatenate([src, pad_i])
    dst_all = jnp.concatenate([dst, pad_i])
    src_slab = src_all.reshape(NW, NCH, CHUNK)
    dst_slab = dst_all.reshape(NW, NCH, CHUNK)
    KMAX = max(K0, K1)
    extra = jnp.full((KMAX * CHUNK,), N, jnp.int32)
    src_flat = jnp.concatenate([src_all, extra]).reshape(
        NW * NCH + KMAX, CHUNK)
    dst_flat = jnp.concatenate([dst_all, extra]).reshape(
        NW * NCH + KMAX, CHUNK)
    ew_slab = jnp.concatenate(
        [edge_weight, jnp.ones((E_pad - E,), jnp.float32)]).reshape(
            NW, NCH, CHUNK)

    degp = _make_deg_kernel(N_a, NCH)(dst_slab, ew_slab)

    g = pl.pallas_call(
        functools.partial(_tc1_body, N, N_a),
        out_shape=jax.ShapeDtypeStruct((N_a, H), jnp.float32),
    )(feat, W1, degp)

    tp = _make_agg_kernel(N_a, H, K0, K1)(src_flat, dst_flat, g)

    g2 = pl.pallas_call(
        functools.partial(_tc2_body, N, N_a),
        out_shape=jax.ShapeDtypeStruct((N_a,), jnp.float32),
    )(tp, g, degp, b1, W2)

    t2p = _make_aggs_kernel(N_a, NCH)(src_slab, dst_slab, g2)

    out_row = pl.pallas_call(
        functools.partial(_tc3_body, N),
        out_shape=jax.ShapeDtypeStruct((1, N), jnp.float32),
    )(t2p, g2, degp, b2)

    return out_row.reshape(N, 1)

# --- scband reference (transcript-rebuilt; emitter-appended) ---
"""Pipeline reference for scband-std-gcn-34600256536636 (READ-ONLY COPY).

The authoritative reference and input builder live on the scoring server;
editing this copy changes nothing except your own understanding.
"""

import jax, jax.numpy as jnp
import numpy as np

N = 10000
E = 320000
D = 128
H = 128


def setup_inputs(seed: int = 0) -> dict:
    key = jax.random.key(seed)
    k1, k2, k3, k4 = jax.random.split(key, 4)
    feat = jax.random.uniform(k1, (N, D), dtype=jnp.float32)
    # edge_index / edge_weight come from dense_to_sparse(adj) in the torch module;
    # here we materialize the equivalent sparse graph directly.
    edge_index = jax.random.randint(k2, (2, E), 0, N, dtype=jnp.int32)
    edge_weight = jnp.ones((E,), dtype=jnp.float32)
    # GCN layer parameters (glorot-ish init)
    W1 = jax.random.normal(k3, (D, H), dtype=jnp.float32) * (1.0 / np.sqrt(D))
    b1 = jnp.zeros((H,), dtype=jnp.float32)
    W2 = jax.random.normal(k4, (H, 1), dtype=jnp.float32) * (1.0 / np.sqrt(H))
    b2 = jnp.zeros((1,), dtype=jnp.float32)
    return {"feat": feat, "edge_index": edge_index, "edge_weight": edge_weight,
            "W1": W1, "b1": b1, "W2": W2, "b2": b2}


def _gcn_conv(x, edge_index, edge_weight, W, b):
    n = x.shape[0]
    src = edge_index[0]
    dst = edge_index[1]
    # add self loops with weight 1 (PyG GCNConv default)
    loop = jnp.arange(n, dtype=src.dtype)
    src = jnp.concatenate([src, loop])
    dst = jnp.concatenate([dst, loop])
    ew = jnp.concatenate([edge_weight, jnp.ones((n,), dtype=edge_weight.dtype)])
    # symmetric normalization D^-1/2 A D^-1/2
    deg = jnp.zeros((n,), dtype=x.dtype).at[dst].add(ew)
    dinv = jnp.where(deg > 0, deg ** -0.5, 0.0)
    norm = dinv[src] * ew * dinv[dst]
    h = x @ W
    msg = h[src] * norm[:, None]
    out = jnp.zeros((n, h.shape[1]), dtype=x.dtype).at[dst].add(msg)
    return out + b


def reference(feat, edge_index, edge_weight, W1, b1, W2, b2):
    # feat = feat / feat.sum(dim=1, keepdim=True)
    feat = feat / jnp.sum(feat, axis=1, keepdims=True)
    # torch_geometric.nn.models.GCN(in, hidden, num_layers=2, out_channels=1):
    # GCNConv(in,hidden) -> ReLU -> GCNConv(hidden,1); dropout=0.0
    h = _gcn_conv(feat, edge_index, edge_weight, W1, b1)
    h = jax.nn.relu(h)
    out = _gcn_conv(h, edge_index, edge_weight, W2, b2)
    return out

if __name__ == "__main__":
    import jax
    _d = setup_inputs()
    print(jax.jit(kernel)(*tuple(_d.values())))

</pallas_src>

<mosaic_0001>
#map = affine_map<(d0, d1) -> (0, 0, 0)>
#map1 = affine_map<(d0, d1) -> (0, 0)>
module attributes {stable_mosaic.version = 14 : i64} {
  func.func @deg_kernel(%arg0: i32, %arg1: i32, %arg2: memref<32x80x128xi32, #tpu.memory_space<hbm>>, %arg3: memref<32x80x128xf32, #tpu.memory_space<hbm>>, %arg4: memref<2x10240xf32, #tpu.memory_space<hbm>>, %arg5: memref<80x128xi32, #tpu.memory_space<vmem>>, %arg6: memref<80x128xf32, #tpu.memory_space<vmem>>, %arg7: memref<640xf32, #tpu.memory_space<vmem>>, %arg8: memref<10240xf32, #tpu.memory_space<vmem_shared>>, %arg9: memref<!tpu.dma_semaphore, #tpu.memory_space<semaphore_mem>>) attributes {dimension_semantics = [#tpu.dimension_semantics<core_parallel>, #tpu.dimension_semantics<subcore_parallel>], iteration_bounds = array<i64: 2, 16>, scalar_prefetch = 0 : i64, scratch_operands = 5 : i64, tpu.core_type = #tpu.core_type<sc_vector_subcore>, window_params = [{transform_indices = #map}, {transform_indices = #map}, {transform_indices = #map1}]} {
    %mul3A = arith.constant 16 : i32
    %mul3A_0 = arith.muli %arg0, %mul3A : i32
    %add3A = arith.addi %mul3A_0, %arg1 : i32
    %broadcast_in_dim3A = arith.constant 0.000000e+00 : f32
    %broadcast_in_dim3A_1 = vector.broadcast %broadcast_in_dim3A : f32 to vector<16xf32>
    %scan3A = arith.constant 0 : i32
    %scan3A_2 = arith.constant 0 : i32
    %scan3A_3 = arith.constant 40 : i32
    %scan3A_4 = arith.addi %scan3A_2, %scan3A_3 : i32
    %scan3A_5 = arith.constant 1 : i32
    scf.for %scan3A_22 = %scan3A_2 to %scan3A_4 step %scan3A_5  : i32 {
      %mul3A_23 = arith.constant 16 : i32
      %mul3A_24 = arith.muli %scan3A_22, %mul3A_23 : i32
      %swap3A = arith.index_cast %mul3A_24 : i32 to index
      %swap3A_25 = tpu.vector_load %arg7[%swap3A] {strides = array<i32>} : memref<640xf32, #tpu.memory_space<vmem>>, vector<16xf32>,
      %swap3A_26 = vector.shape_cast %swap3A_25 : vector<16xf32> to vector<16xf32>
      %swap3A_27 = vector.shape_cast %broadcast_in_dim3A_1 : vector<16xf32> to vector<16xf32>
      tpu.vector_store %arg7[%swap3A], %swap3A_27 {strides = array<i32>} : memref<640xf32, #tpu.memory_space<vmem>>, vector<16xf32>,
    }
    %scan3A_6 = arith.constant 40 : i32
    %mul3A_7 = arith.constant 640 : i32
    %mul3A_8 = arith.muli %arg1, %mul3A_7 : i32
    "tpu.region"() ({
      %run_scoped3A = tpu.sem_alloc : memref<!tpu.dma_semaphore, #tpu.memory_space<semaphore_mem>>
      %dma_start3A = tpu.memref_slice %arg8[%mul3A_8] : memref<10240xf32, #tpu.memory_space<vmem_shared>> -> memref<640xf32, #tpu.memory_space<vmem_shared>>
      %dma_start3A_22 = tpu.memref_slice %arg8[%mul3A_8] : memref<10240xf32, #tpu.memory_space<vmem_shared>> -> memref<640xf32, #tpu.memory_space<vmem_shared>>
      tpu.enqueue_dma source(%arg7 : memref<640xf32, #tpu.memory_space<vmem>>) target(%dma_start3A_22 : memref<640xf32, #tpu.memory_space<vmem_shared>>) target_semaphore(%run_scoped3A : memref<!tpu.dma_semaphore, #tpu.memory_space<semaphore_mem>>)
      %dma_wait3A = tpu.memref_slice %arg8[%mul3A_8] : memref<10240xf32, #tpu.memory_space<vmem_shared>> -> memref<640xf32, #tpu.memory_space<vmem_shared>>
      %dma_wait3A_23 = tpu.memref_slice %arg8[%mul3A_8] : memref<10240xf32, #tpu.memory_space<vmem_shared>> -> memref<640xf32, #tpu.memory_space<vmem_shared>>
      tpu.wait_dma2 semaphore(%run_scoped3A : memref<!tpu.dma_semaphore, #tpu.memory_space<semaphore_mem>>) src(%arg7 : memref<640xf32, #tpu.memory_space<vmem>>) dst(%dma_wait3A_23 : memref<640xf32, #tpu.memory_space<vmem_shared>>)
      tpu.yield
    }) : () -> ()
    "tpu.region"() ({
      %run_scoped3A = tpu.sem_alloc : memref<!tpu.dma_semaphore, #tpu.memory_space<semaphore_mem>>
      %dma_start3A = arith.constant 0 : i32
      %dma_start3A_22 = arith.constant 0 : i32
      %dma_start3A_23 = tpu.memref_slice %arg2[%add3A, %dma_start3A, %dma_start3A_22] : memref<32x80x128xi32, #tpu.memory_space<hbm>> -> memref<1x80x128xi32, #tpu.memory_space<hbm>>
      %dma_start3A_24 = tpu.memref_squeeze %dma_start3A_23 : memref<1x80x128xi32, #tpu.memory_space<hbm>> -> memref<80x128xi32, #tpu.memory_space<hbm>>
      %dma_start3A_25 = arith.constant 0 : i32
      %dma_start3A_26 = arith.constant 0 : i32
      %dma_start3A_27 = tpu.memref_slice %arg2[%add3A, %dma_start3A_25, %dma_start3A_26] : memref<32x80x128xi32, #tpu.memory_space<hbm>> -> memref<1x80x128xi32, #tpu.memory_space<hbm>>
      %dma_start3A_28 = tpu.memref_squeeze %dma_start3A_27 : memref<1x80x128xi32, #tpu.memory_space<hbm>> -> memref<80x128xi32, #tpu.memory_space<hbm>>
      tpu.enqueue_dma source(%dma_start3A_28 : memref<80x128xi32, #tpu.memory_space<hbm>>) target(%arg5 : memref<80x128xi32, #tpu.memory_space<vmem>>) target_semaphore(%run_scoped3A : memref<!tpu.dma_semaphore, #tpu.memory_space<semaphore_mem>>)
      %dma_wait3A = arith.constant 0 : i32
      %dma_wait3A_29 = arith.constant 0 : i32
      %dma_wait3A_30 = tpu.memref_slice %arg2[%add3A, %dma_wait3A, %dma_wait3A_29] : memref<32x80x128xi32, #tpu.memory_space<hbm>> -> memref<1x80x128xi32, #tpu.memory_space<hbm>>
      %dma_wait3A_31 = tpu.memref_squeeze %dma_wait3A_30 : memref<1x80x128xi32, #tpu.memory_space<hbm>> -> memref<80x128xi32, #tpu.memory_space<hbm>>
      %dma_wait3A_32 = arith.constant 0 : i32
      %dma_wait3A_33 = arith.constant 0 : i32
      %dma_wait3A_34 = tpu.memref_slice %arg2[%add3A, %dma_wait3A_32, %dma_wait3A_33] : memref<32x80x128xi32, #tpu.memory_space<hbm>> -> memref<1x80x128xi32, #tpu.memory_space<hbm>>
      %dma_wait3A_35 = tpu.memref_squeeze %dma_wait3A_34 : memref<1x80x128xi32, #tpu.memory_space<hbm>> -> memref<80x128xi32, #tpu.memory_space<hbm>>
      tpu.wait_dma2 semaphore(%run_scoped3A : memref<!tpu.dma_semaphore, #tpu.memory_space<semaphore_mem>>) src(%dma_wait3A_35 : memref<80x128xi32, #tpu.memory_space<hbm>>) dst(%arg5 : memref<80x128xi32, #tpu.memory_space<vmem>>)
      tpu.yield
    }) : () -> ()
    "tpu.region"() ({
      %run_scoped3A = tpu.sem_alloc : memref<!tpu.dma_semaphore, #tpu.memory_space<semaphore_mem>>
      %dma_start3A = arith.constant 0 : i32
      %dma_start3A_22 = arith.constant 0 : i32
      %dma_start3A_23 = tpu.memref_slice %arg3[%add3A, %dma_start3A, %dma_start3A_22] : memref<32x80x128xf32, #tpu.memory_space<hbm>> -> memref<1x80x128xf32, #tpu.memory_space<hbm>>
      %dma_start3A_24 = tpu.memref_squeeze %dma_start3A_23 : memref<1x80x128xf32, #tpu.memory_space<hbm>> -> memref<80x128xf32, #tpu.memory_space<hbm>>
      %dma_start3A_25 = arith.constant 0 : i32
      %dma_start3A_26 = arith.constant 0 : i32
      %dma_start3A_27 = tpu.memref_slice %arg3[%add3A, %dma_start3A_25, %dma_start3A_26] : memref<32x80x128xf32, #tpu.memory_space<hbm>> -> memref<1x80x128xf32, #tpu.memory_space<hbm>>
      %dma_start3A_28 = tpu.memref_squeeze %dma_start3A_27 : memref<1x80x128xf32, #tpu.memory_space<hbm>> -> memref<80x128xf32, #tpu.memory_space<hbm>>
      tpu.enqueue_dma source(%dma_start3A_28 : memref<80x128xf32, #tpu.memory_space<hbm>>) target(%arg6 : memref<80x128xf32, #tpu.memory_space<vmem>>) target_semaphore(%run_scoped3A : memref<!tpu.dma_semaphore, #tpu.memory_space<semaphore_mem>>)
      %dma_wait3A = arith.constant 0 : i32
      %dma_wait3A_29 = arith.constant 0 : i32
      %dma_wait3A_30 = tpu.memref_slice %arg3[%add3A, %dma_wait3A, %dma_wait3A_29] : memref<32x80x128xf32, #tpu.memory_space<hbm>> -> memref<1x80x128xf32, #tpu.memory_space<hbm>>
      %dma_wait3A_31 = tpu.memref_squeeze %dma_wait3A_30 : memref<1x80x128xf32, #tpu.memory_space<hbm>> -> memref<80x128xf32, #tpu.memory_space<hbm>>
      %dma_wait3A_32 = arith.constant 0 : i32
      %dma_wait3A_33 = arith.constant 0 : i32
      %dma_wait3A_34 = tpu.memref_slice %arg3[%add3A, %dma_wait3A_32, %dma_wait3A_33] : memref<32x80x128xf32, #tpu.memory_space<hbm>> -> memref<1x80x128xf32, #tpu.memory_space<hbm>>
      %dma_wait3A_35 = tpu.memref_squeeze %dma_wait3A_34 : memref<1x80x128xf32, #tpu.memory_space<hbm>> -> memref<80x128xf32, #tpu.memory_space<hbm>>
      tpu.wait_dma2 semaphore(%run_scoped3A : memref<!tpu.dma_semaphore, #tpu.memory_space<semaphore_mem>>) src(%dma_wait3A_35 : memref<80x128xf32, #tpu.memory_space<hbm>>) dst(%arg6 : memref<80x128xf32, #tpu.memory_space<vmem>>)
      tpu.yield
    }) : () -> ()
    %barrier3A = arith.constant 0 : index
    tpu.barrier barrier_id(%barrier3A)
    %scan3A_9 = arith.constant 0 : i32
    %scan3A_10 = arith.constant 0 : i32
    %scan3A_11 = arith.constant 80 : i32
    %scan3A_12 = arith.addi %scan3A_10, %scan3A_11 : i32
    %scan3A_13 = arith.constant 1 : i32
    scf.for %scan3A_22 = %scan3A_10 to %scan3A_12 step %scan3A_13  : i32 {
      %dma_start3A = arith.constant 0 : i32
      %dma_start3A_23 = tpu.memref_slice %arg6[%scan3A_22, %dma_start3A] : memref<80x128xf32, #tpu.memory_space<vmem>> -> memref<1x128xf32, #tpu.memory_space<vmem>>
      %dma_start3A_24 = tpu.memref_squeeze %dma_start3A_23 : memref<1x128xf32, #tpu.memory_space<vmem>> -> memref<128xf32, #tpu.memory_space<vmem>>
      %dma_start3A_25 = arith.constant 0 : i32
      %dma_start3A_26 = tpu.memref_slice %arg5[%scan3A_22, %dma_start3A_25] : memref<80x128xi32, #tpu.memory_space<vmem>> -> memref<1x128xi32, #tpu.memory_space<vmem>>
      %dma_start3A_27 = tpu.memref_squeeze %dma_start3A_26 : memref<1x128xi32, #tpu.memory_space<vmem>> -> memref<128xi32, #tpu.memory_space<vmem>>
      %dma_start3A_28 = arith.constant 0 : i32
      %dma_start3A_29 = tpu.memref_slice %arg8[%dma_start3A_28] : memref<10240xf32, #tpu.memory_space<vmem_shared>> -> memref<10240xf32, #tpu.memory_space<vmem_shared>>
      tpu.enqueue_indirect_dma source(%dma_start3A_24 : memref<128xf32, #tpu.memory_space<vmem>>) target(%dma_start3A_29 : memref<10240xf32, #tpu.memory_space<vmem_shared>>) offsets(%dma_start3A_27 : memref<128xi32, #tpu.memory_space<vmem>>) semaphore(%arg9 : memref<!tpu.dma_semaphore, #tpu.memory_space<semaphore_mem>>) {add = true}
    }
    %scan3A_14 = arith.constant 80 : i32
    %scan3A_15 = arith.constant 0 : i32
    %scan3A_16 = arith.constant 0 : i32
    %scan3A_17 = arith.constant 80 : i32
    %scan3A_18 = arith.addi %scan3A_16, %scan3A_17 : i32
    %scan3A_19 = arith.constant 1 : i32
    scf.for %scan3A_22 = %scan3A_16 to %scan3A_18 step %scan3A_19  : i32 {
      %dma_wait3A = arith.constant 0 : i32
      %dma_wait3A_23 = arith.constant 0 : i32
      %dma_wait3A_24 = arith.constant 0 : i32
      %dma_wait3A_25 = tpu.memref_slice %arg6[%dma_wait3A, %dma_wait3A_24] : memref<80x128xf32, #tpu.memory_space<vmem>> -> memref<1x128xf32, #tpu.memory_space<vmem>>
      %dma_wait3A_26 = tpu.memref_squeeze %dma_wait3A_25 : memref<1x128xf32, #tpu.memory_space<vmem>> -> memref<128xf32, #tpu.memory_space<vmem>>
      %dma_wait3A_27 = arith.constant 0 : i32
      %dma_wait3A_28 = tpu.memref_slice %arg5[%dma_wait3A_23, %dma_wait3A_27] : memref<80x128xi32, #tpu.memory_space<vmem>> -> memref<1x128xi32, #tpu.memory_space<vmem>>
      %dma_wait3A_29 = tpu.memref_squeeze %dma_wait3A_28 : memref<1x128xi32, #tpu.memory_space<vmem>> -> memref<128xi32, #tpu.memory_space<vmem>>
      %dma_wait3A_30 = arith.constant 0 : i32
      %dma_wait3A_31 = tpu.memref_slice %arg8[%dma_wait3A_30] : memref<10240xf32, #tpu.memory_space<vmem_shared>> -> memref<10240xf32, #tpu.memory_space<vmem_shared>>
      tpu.wait_indirect_dma semaphore(%arg9 : memref<!tpu.dma_semaphore, #tpu.memory_space<semaphore_mem>>) src(%dma_wait3A_26 : memref<128xf32, #tpu.memory_space<vmem>>) dst(%dma_wait3A_31 : memref<10240xf32, #tpu.memory_space<vmem_shared>>)
    }
    %scan3A_20 = arith.constant 80 : i32
    %barrier3A_21 = arith.constant 0 : index
    tpu.barrier barrier_id(%barrier3A_21)
    "tpu.region"() ({
      %run_scoped3A = tpu.sem_alloc : memref<!tpu.dma_semaphore, #tpu.memory_space<semaphore_mem>>
      %dma_start3A = tpu.memref_slice %arg4[%arg0, %mul3A_8] : memref<2x10240xf32, #tpu.memory_space<hbm>> -> memref<1x640xf32, #tpu.memory_space<hbm>>
      %dma_start3A_22 = tpu.memref_squeeze %dma_start3A : memref<1x640xf32, #tpu.memory_space<hbm>> -> memref<640xf32, #tpu.memory_space<hbm>>
      %dma_start3A_23 = tpu.memref_slice %arg8[%mul3A_8] : memref<10240xf32, #tpu.memory_space<vmem_shared>> -> memref<640xf32, #tpu.memory_space<vmem_shared>>
      tpu.enqueue_dma source(%dma_start3A_23 : memref<640xf32, #tpu.memory_space<vmem_shared>>) target(%dma_start3A_22 : memref<640xf32, #tpu.memory_space<hbm>>) target_semaphore(%run_scoped3A : memref<!tpu.dma_semaphore, #tpu.memory_space<semaphore_mem>>)
      %dma_wait3A = tpu.memref_slice %arg4[%arg0, %mul3A_8] : memref<2x10240xf32, #tpu.memory_space<hbm>> -> memref<1x640xf32, #tpu.memory_space<hbm>>
      %dma_wait3A_24 = tpu.memref_squeeze %dma_wait3A : memref<1x640xf32, #tpu.memory_space<hbm>> -> memref<640xf32, #tpu.memory_space<hbm>>
      %dma_wait3A_25 = tpu.memref_slice %arg8[%mul3A_8] : memref<10240xf32, #tpu.memory_space<vmem_shared>> -> memref<640xf32, #tpu.memory_space<vmem_shared>>
      tpu.wait_dma2 semaphore(%run_scoped3A : memref<!tpu.dma_semaphore, #tpu.memory_space<semaphore_mem>>) src(%dma_wait3A_25 : memref<640xf32, #tpu.memory_space<vmem_shared>>) dst(%dma_wait3A_24 : memref<640xf32, #tpu.memory_space<hbm>>)
      tpu.yield
    }) : () -> ()
    return
  }
}

#map = affine_map<(d0, d1) -> (0, 0)>
#map1 = affine_map<(d0, d1) -> (0, 0, 0)>
module attributes {stable_mosaic.version = 14 : i64} {
  func.func @agg_kernel(%arg0: i32, %arg1: i32, %arg2: memref<2664x128xi32, #tpu.memory_space<hbm>>, %arg3: memref<2664x128xi32, #tpu.memory_space<hbm>>, %arg4: memref<10240x128xf32, #tpu.memory_space<hbm>>, %arg5: memref<2x10240x128xf32, #tpu.memory_space<hbm>>, %arg6: memref<104x128xi32, #tpu.memory_space<vmem>>, %arg7: memref<4x128xi32, #tpu.memory_space<vmem>>, %arg8: memref<128x128xf32, #tpu.memory_space<vmem>>, %arg9: memref<128x128xf32, #tpu.memory_space<vmem>>, %arg10: memref<10240x128xf32, #tpu.memory_space<vmem_shared>>, %arg11: memref<!tpu.dma_semaphore, #tpu.memory_space<semaphore_mem>>, %arg12: memref<!tpu.dma_semaphore, #tpu.memory_space<semaphore_mem>>, %arg13: memref<!tpu.dma_semaphore, #tpu.memory_space<semaphore_mem>>, %arg14: memref<!tpu.dma_semaphore, #tpu.memory_space<semaphore_mem>>, %arg15: memref<!tpu.dma_semaphore, #tpu.memory_space<semaphore_mem>>, %arg16: memref<!tpu.dma_semaphore, #tpu.memory_space<semaphore_mem>>, %arg17: memref<!tpu.dma_semaphore, #tpu.memory_space<semaphore_mem>>, %arg18: memref<!tpu.dma_semaphore, #tpu.memory_space<semaphore_mem>>) attributes {dimension_semantics = [#tpu.dimension_semantics<core_parallel>, #tpu.dimension_semantics<subcore_parallel>], iteration_bounds = array<i64: 2, 16>, scalar_prefetch = 0 : i64, scratch_operands = 13 : i64, tpu.core_type = #tpu.core_type<sc_vector_subcore>, window_params = [{transform_indices = #map}, {transform_indices = #map}, {transform_indices = #map}, {transform_indices = #map1}]} {
    %eq3A = arith.constant 0 : i32
    %eq3A_0 = arith.cmpi eq, %arg0, %eq3A : i32
    %jit3A = arith.constant 104 : i32
    %jit3A_1 = arith.constant 56 : i32
    %select_n3A = arith.select %eq3A_0, %jit3A, %jit3A_1 : i32
    %eq3A_2 = arith.constant 0 : i32
    %eq3A_3 = arith.cmpi eq, %arg0, %eq3A_2 : i32
    %mul3A = arith.constant 104 : i32
    %mul3A_4 = arith.muli %arg1, %mul3A : i32
    %mul3A_5 = arith.constant 56 : i32
    %mul3A_6 = arith.muli %arg1, %mul3A_5 : i32
    %add3A = arith.constant 1664 : i32
    %add3A_7 = arith.addi %add3A, %mul3A_6 : i32
    %select_n3A_8 = arith.select %eq3A_3, %mul3A_4, %add3A_7 : i32
    %broadcast_in_dim3A = arith.constant 0.000000e+00 : f32
    %broadcast_in_dim3A_9 = vector.broadcast %broadcast_in_dim3A : f32 to vector<16xf32>
    %swap3A = arith.constant 0 : i32
    %swap3A_10 = arith.index_cast %swap3A : i32 to index
    %swap3A_11 = arith.constant 0 : index
    %swap3A_12 = tpu.vector_load %arg8[%swap3A_10, %swap3A_11] {strides = array<i32>} : memref<128x128xf32, #tpu.memory_space<vmem>>, vector<1x16xf32>,
    %swap3A_13 = vector.shape_cast %swap3A_12 : vector<1x16xf32> to vector<16xf32>
    %swap3A_14 = vector.shape_cast %broadcast_in_dim3A_9 : vector<16xf32> to vector<1x16xf32>
    tpu.vector_store %arg8[%swap3A_10, %swap3A_11], %swap3A_14 {strides = array<i32>} : memref<128x128xf32, #tpu.memory_space<vmem>>, vector<1x16xf32>,
    %swap3A_15 = arith.constant 0 : i32
    %swap3A_16 = arith.index_cast %swap3A_15 : i32 to index
    %swap3A_17 = arith.constant 16 : index
    %swap3A_18 = tpu.vector_load %arg8[%swap3A_16, %swap3A_17] {strides = array<i32>} : memref<128x128xf32, #tpu.memory_space<vmem>>, vector<1x16xf32>,
    %swap3A_19 = vector.shape_cast %swap3A_18 : vector<1x16xf32> to vector<16xf32>
    %swap3A_20 = vector.shape_cast %broadcast_in_dim3A_9 : vector<16xf32> to vector<1x16xf32>
    tpu.vector_store %arg8[%swap3A_16, %swap3A_17], %swap3A_20 {strides = array<i32>} : memref<128x128xf32, #tpu.memory_space<vmem>>, vector<1x16xf32>,
    %swap3A_21 = arith.constant 0 : i32
    %swap3A_22 = arith.index_cast %swap3A_21 : i32 to index
    %swap3A_23 = arith.constant 32 : index
    %swap3A_24 = tpu.vector_load %arg8[%swap3A_22, %swap3A_23] {strides = array<i32>} : memref<128x128xf32, #tpu.memory_space<vmem>>, vector<1x16xf32>,
    %swap3A_25 = vector.shape_cast %swap3A_24 : vector<1x16xf32> to vector<16xf32>
    %swap3A_26 = vector.shape_cast %broadcast_in_dim3A_9 : vector<16xf32> to vector<1x16xf32>
    tpu.vector_store %arg8[%swap3A_22, %swap3A_23], %swap3A_26 {strides = array<i32>} : memref<128x128xf32, #tpu.memory_space<vmem>>, vector<1x16xf32>,
    %swap3A_27 = arith.constant 0 : i32
    %swap3A_28 = arith.index_cast %swap3A_27 : i32 to index
    %swap3A_29 = arith.constant 48 : index
    %swap3A_30 = tpu.vector_load %arg8[%swap3A_28, %swap3A_29] {strides = array<i32>} : memref<128x128xf32, #tpu.memory_space<vmem>>, vector<1x16xf32>,
    %swap3A_31 = vector.shape_cast %swap3A_30 : vector<1x16xf32> to vector<16xf32>
    %swap3A_32 = vector.shape_cast %broadcast_in_dim3A_9 : vector<16xf32> to vector<1x16xf32>
    tpu.vector_store %arg8[%swap3A_28, %swap3A_29], %swap3A_32 {strides = array<i32>} : memref<128x128xf32, #tpu.memory_space<vmem>>, vector<1x16xf32>,
    %swap3A_33 = arith.constant 0 : i32
    %swap3A_34 = arith.index_cast %swap3A_33 : i32 to index
    %swap3A_35 = arith.constant 64 : index
    %swap3A_36 = tpu.vector_load %arg8[%swap3A_34, %swap3A_35] {strides = array<i32>} : memref<128x128xf32, #tpu.memory_space<vmem>>, vector<1x16xf32>,
    %swap3A_37 = vector.shape_cast %swap3A_36 : vector<1x16xf32> to vector<16xf32>
    %swap3A_38 = vector.shape_cast %broadcast_in_dim3A_9 : vector<16xf32> to vector<1x16xf32>
    tpu.vector_store %arg8[%swap3A_34, %swap3A_35], %swap3A_38 {strides = array<i32>} : memref<128x128xf32, #tpu.memory_space<vmem>>, vector<1x16xf32>,
    %swap3A_39 = arith.constant 0 : i32
    %swap3A_40 = arith.index_cast %swap3A_39 : i32 to index
    %swap3A_41 = arith.constant 80 : index
    %swap3A_42 = tpu.vector_load %arg8[%swap3A_40, %swap3A_41] {strides = array<i32>} : memref<128x128xf32, #tpu.memory_space<vmem>>, vector<1x16xf32>,
    %swap3A_43 = vector.shape_cast %swap3A_42 : vector<1x16xf32> to vector<16xf32>
    %swap3A_44 = vector.shape_cast %broadcast_in_dim3A_9 : vector<16xf32> to vector<1x16xf32>
    tpu.vector_store %arg8[%swap3A_40, %swap3A_41], %swap3A_44 {strides = array<i32>} : memref<128x128xf32, #tpu.memory_space<vmem>>, vector<1x16xf32>,
    %swap3A_45 = arith.constant 0 : i32
    %swap3A_46 = arith.index_cast %swap3A_45 : i32 to index
    %swap3A_47 = arith.constant 96 : index
    %swap3A_48 = tpu.vector_load %arg8[%swap3A_46, %swap3A_47] {strides = array<i32>} : memref<128x128xf32, #tpu.memory_space<vmem>>, vector<1x16xf32>,
    %swap3A_49 = vector.shape_cast %swap3A_48 : vector<1x16xf32> to vector<16xf32>
    %swap3A_50 = vector.shape_cast %broadcast_in_dim3A_9 : vector<16xf32> to vector<1x16xf32>
    tpu.vector_store %arg8[%swap3A_46, %swap3A_47], %swap3A_50 {strides = array<i32>} : memref<128x128xf32, #tpu.memory_space<vmem>>, vector<1x16xf32>,
    %swap3A_51 = arith.constant 0 : i32
    %swap3A_52 = arith.index_cast %swap3A_51 : i32 to index
    %swap3A_53 = arith.constant 112 : index
    %swap3A_54 = tpu.vector_load %arg8[%swap3A_52, %swap3A_53] {strides = array<i32>} : memref<128x128xf32, #tpu.memory_space<vmem>>, vector<1x16xf32>,
    %swap3A_55 = vector.shape_cast %swap3A_54 : vector<1x16xf32> to vector<16xf32>
    %swap3A_56 = vector.shape_cast %broadcast_in_dim3A_9 : vector<16xf32> to vector<1x16xf32>
    tpu.vector_store %arg8[%swap3A_52, %swap3A_53], %swap3A_56 {strides = array<i32>} : memref<128x128xf32, #tpu.memory_space<vmem>>, vector<1x16xf32>,
    %swap3A_57 = arith.constant 1 : i32
    %swap3A_58 = arith.index_cast %swap3A_57 : i32 to index
    %swap3A_59 = arith.constant 0 : index
    %swap3A_60 = tpu.vector_load %arg8[%swap3A_58, %swap3A_59] {strides = array<i32>} : memref<128x128xf32, #tpu.memory_space<vmem>>, vector<1x16xf32>,
    %swap3A_61 = vector.shape_cast %swap3A_60 : vector<1x16xf32> to vector<16xf32>
    %swap3A_62 = vector.shape_cast %broadcast_in_dim3A_9 : vector<16xf32> to vector<1x16xf32>
    tpu.vector_store %arg8[%swap3A_58, %swap3A_59], %swap3A_62 {strides = array<i32>} : memref<128x128xf32, #tpu.memory_space<vmem>>, vector<1x16xf32>,
    %swap3A_63 = arith.constant 1 : i32
    %swap3A_64 = arith.index_cast %swap3A_63 : i32 to index
    %swap3A_65 = arith.constant 16 : index
    %swap3A_66 = tpu.vector_load %arg8[%swap3A_64, %swap3A_65] {strides = array<i32>} : memref<128x128xf32, #tpu.memory_space<vmem>>, vector<1x16xf32>,
    %swap3A_67 = vector.shape_cast %swap3A_66 : vector<1x16xf32> to vector<16xf32>
    %swap3A_68 = vector.shape_cast %broadcast_in_dim3A_9 : vector<16xf32> to vector<1x16xf32>
    tpu.vector_store %arg8[%swap3A_64, %swap3A_65], %swap3A_68 {strides = array<i32>} : memref<128x128xf32, #tpu.memory_space<vmem>>, vector<1x16xf32>,
    %swap3A_69 = arith.constant 1 : i32
    %swap3A_70 = arith.index_cast %swap3A_69 : i32 to index
    %swap3A_71 = arith.constant 32 : index
    %swap3A_72 = tpu.vector_load %arg8[%swap3A_70, %swap3A_71] {strides = array<i32>} : memref<128x128xf32, #tpu.memory_space<vmem>>, vector<1x16xf32>,
    %swap3A_73 = vector.shape_cast %swap3A_72 : vector<1x16xf32> to vector<16xf32>
    %swap3A_74 = vector.shape_cast %broadcast_in_dim3A_9 : vector<16xf32> to vector<1x16xf32>
    tpu.vector_store %arg8[%swap3A_70, %swap3A_71], %swap3A_74 {strides = array<i32>} : memref<128x128xf32, #tpu.memory_space<vmem>>, vector<1x16xf32>,
    %swap3A_75 = arith.constant 1 : i32
    %swap3A_76 = arith.index_cast %swap3A_75 : i32 to index
    %swap3A_77 = arith.constant 48 : index
    %swap3A_78 = tpu.vector_load %arg8[%swap3A_76, %swap3A_77] {strides = array<i32>} : memref<128x128xf32, #tpu.memory_space<vmem>>, vector<1x16xf32>,
    %swap3A_79 = vector.shape_cast %swap3A_78 : vector<1x16xf32> to vector<16xf32>
    %swap3A_80 = vector.shape_cast %broadcast_in_dim3A_9 : vector<16xf32> to vector<1x16xf32>
    tpu.vector_store %arg8[%swap3A_76, %swap3A_77], %swap3A_80 {strides = array<i32>} : memref<128x128xf32, #tpu.memory_space<vmem>>, vector<1x16xf32>,
    %swap3A_81 = arith.constant 1 : i32
    %swap3A_82 = arith.index_cast %swap3A_81 : i32 to index
    %swap3A_83 = arith.constant 64 : index
    %swap3A_84 = tpu.vector_load %arg8[%swap3A_82, %swap3A_83] {strides = array<i32>} : memref<128x128xf32, #tpu.memory_space<vmem>>, vector<1x16xf32>,
    %swap3A_85 = vector.shape_cast %swap3A_84 : vector<1x16xf32> to vector<16xf32>
    %swap3A_86 = vector.shape_cast %broadcast_in_dim3A_9 : vector<16xf32> to vector<1x16xf32>
    tpu.vector_store %arg8[%swap3A_82, %swap3A_83], %swap3A_86 {strides = array<i32>} : memref<128x128xf32, #tpu.memory_space<vmem>>, vector<1x16xf32>,
    %swap3A_87 = arith.constant 1 : i32
    %swap3A_88 = arith.index_cast %swap3A_87 : i32 to index
    %swap3A_89 = arith.constant 80 : index
    %swap3A_90 = tpu.vector_load %arg8[%swap3A_88, %swap3A_89] {strides = array<i32>} : memref<128x128xf32, #tpu.memory_space<vmem>>, vector<1x16xf32>,
    %swap3A_91 = vector.shape_cast %swap3A_90 : vector<1x16xf32> to vector<16xf32>
    %swap3A_92 = vector.shape_cast %broadcast_in_dim3A_9 : vector<16xf32> to vector<1x16xf32>
    tpu.vector_store %arg8[%swap3A_88, %swap3A_89], %swap3A_92 {strides = array<i32>} : memref<128x128xf32, #tpu.memory_space<vmem>>, vector<1x16xf32>,
    %swap3A_93 = arith.constant 1 : i32
    %swap3A_94 = arith.index_cast %swap3A_93 : i32 to index
    %swap3A_95 = arith.constant 96 : index
    %swap3A_96 = tpu.vector_load %arg8[%swap3A_94, %swap3A_95] {strides = array<i32>} : memref<128x128xf32, #tpu.memory_space<vmem>>, vector<1x16xf32>,
    %swap3A_97 = vector.shape_cast %swap3A_96 : vector<1x16xf32> to vector<16xf32>
    %swap3A_98 = vector.shape_cast %broadcast_in_dim3A_9 : vector<16xf32> to vector<1x16xf32>
    tpu.vector_store %arg8[%swap3A_94, %swap3A_95], %swap3A_98 {strides = array<i32>} : memref<128x128xf32, #tpu.memory_space<vmem>>, vector<1x16xf32>,
    %swap3A_99 = arith.constant 1 : i32
    %swap3A_100 = arith.index_cast %swap3A_99 : i32 to index
    %swap3A_101 = arith.constant 112 : index
    %swap3A_102 = tpu.vector_load %arg8[%swap3A_100, %swap3A_101] {strides = array<i32>} : memref<128x128xf32, #tpu.memory_space<vmem>>, vector<1x16xf32>,
    %swap3A_103 = vector.shape_cast %swap3A_102 : vector<1x16xf32> to vector<16xf32>
    %swap3A_104 = vector.shape_cast %broadcast_in_dim3A_9 : vector<16xf32> to vector<1x16xf32>
    tpu.vector_store %arg8[%swap3A_100, %swap3A_101], %swap3A_104 {strides = array<i32>} : memref<128x128xf32, #tpu.memory_space<vmem>>, vector<1x16xf32>,
    %swap3A_105 = arith.constant 2 : i32
    %swap3A_106 = arith.index_cast %swap3A_105 : i32 to index
    %swap3A_107 = arith.constant 0 : index
    %swap3A_108 = tpu.vector_load %arg8[%swap3A_106, %swap3A_107] {strides = array<i32>} : memref<128x128xf32, #tpu.memory_space<vmem>>, vector<1x16xf32>,
    %swap3A_109 = vector.shape_cast %swap3A_108 : vector<1x16xf32> to vector<16xf32>
    %swap3A_110 = vector.shape_cast %broadcast_in_dim3A_9 : vector<16xf32> to vector<1x16xf32>
    tpu.vector_store %arg8[%swap3A_106, %swap3A_107], %swap3A_110 {strides = array<i32>} : memref<128x128xf32, #tpu.memory_space<vmem>>, vector<1x16xf32>,
    %swap3A_111 = arith.constant 2 : i32
    %swap3A_112 = arith.index_cast %swap3A_111 : i32 to index
    %swap3A_113 = arith.constant 16 : index
    %swap3A_114 = tpu.vector_load %arg8[%swap3A_112, %swap3A_113] {strides = array<i32>} : memref<128x128xf32, #tpu.memory_space<vmem>>, vector<1x16xf32>,
    %swap3A_115 = vector.shape_cast %swap3A_114 : vector<1x16xf32> to vector<16xf32>
    %swap3A_116 = vector.shape_cast %broadcast_in_dim3A_9 : vector<16xf32> to vector<1x16xf32>
    tpu.vector_store %arg8[%swap3A_112, %swap3A_113], %swap3A_116 {strides = array<i32>} : memref<128x128xf32, #tpu.memory_space<vmem>>, vector<1x16xf32>,
    %swap3A_117 = arith.constant 2 : i32
    %swap3A_118 = arith.index_cast %swap3A_117 : i32 to index
    %swap3A_119 = arith.constant 32 : index
    %swap3A_120 = tpu.vector_load %arg8[%swap3A_118, %swap3A_119] {strides = array<i32>} : memref<128x128xf32, #tpu.memory_space<vmem>>, vector<1x16xf32>,
    %swap3A_121 = vector.shape_cast %swap3A_120 : vector<1x16xf32> to vector<16xf32>
    %swap3A_122 = vector.shape_cast %broadcast_in_dim3A_9 : vector<16xf32> to vector<1x16xf32>
    tpu.vector_store %arg8[%swap3A_118, %swap3A_119], %swap3A_122 {strides = array<i32>} : memref<128x128xf32, #tpu.memory_space<vmem>>, vector<1x16xf32>,
    %swap3A_123 = arith.constant 2 : i32
    %swap3A_124 = arith.index_cast %swap3A_123 : i32 to index
    %swap3A_125 = arith.constant 48 : index
    %swap3A_126 = tpu.vector_load %arg8[%swap3A_124, %swap3A_125] {strides = array<i32>} : memref<128x128xf32, #tpu.memory_space<vmem>>, vector<1x16xf32>,
    %swap3A_127 = vector.shape_cast %swap3A_126 : vector<1x16xf32> to vector<16xf32>
    %swap3A_128 = vector.shape_cast %broadcast_in_dim3A_9 : vector<16xf32> to vector<1x16xf32>
    tpu.vector_store %arg8[%swap3A_124, %swap3A_125], %swap3A_128 {strides = array<i32>} : memref<128x128xf32, #tpu.memory_space<vmem>>, vector<1x16xf32>,
    %swap3A_129 = arith.constant 2 : i32
    %swap3A_130 = arith.index_cast %swap3A_129 : i32 to index
    %swap3A_131 = arith.constant 64 : index
    %swap3A_132 = tpu.vector_load %arg8[%swap3A_130, %swap3A_131] {strides = array<i32>} : memref<128x128xf32, #tpu.memory_space<vmem>>, vector<1x16xf32>,
    %swap3A_133 = vector.shape_cast %swap3A_132 : vector<1x16xf32> to vector<16xf32>
    %swap3A_134 = vector.shape_cast %broadcast_in_dim3A_9 : vector<16xf32> to vector<1x16xf32>
    tpu.vector_store %arg8[%swap3A_130, %swap3A_131], %swap3A_134 {strides = array<i32>} : memref<128x128xf32, #tpu.memory_space<vmem>>, vector<1x16xf32>,
    %swap3A_135 = arith.constant 2 : i32
    %swap3A_136 = arith.index_cast %swap3A_135 : i32 to index
    %swap3A_137 = arith.constant 80 : index
    %swap3A_138 = tpu.vector_load %arg8[%swap3A_136, %swap3A_137] {strides = array<i32>} : memref<128x128xf32, #tpu.memory_space<vmem>>, vector<1x16xf32>,
    %swap3A_139 = vector.shape_cast %swap3A_138 : vector<1x16xf32> to vector<16xf32>
    %swap3A_140 = vector.shape_cast %broadcast_in_dim3A_9 : vector<16xf32> to vector<1x16xf32>
    tpu.vector_store %arg8[%swap3A_136, %swap3A_137], %swap3A_140 {strides = array<i32>} : memref<128x128xf32, #tpu.memory_space<vmem>>, vector<1x16xf32>,
    %swap3A_141 = arith.constant 2 : i32
    %swap3A_142 = arith.index_cast %swap3A_141 : i32 to index
    %swap3A_143 = arith.constant 96 : index
    %swap3A_144 = tpu.vector_load %arg8[%swap3A_142, %swap3A_143] {strides = array<i32>} : memref<128x128xf32, #tpu.memory_space<vmem>>, vector<1x16xf32>,
    %swap3A_145 = vector.shape_cast %swap3A_144 : vector<1x16xf32> to vector<16xf32>
    %swap3A_146 = vector.shape_cast %broadcast_in_dim3A_9 : vector<16xf32> to vector<1x16xf32>
    tpu.vector_store %arg8[%swap3A_142, %swap3A_143], %swap3A_146 {strides = array<i32>} : memref<128x128xf32, #tpu.memory_space<vmem>>, vector<1x16xf32>,
    %swap3A_147 = arith.constant 2 : i32
    %swap3A_148 = arith.index_cast %swap3A_147 : i32 to index
    %swap3A_149 = arith.constant 112 : index
    %swap3A_150 = tpu.vector_load %arg8[%swap3A_148, %swap3A_149] {strides = array<i32>} : memref<128x128xf32, #tpu.memory_space<vmem>>, vector<1x16xf32>,
    %swap3A_151 = vector.shape_cast %swap3A_150 : vector<1x16xf32> to vector<16xf32>
    %swap3A_152 = vector.shape_cast %broadcast_in_dim3A_9 : vector<16xf32> to vector<1x16xf32>
    tpu.vector_store %arg8[%swap3A_148, %swap3A_149], %swap3A_152 {strides = array<i32>} : memref<128x128xf32, #tpu.memory_space<vmem>>, vector<1x16xf32>,
    %swap3A_153 = arith.constant 3 : i32
    %swap3A_154 = arith.index_cast %swap3A_153 : i32 to index
    %swap3A_155 = arith.constant 0 : index
    %swap3A_156 = tpu.vector_load %arg8[%swap3A_154, %swap3A_155] {strides = array<i32>} : memref<128x128xf32, #tpu.memory_space<vmem>>, vector<1x16xf32>,
    %swap3A_157 = vector.shape_cast %swap3A_156 : vector<1x16xf32> to vector<16xf32>
    %swap3A_158 = vector.shape_cast %broadcast_in_dim3A_9 : vector<16xf32> to vector<1x16xf32>
    tpu.vector_store %arg8[%swap3A_154, %swap3A_155], %swap3A_158 {strides = array<i32>} : memref<128x128xf32, #tpu.memory_space<vmem>>, vector<1x16xf32>,
    %swap3A_159 = arith.constant 3 : i32
    %swap3A_160 = arith.index_cast %swap3A_159 : i32 to index
    %swap3A_161 = arith.constant 16 : index
    %swap3A_162 = tpu.vector_load %arg8[%swap3A_160, %swap3A_161] {strides = array<i32>} : memref<128x128xf32, #tpu.memory_space<vmem>>, vector<1x16xf32>,
    %swap3A_163 = vector.shape_cast %swap3A_162 : vector<1x16xf32> to vector<16xf32>
    %swap3A_164 = vector.shape_cast %broadcast_in_dim3A_9 : vector<16xf32> to vector<1x16xf32>
    tpu.vector_store %arg8[%swap3A_160, %swap3A_161], %swap3A_164 {strides = array<i32>} : memref<128x128xf32, #tpu.memory_space<vmem>>, vector<1x16xf32>,
    %swap3A_165 = arith.constant 3 : i32
    %swap3A_166 = arith.index_cast %swap3A_165 : i32 to index
    %swap3A_167 = arith.constant 32 : index
    %swap3A_168 = tpu.vector_load %arg8[%swap3A_166, %swap3A_167] {strides = array<i32>} : memref<128x128xf32, #tpu.memory_space<vmem>>, vector<1x16xf32>,
    %swap3A_169 = vector.shape_cast %swap3A_168 : vector<1x16xf32> to vector<16xf32>
    %swap3A_170 = vector.shape_cast %broadcast_in_dim3A_9 : vector<16xf32> to vector<1x16xf32>
    tpu.vector_store %arg8[%swap3A_166, %swap3A_167], %swap3A_170 {strides = array<i32>} : memref<128x128xf32, #tpu.memory_space<vmem>>, vector<1x16xf32>,
    %swap3A_171 = arith.constant 3 : i32
    %swap3A_172 = arith.index_cast %swap3A_171 : i32 to index
    %swap3A_173 = arith.constant 48 : index
    %swap3A_174 = tpu.vector_load %arg8[%swap3A_172, %swap3A_173] {strides = array<i32>} : memref<128x128xf32, #tpu.memory_space<vmem>>, vector<1x16xf32>,
    %swap3A_175 = vector.shape_cast %swap3A_174 : vector<1x16xf32> to vector<16xf32>
    %swap3A_176 = vector.shape_cast %broadcast_in_dim3A_9 : vector<16xf32> to vector<1x16xf32>
    tpu.vector_store %arg8[%swap3A_172, %swap3A_173], %swap3A_176 {strides = array<i32>} : memref<128x128xf32, #tpu.memory_space<vmem>>, vector<1x16xf32>,
    %swap3A_177 = arith.constant 3 : i32
    %swap3A_178 = arith.index_cast %swap3A_177 : i32 to index
    %swap3A_179 = arith.constant 64 : index
    %swap3A_180 = tpu.vector_load %arg8[%swap3A_178, %swap3A_179] {strides = array<i32>} : memref<128x128xf32, #tpu.memory_space<vmem>>, vector<1x16xf32>,
    %swap3A_181 = vector.shape_cast %swap3A_180 : vector<1x16xf32> to vector<16xf32>
    %swap3A_182 = vector.shape_cast %broadcast_in_dim3A_9 : vector<16xf32> to vector<1x16xf32>
    tpu.vector_store %arg8[%swap3A_178, %swap3A_179], %swap3A_182 {strides = array<i32>} : memref<128x128xf32, #tpu.memory_space<vmem>>, vector<1x16xf32>,
    %swap3A_183 = arith.constant 3 : i32
    %swap3A_184 = arith.index_cast %swap3A_183 : i32 to index
    %swap3A_185 = arith.constant 80 : index
    %swap3A_186 = tpu.vector_load %arg8[%swap3A_184, %swap3A_185] {strides = array<i32>} : memref<128x128xf32, #tpu.memory_space<vmem>>, vector<1x16xf32>,
    %swap3A_187 = vector.shape_cast %swap3A_186 : vector<1x16xf32> to vector<16xf32>
    %swap3A_188 = vector.shape_cast %broadcast_in_dim3A_9 : vector<16xf32> to vector<1x16xf32>
    tpu.vector_store %arg8[%swap3A_184, %swap3A_185], %swap3A_188 {strides = array<i32>} : memref<128x128xf32, #tpu.memory_space<vmem>>, vector<1x16xf32>,
    %swap3A_189 = arith.constant 3 : i32
    %swap3A_190 = arith.index_cast %swap3A_189 : i32 to index
    %swap3A_191 = arith.constant 96 : index
    %swap3A_192 = tpu.vector_load %arg8[%swap3A_190, %swap3A_191] {strides = array<i32>} : memref<128x128xf32, #tpu.memory_space<vmem>>, vector<1x16xf32>,
    %swap3A_193 = vector.shape_cast %swap3A_192 : vector<1x16xf32> to vector<16xf32>
    %swap3A_194 = vector.shape_cast %broadcast_in_dim3A_9 : vector<16xf32> to vector<1x16xf32>
    tpu.vector_store %arg8[%swap3A_190, %swap3A_191], %swap3A_194 {strides = array<i32>} : memref<128x128xf32, #tpu.memory_space<vmem>>, vector<1x16xf32>,
    %swap3A_195 = arith.constant 3 : i32
    %swap3A_196 = arith.index_cast %swap3A_195 : i32 to index
    %swap3A_197 = arith.constant 112 : index
    %swap3A_198 = tpu.vector_load %arg8[%swap3A_196, %swap3A_197] {strides = array<i32>} : memref<128x128xf32, #tpu.memory_space<vmem>>, vector<1x16xf32>,
    %swap3A_199 = vector.shape_cast %swap3A_198 : vector<1x16xf32> to vector<16xf32>
    %swap3A_200 = vector.shape_cast %broadcast_in_dim3A_9 : vector<16xf32> to vector<1x16xf32>
    tpu.vector_store %arg8[%swap3A_196, %swap3A_197], %swap3A_200 {strides = array<i32>} : memref<128x128xf32, #tpu.memory_space<vmem>>, vector<1x16xf32>,
    %swap3A_201 = arith.constant 4 : i32
    %swap3A_202 = arith.index_cast %swap3A_201 : i32 to index
    %swap3A_203 = arith.constant 0 : index
    %swap3A_204 = tpu.vector_load %arg8[%swap3A_202, %swap3A_203] {strides = array<i32>} : memref<128x128xf32, #tpu.memory_space<vmem>>, vector<1x16xf32>,
    %swap3A_205 = vector.shape_cast %swap3A_204 : vector<1x16xf32> to vector<16xf32>
    %swap3A_206 = vector.shape_cast %broadcast_in_dim3A_9 : vector<16xf32> to vector<1x16xf32>
    tpu.vector_store %arg8[%swap3A_202, %swap3A_203], %swap3A_206 {strides = array<i32>} : memref<128x128xf32, #tpu.memory_space<vmem>>, vector<1x16xf32>,
    %swap3A_207 = arith.constant 4 : i32
    %swap3A_208 = arith.index_cast %swap3A_207 : i32 to index
    %swap3A_209 = arith.constant 16 : index
    %swap3A_210 = tpu.vector_load %arg8[%swap3A_208, %swap3A_209] {strides = array<i32>} : memref<128x128xf32, #tpu.memory_space<vmem>>, vector<1x16xf32>,
    %swap3A_211 = vector.shape_cast %swap3A_210 : vector<1x16xf32> to vector<16xf32>
    %swap3A_212 = vector.shape_cast %broadcast_in_dim3A_9 : vector<16xf32> to vector<1x16xf32>
    tpu.vector_store %arg8[%swap3A_208, %swap3A_209], %swap3A_212 {strides = array<i32>} : memref<128x128xf32, #tpu.memory_space<vmem>>, vector<1x16xf32>,
    %swap3A_213 = arith.constant 4 : i32
    %swap3A_214 = arith.index_cast %swap3A_213 : i32 to index
    %swap3A_215 = arith.constant 32 : index
    %swap3A_216 = tpu.vector_load %arg8[%swap3A_214, %swap3A_215] {strides = array<i32>} : memref<128x128xf32, #tpu.memory_space<vmem>>, vector<1x16xf32>,
    %swap3A_217 = vector.shape_cast %swap3A_216 : vector<1x16xf32> to vector<16xf32>
    %swap3A_218 = vector.shape_cast %broadcast_in_dim3A_9 : vector<16xf32> to vector<1x16xf32>
    tpu.vector_store %arg8[%swap3A_214, %swap3A_215], %swap3A_218 {strides = array<i32>} : memref<128x128xf32, #tpu.memory_space<vmem>>, vector<1x16xf32>,
    %swap3A_219 = arith.constant 4 : i32
    %swap3A_220 = arith.index_cast %swap3A_219 : i32 to index
    %swap3A_221 = arith.constant 48 : index
    %swap3A_222 = tpu.vector_load %arg8[%swap3A_220, %swap3A_221] {strides = array<i32>} : memref<128x128xf32, #tpu.memory_space<vmem>>, vector<1x16xf32>,
    %swap3A_223 = vector.shape_cast %swap3A_222 : vector<1x16xf32> to vector<16xf32>
    %swap3A_224 = vector.shape_cast %broadcast_in_dim3A_9 : vector<16xf32> to vector<1x16xf32>
    tpu.vector_store %arg8[%swap3A_220, %swap3A_221], %swap3A_224 {strides = array<i32>} : memref<128x128xf32, #tpu.memory_space<vmem>>, vector<1x16xf32>,
    %swap3A_225 = arith.constant 4 : i32
    %swap3A_226 = arith.index_cast %swap3A_225 : i32 to index
    %swap3A_227 = arith.constant 64 : index
    %swap3A_228 = tpu.vector_load %arg8[%swap3A_226, %swap3A_227] {strides = array<i32>} : memref<128x128xf32, #tpu.memory_space<vmem>>, vector<1x16xf32>,
    %swap3A_229 = vector.shape_cast %swap3A_228 : vector<1x16xf32> to vector<16xf32>
    %swap3A_230 = vector.shape_cast %broadcast_in_dim3A_9 : vector<16xf32> to vector<1x16xf32>
    tpu.vector_store %arg8[%swap3A_226, %swap3A_227], %swap3A_230 {strides = array<i32>} : memref<128x128xf32, #tpu.memory_space<vmem>>, vector<1x16xf32>,
    %swap3A_231 = arith.constant 4 : i32
    %swap3A_232 = arith.index_cast %swap3A_231 : i32 to index
    %swap3A_233 = arith.constant 80 : index
    %swap3A_234 = tpu.vector_load %arg8[%swap3A_232, %swap3A_233] {strides = array<i32>} : memref<128x128xf32, #tpu.memory_space<vmem>>, vector<1x16xf32>,
    %swap3A_235 = vector.shape_cast %swap3A_234 : vector<1x16xf32> to vector<16xf32>
    %swap3A_236 = vector.shape_cast %broadcast_in_dim3A_9 : vector<16xf32> to vector<1x16xf32>
    tpu.vector_store %arg8[%swap3A_232, %swap3A_233], %swap3A_236 {strides = array<i32>} : memref<128x128xf32, #tpu.memory_space<vmem>>, vector<1x16xf32>,
    %swap3A_237 = arith.constant 4 : i32
    %swap3A_238 = arith.index_cast %swap3A_237 : i32 to index
    %swap3A_239 = arith.constant 96 : index
    %swap3A_240 = tpu.vector_load %arg8[%swap3A_238, %swap3A_239] {strides = array<i32>} : memref<128x128xf32, #tpu.memory_space<vmem>>, vector<1x16xf32>,
    %swap3A_241 = vector.shape_cast %swap3A_240 : vector<1x16xf32> to vector<16xf32>
    %swap3A_242 = vector.shape_cast %broadcast_in_dim3A_9 : vector<16xf32> to vector<1x16xf32>
    tpu.vector_store %arg8[%swap3A_238, %swap3A_239], %swap3A_242 {strides = array<i32>} : memref<128x128xf32, #tpu.memory_space<vmem>>, vector<1x16xf32>,
    %swap3A_243 = arith.constant 4 : i32
    %swap3A_244 = arith.index_cast %swap3A_243 : i32 to index
    %swap3A_245 = arith.constant 112 : index
    %swap3A_246 = tpu.vector_load %arg8[%swap3A_244, %swap3A_245] {strides = array<i32>} : memref<128x128xf32, #tpu.memory_space<vmem>>, vector<1x16xf32>,
    %swap3A_247 = vector.shape_cast %swap3A_246 : vector<1x16xf32> to vector<16xf32>
    %swap3A_248 = vector.shape_cast %broadcast_in_dim3A_9 : vector<16xf32> to vector<1x16xf32>
    tpu.vector_store %arg8[%swap3A_244, %swap3A_245], %swap3A_248 {strides = array<i32>} : memref<128x128xf32, #tpu.memory_space<vmem>>, vector<1x16xf32>,
    %swap3A_249 = arith.constant 5 : i32
    %swap3A_250 = arith.index_cast %swap3A_249 : i32 to index
    %swap3A_251 = arith.constant 0 : index
    %swap3A_252 = tpu.vector_load %arg8[%swap3A_250, %swap3A_251] {strides = array<i32>} : memref<128x128xf32, #tpu.memory_space<vmem>>, vector<1x16xf32>,
    %swap3A_253 = vector.shape_cast %swap3A_252 : vector<1x16xf32> to vector<16xf32>
    %swap3A_254 = vector.shape_cast %broadcast_in_dim3A_9 : vector<16xf32> to vector<1x16xf32>
    tpu.vector_store %arg8[%swap3A_250, %swap3A_251], %swap3A_254 {strides = array<i32>} : memref<128x128xf32, #tpu.memory_space<vmem>>, vector<1x16xf32>,
    %swap3A_255 = arith.constant 5 : i32
    %swap3A_256 = arith.index_cast %swap3A_255 : i32 to index
    %swap3A_257 = arith.constant 16 : index
    %swap3A_258 = tpu.vector_load %arg8[%swap3A_256, %swap3A_257] {strides = array<i32>} : memref<128x128xf32, #tpu.memory_space<vmem>>, vector<1x16xf32>,
    %swap3A_259 = vector.shape_cast %swap3A_258 : vector<1x16xf32> to vector<16xf32>
    %swap3A_260 = vector.shape_cast %broadcast_in_dim3A_9 : vector<16xf32> to vector<1x16xf32>
    tpu.vector_store %arg8[%swap3A_256, %swap3A_257], %swap3A_260 {strides = array<i32>} : memref<128x128xf32, #tpu.memory_space<vmem>>, vector<1x16xf32>,
    %swap3A_261 = arith.constant 5 : i32
    %swap3A_262 = arith.index_cast %swap3A_261 : i32 to index
    %swap3A_263 = arith.constant 32 : index
    %swap3A_264 = tpu.vector_load %arg8[%swap3A_262, %swap3A_263] {strides = array<i32>} : memref<128x128xf32, #tpu.memory_space<vmem>>, vector<1x16xf32>,
    %swap3A_265 = vector.shape_cast %swap3A_264 : vector<1x16xf32> to vector<16xf32>
    %swap3A_266 = vector.shape_cast %broadcast_in_dim3A_9 : vector<16xf32> to vector<1x16xf32>
    tpu.vector_store %arg8[%swap3A_262, %swap3A_263], %swap3A_266 {strides = array<i32>} : memref<128x128xf32, #tpu.memory_space<vmem>>, vector<1x16xf32>,
    %swap3A_267 = arith.constant 5 : i32
    %swap3A_268 = arith.index_cast %swap3A_267 : i32 to index
    %swap3A_269 = arith.constant 48 : index
    %swap3A_270 = tpu.vector_load %arg8[%swap3A_268, %swap3A_269] {strides = array<i32>} : memref<128x128xf32, #tpu.memory_space<vmem>>, vector<1x16xf32>,
    %swap3A_271 = vector.shape_cast %swap3A_270 : vector<1x16xf32> to vector<16xf32>
    %swap3A_272 = vector.shape_cast %broadcast_in_dim3A_9 : vector<16xf32> to vector<1x16xf32>
    tpu.vector_store %arg8[%swap3A_268, %swap3A_269], %swap3A_272 {strides = array<i32>} : memref<128x128xf32, #tpu.memory_space<vmem>>, vector<1x16xf32>,
    %swap3A_273 = arith.constant 5 : i32
    %swap3A_274 = arith.index_cast %swap3A_273 : i32 to index
    %swap3A_275 = arith.constant 64 : index
    %swap3A_276 = tpu.vector_load %arg8[%swap3A_274, %swap3A_275] {strides = array<i32>} : memref<128x128xf32, #tpu.memory_space<vmem>>, vector<1x16xf32>,
    %swap3A_277 = vector.shape_cast %swap3A_276 : vector<1x16xf32> to vector<16xf32>
    %swap3A_278 = vector.shape_cast %broadcast_in_dim3A_9 : vector<16xf32> to vector<1x16xf32>
    tpu.vector_store %arg8[%swap3A_274, %swap3A_275], %swap3A_278 {strides = array<i32>} : memref<128x128xf32, #tpu.memory_space<vmem>>, vector<1x16xf32>,
    %swap3A_279 = arith.constant 5 : i32
    %swap3A_280 = arith.index_cast %swap3A_279 : i32 to index
    %swap3A_281 = arith.constant 80 : index
    %swap3A_282 = tpu.vector_load %arg8[%swap3A_280, %swap3A_281] {strides = array<i32>} : memref<128x128xf32, #tpu.memory_space<vmem>>, vector<1x16xf32>,
    %swap3A_283 = vector.shape_cast %swap3A_282 : vector<1x16xf32> to vector<16xf32>
    %swap3A_284 = vector.shape_cast %broadcast_in_dim3A_9 : vector<16xf32> to vector<1x16xf32>
    tpu.vector_store %arg8[%swap3A_280, %swap3A_281], %swap3A_284 {strides = array<i32>} : memref<128x128xf32, #tpu.memory_space<vmem>>, vector<1x16xf32>,
    %swap3A_285 = arith.constant 5 : i32
    %swap3A_286 = arith.index_cast %swap3A_285 : i32 to index
    %swap3A_287 = arith.constant 96 : index
    %swap3A_288 = tpu.vector_load %arg8[%swap3A_286, %swap3A_287] {strides = array<i32>} : memref<128x128xf32, #tpu.memory_space<vmem>>, vector<1x16xf32>,
    %swap3A_289 = vector.shape_cast %swap3A_288 : vector<1x16xf32> to vector<16xf32>
    %swap3A_290 = vector.shape_cast %broadcast_in_dim3A_9 : vector<16xf32> to vector<1x16xf32>
    tpu.vector_store %arg8[%swap3A_286, %swap3A_287], %swap3A_290 {strides = array<i32>} : memref<128x128xf32, #tpu.memory_space<vmem>>, vector<1x16xf32>,
    %swap3A_291 = arith.constant 5 : i32
    %swap3A_292 = arith.index_cast %swap3A_291 : i32 to index
    %swap3A_293 = arith.constant 112 : index
    %swap3A_294 = tpu.vector_load %arg8[%swap3A_292, %swap3A_293] {strides = array<i32>} : memref<128x128xf32, #tpu.memory_space<vmem>>, vector<1x16xf32>,
    %swap3A_295 = vector.shape_cast %swap3A_294 : vector<1x16xf32> to vector<16xf32>
    %swap3A_296 = vector.shape_cast %broadcast_in_dim3A_9 : vector<16xf32> to vector<1x16xf32>
    tpu.vector_store %arg8[%swap3A_292, %swap3A_293], %swap3A_296 {strides = array<i32>} : memref<128x128xf32, #tpu.memory_space<vmem>>, vector<1x16xf32>,
    %swap3A_297 = arith.constant 6 : i32
    %swap3A_298 = arith.index_cast %swap3A_297 : i32 to index
    %swap3A_299 = arith.constant 0 : index
    %swap3A_300 = tpu.vector_load %arg8[%swap3A_298, %swap3A_299] {strides = array<i32>} : memref<128x128xf32, #tpu.memory_space<vmem>>, vector<1x16xf32>,
    %swap3A_301 = vector.shape_cast %swap3A_300 : vector<1x16xf32> to vector<16xf32>
    %swap3A_302 = vector.shape_cast %broadcast_in_dim3A_9 : vector<16xf32> to vector<1x16xf32>
    tpu.vector_store %arg8[%swap3A_298, %swap3A_299], %swap3A_302 {strides = array<i32>} : memref<128x128xf32, #tpu.memory_space<vmem>>, vector<1x16xf32>,
    %swap3A_303 = arith.constant 6 : i32
    %swap3A_304 = arith.index_cast %swap3A_303 : i32 to index
    %swap3A_305 = arith.constant 16 : index
    %swap3A_306 = tpu.vector_load %arg8[%swap3A_304, %swap3A_305] {strides = array<i32>} : memref<128x128xf32, #tpu.memory_space<vmem>>, vector<1x16xf32>,
    %swap3A_307 = vector.shape_cast %swap3A_306 : vector<1x16xf32> to vector<16xf32>
    %swap3A_308 = vector.shape_cast %broadcast_in_dim3A_9 : vector<16xf32> to vector<1x16xf32>
    tpu.vector_store %arg8[%swap3A_304, %swap3A_305], %swap3A_308 {strides = array<i32>} : memref<128x128xf32, #tpu.memory_space<vmem>>, vector<1x16xf32>,
    %swap3A_309 = arith.constant 6 : i32
    %swap3A_310 = arith.index_cast %swap3A_309 : i32 to index
    %swap3A_311 = arith.constant 32 : index
    %swap3A_312 = tpu.vector_load %arg8[%swap3A_310, %swap3A_311] {strides = array<i32>} : memref<128x128xf32, #tpu.memory_space<vmem>>, vector<1x16xf32>,
    %swap3A_313 = vector.shape_cast %swap3A_312 : vector<1x16xf32> to vector<16xf32>
    %swap3A_314 = vector.shape_cast %broadcast_in_dim3A_9 : vector<16xf32> to vector<1x16xf32>
    tpu.vector_store %arg8[%swap3A_310, %swap3A_311], %swap3A_314 {strides = array<i32>} : memref<128x128xf32, #tpu.memory_space<vmem>>, vector<1x16xf32>,
    %swap3A_315 = arith.constant 6 : i32
    %swap3A_316 = arith.index_cast %swap3A_315 : i32 to index
    %swap3A_317 = arith.constant 48 : index
    %swap3A_318 = tpu.vector_load %arg8[%swap3A_316, %swap3A_317] {strides = array<i32>} : memref<128x128xf32, #tpu.memory_space<vmem>>, vector<1x16xf32>,
    %swap3A_319 = vector.shape_cast %swap3A_318 : vector<1x16xf32> to vector<16xf32>
    %swap3A_320 = vector.shape_cast %broadcast_in_dim3A_9 : vector<16xf32> to vector<1x16xf32>
    tpu.vector_store %arg8[%swap3A_316, %swap3A_317], %swap3A_320 {strides = array<i32>} : memref<128x128xf32, #tpu.memory_space<vmem>>, vector<1x16xf32>,
    %swap3A_321 = arith.constant 6 : i32
    %swap3A_322 = arith.index_cast %swap3A_321 : i32 to index
    %swap3A_323 = arith.constant 64 : index
    %swap3A_324 = tpu.vector_load %arg8[%swap3A_322, %swap3A_323] {strides = array<i32>} : memref<128x128xf32, #tpu.memory_space<vmem>>, vector<1x16xf32>,
    %swap3A_325 = vector.shape_cast %swap3A_324 : vector<1x16xf32> to vector<16xf32>
    %swap3A_326 = vector.shape_cast %broadcast_in_dim3A_9 : vector<16xf32> to vector<1x16xf32>
    tpu.vector_store %arg8[%swap3A_322, %swap3A_323], %swap3A_326 {strides = array<i32>} : memref<128x128xf32, #tpu.memory_space<vmem>>, vector<1x16xf32>,
    %swap3A_327 = arith.constant 6 : i32
    %swap3A_328 = arith.index_cast %swap3A_327 : i32 to index
    %swap3A_329 = arith.constant 80 : index
    %swap3A_330 = tpu.vector_load %arg8[%swap3A_328, %swap3A_329] {strides = array<i32>} : memref<128x128xf32, #tpu.memory_space<vmem>>, vector<1x16xf32>,
    %swap3A_331 = vector.shape_cast %swap3A_330 : vector<1x16xf32> to vector<16xf32>
    %swap3A_332 = vector.shape_cast %broadcast_in_dim3A_9 : vector<16xf32> to vector<1x16xf32>
    tpu.vector_store %arg8[%swap3A_328, %swap3A_329], %swap3A_332 {strides = array<i32>} : memref<128x128xf32, #tpu.memory_space<vmem>>, vector<1x16xf32>,
    %swap3A_333 = arith.constant 6 : i32
    %swap3A_334 = arith.index_cast %swap3A_333 : i32 to index
    %swap3A_335 = arith.constant 96 : index
    %swap3A_336 = tpu.vector_load %arg8[%swap3A_334, %swap3A_335] {strides = array<i32>} : memref<128x128xf32, #tpu.memory_space<vmem>>, vector<1x16xf32>,
    %swap3A_337 = vector.shape_cast %swap3A_336 : vector<1x16xf32> to vector<16xf32>
    %swap3A_338 = vector.shape_cast %broadcast_in_dim3A_9 : vector<16xf32> to vector<1x16xf32>
    tpu.vector_store %arg8[%swap3A_334, %swap3A_335], %swap3A_338 {strides = array<i32>} : memref<128x128xf32, #tpu.memory_space<vmem>>, vector<1x16xf32>,
    %swap3A_339 = arith.constant 6 : i32
    %swap3A_340 = arith.index_cast %swap3A_339 : i32 to index
    %swap3A_341 = arith.constant 112 : index
    %swap3A_342 = tpu.vector_load %arg8[%swap3A_340, %swap3A_341] {strides = array<i32>} : memref<128x128xf32, #tpu.memory_space<vmem>>, vector<1x16xf32>,
    %swap3A_343 = vector.shape_cast %swap3A_342 : vector<1x16xf32> to vector<16xf32>
    %swap3A_344 = vector.shape_cast %broadcast_in_dim3A_9 : vector<16xf32> to vector<1x16xf32>
    tpu.vector_store %arg8[%swap3A_340, %swap3A_341], %swap3A_344 {strides = array<i32>} : memref<128x128xf32, #tpu.memory_space<vmem>>, vector<1x16xf32>,
    %swap3A_345 = arith.constant 7 : i32
    %swap3A_346 = arith.index_cast %swap3A_345 : i32 to index
    %swap3A_347 = arith.constant 0 : index
    %swap3A_348 = tpu.vector_load %arg8[%swap3A_346, %swap3A_347] {strides = array<i32>} : memref<128x128xf32, #tpu.memory_space<vmem>>, vector<1x16xf32>,
    %swap3A_349 = vector.shape_cast %swap3A_348 : vector<1x16xf32> to vector<16xf32>
    %swap3A_350 = vector.shape_cast %broadcast_in_dim3A_9 : vector<16xf32> to vector<1x16xf32>
    tpu.vector_store %arg8[%swap3A_346, %swap3A_347], %swap3A_350 {strides = array<i32>} : memref<128x128xf32, #tpu.memory_space<vmem>>, vector<1x16xf32>,
    %swap3A_351 = arith.constant 7 : i32
    %swap3A_352 = arith.index_cast %swap3A_351 : i32 to index
    %swap3A_353 = arith.constant 16 : index
    %swap3A_354 = tpu.vector_load %arg8[%swap3A_352, %swap3A_353] {strides = array<i32>} : memref<128x128xf32, #tpu.memory_space<vmem>>, vector<1x16xf32>,
    %swap3A_355 = vector.shape_cast %swap3A_354 : vector<1x16xf32> to vector<16xf32>
    %swap3A_356 = vector.shape_cast %broadcast_in_dim3A_9 : vector<16xf32> to vector<1x16xf32>
    tpu.vector_store %arg8[%swap3A_352, %swap3A_353], %swap3A_356 {strides = array<i32>} : memref<128x128xf32, #tpu.memory_space<vmem>>, vector<1x16xf32>,
    %swap3A_357 = arith.constant 7 : i32
    %swap3A_358 = arith.index_cast %swap3A_357 : i32 to index
    %swap3A_359 = arith.constant 32 : index
    %swap3A_360 = tpu.vector_load %arg8[%swap3A_358, %swap3A_359] {strides = array<i32>} : memref<128x128xf32, #tpu.memory_space<vmem>>, vector<1x16xf32>,
    %swap3A_361 = vector.shape_cast %swap3A_360 : vector<1x16xf32> to vector<16xf32>
    %swap3A_362 = vector.shape_cast %broadcast_in_dim3A_9 : vector<16xf32> to vector<1x16xf32>
    tpu.vector_store %arg8[%swap3A_358, %swap3A_359], %swap3A_362 {strides = array<i32>} : memref<128x128xf32, #tpu.memory_space<vmem>>, vector<1x16xf32>,
    %swap3A_363 = arith.constant 7 : i32
    %swap3A_364 = arith.index_cast %swap3A_363 : i32 to index
    %swap3A_365 = arith.constant 48 : index
    %swap3A_366 = tpu.vector_load %arg8[%swap3A_364, %swap3A_365] {strides = array<i32>} : memref<128x128xf32, #tpu.memory_space<vmem>>, vector<1x16xf32>,
    %swap3A_367 = vector.shape_cast %swap3A_366 : vector<1x16xf32> to vector<16xf32>
    %swap3A_368 = vector.shape_cast %broadcast_in_dim3A_9 : vector<16xf32> to vector<1x16xf32>
    tpu.vector_store %arg8[%swap3A_364, %swap3A_365], %swap3A_368 {strides = array<i32>} : memref<128x128xf32, #tpu.memory_space<vmem>>, vector<1x16xf32>,
    %swap3A_369 = arith.constant 7 : i32
    %swap3A_370 = arith.index_cast %swap3A_369 : i32 to index
    %swap3A_371 = arith.constant 64 : index
    %swap3A_372 = tpu.vector_load %arg8[%swap3A_370, %swap3A_371] {strides = array<i32>} : memref<128x128xf32, #tpu.memory_space<vmem>>, vector<1x16xf32>,
    %swap3A_373 = vector.shape_cast %swap3A_372 : vector<1x16xf32> to vector<16xf32>
    %swap3A_374 = vector.shape_cast %broadcast_in_dim3A_9 : vector<16xf32> to vector<1x16xf32>
    tpu.vector_store %arg8[%swap3A_370, %swap3A_371], %swap3A_374 {strides = array<i32>} : memref<128x128xf32, #tpu.memory_space<vmem>>, vector<1x16xf32>,
    %swap3A_375 = arith.constant 7 : i32
    %swap3A_376 = arith.index_cast %swap3A_375 : i32 to index
    %swap3A_377 = arith.constant 80 : index
    %swap3A_378 = tpu.vector_load %arg8[%swap3A_376, %swap3A_377] {strides = array<i32>} : memref<128x128xf32, #tpu.memory_space<vmem>>, vector<1x16xf32>,
    %swap3A_379 = vector.shape_cast %swap3A_378 : vector<1x16xf32> to vector<16xf32>
    %swap3A_380 = vector.shape_cast %broadcast_in_dim3A_9 : vector<16xf32> to vector<1x16xf32>
    tpu.vector_store %arg8[%swap3A_376, %swap3A_377], %swap3A_380 {strides = array<i32>} : memref<128x128xf32, #tpu.memory_space<vmem>>, vector<1x16xf32>,
    %swap3A_381 = arith.constant 7 : i32
    %swap3A_382 = arith.index_cast %swap3A_381 : i32 to index
    %swap3A_383 = arith.constant 96 : index
    %swap3A_384 = tpu.vector_load %arg8[%swap3A_382, %swap3A_383] {strides = array<i32>} : memref<128x128xf32, #tpu.memory_space<vmem>>, vector<1x16xf32>,
    %swap3A_385 = vector.shape_cast %swap3A_384 : vector<1x16xf32> to vector<16xf32>
    %swap3A_386 = vector.shape_cast %broadcast_in_dim3A_9 : vector<16xf32> to vector<1x16xf32>
    tpu.vector_store %arg8[%swap3A_382, %swap3A_383], %swap3A_386 {strides = array<i32>} : memref<128x128xf32, #tpu.memory_space<vmem>>, vector<1x16xf32>,
    %swap3A_387 = arith.constant 7 : i32
    %swap3A_388 = arith.index_cast %swap3A_387 : i32 to index
    %swap3A_389 = arith.constant 112 : index
    %swap3A_390 = tpu.vector_load %arg8[%swap3A_388, %swap3A_389] {strides = array<i32>} : memref<128x128xf32, #tpu.memory_space<vmem>>, vector<1x16xf32>,
    %swap3A_391 = vector.shape_cast %swap3A_390 : vector<1x16xf32> to vector<16xf32>
    %swap3A_392 = vector.shape_cast %broadcast_in_dim3A_9 : vector<16xf32> to vector<1x16xf32>
    tpu.vector_store %arg8[%swap3A_388, %swap3A_389], %swap3A_392 {strides = array<i32>} : memref<128x128xf32, #tpu.memory_space<vmem>>, vector<1x16xf32>,
    %swap3A_393 = arith.constant 8 : i32
    %swap3A_394 = arith.index_cast %swap3A_393 : i32 to index
    %swap3A_395 = arith.constant 0 : index
    %swap3A_396 = tpu.vector_load %arg8[%swap3A_394, %swap3A_395] {strides = array<i32>} : memref<128x128xf32, #tpu.memory_space<vmem>>, vector<1x16xf32>,
    %swap3A_397 = vector.shape_cast %swap3A_396 : vector<1x16xf32> to vector<16xf32>
    %swap3A_398 = vector.shape_cast %broadcast_in_dim3A_9 : vector<16xf32> to vector<1x16xf32>
    tpu.vector_store %arg8[%swap3A_394, %swap3A_395], %swap3A_398 {strides = array<i32>} : memref<128x128xf32, #tpu.memory_space<vmem>>, vector<1x16xf32>,
    %swap3A_399 = arith.constant 8 : i32
    %swap3A_400 = arith.index_cast %swap3A_399 : i32 to index
    %swap3A_401 = arith.constant 16 : index
    %swap3A_402 = tpu.vector_load %arg8[%swap3A_400, %swap3A_401] {strides = array<i32>} : memref<128x128xf32, #tpu.memory_space<vmem>>, vector<1x16xf32>,
    %swap3A_403 = vector.shape_cast %swap3A_402 : vector<1x16xf32> to vector<16xf32>
    %swap3A_404 = vector.shape_cast %broadcast_in_dim3A_9 : vector<16xf32> to vector<1x16xf32>
    tpu.vector_store %arg8[%swap3A_400, %swap3A_401], %swap3A_404 {strides = array<i32>} : memref<128x128xf32, #tpu.memory_space<vmem>>, vector<1x16xf32>,
    %swap3A_405 = arith.constant 8 : i32
    %swap3A_406 = arith.index_cast %swap3A_405 : i32 to index
    %swap3A_407 = arith.constant 32 : index
    %swap3A_408 = tpu.vector_load %arg8[%swap3A_406, %swap3A_407] {strides = array<i32>} : memref<128x128xf32, #tpu.memory_space<vmem>>, vector<1x16xf32>,
    %swap3A_409 = vector.shape_cast %swap3A_408 : vector<1x16xf32> to vector<16xf32>
    %swap3A_410 = vector.shape_cast %broadcast_in_dim3A_9 : vector<16xf32> to vector<1x16xf32>
    tpu.vector_store %arg8[%swap3A_406, %swap3A_407], %swap3A_410 {strides = array<i32>} : memref<128x128xf32, #tpu.memory_space<vmem>>, vector<1x16xf32>,
    %swap3A_411 = arith.constant 8 : i32
    %swap3A_412 = arith.index_cast %swap3A_411 : i32 to index
    %swap3A_413 = arith.constant 48 : index
    %swap3A_414 = tpu.vector_load %arg8[%swap3A_412, %swap3A_413] {strides = array<i32>} : memref<128x128xf32, #tpu.memory_space<vmem>>, vector<1x16xf32>,
    %swap3A_415 = vector.shape_cast %swap3A_414 : vector<1x16xf32> to vector<16xf32>
    %swap3A_416 = vector.shape_cast %broadcast_in_dim3A_9 : vector<16xf32> to vector<1x16xf32>
    tpu.vector_store %arg8[%swap3A_412, %swap3A_413], %swap3A_416 {strides = array<i32>} : memref<128x128xf32, #tpu.memory_space<vmem>>, vector<1x16xf32>,
    %swap3A_417 = arith.constant 8 : i32
    %swap3A_418 = arith.index_cast %swap3A_417 : i32 to index
    %swap3A_419 = arith.constant 64 : index
    %swap3A_420 = tpu.vector_load %arg8[%swap3A_418, %swap3A_419] {strides = array<i32>} : memref<128x128xf32, #tpu.memory_space<vmem>>, vector<1x16xf32>,
    %swap3A_421 = vector.shape_cast %swap3A_420 : vector<1x16xf32> to vector<16xf32>
    %swap3A_422 = vector.shape_cast %broadcast_in_dim3A_9 : vector<16xf32> to vector<1x16xf32>
    tpu.vector_store %arg8[%swap3A_418, %swap3A_419], %swap3A_422 {strides = array<i32>} : memref<128x128xf32, #tpu.memory_space<vmem>>, vector<1x16xf32>,
    %swap3A_423 = arith.constant 8 : i32
    %swap3A_424 = arith.index_cast %swap3A_423 : i32 to index
    %swap3A_425 = arith.constant 80 : index
    %swap3A_426 = tpu.vector_load %arg8[%swap3A_424, %swap3A_425] {strides = array<i32>} : memref<128x128xf32, #tpu.memory_space<vmem>>, vector<1x16xf32>,
    %swap3A_427 = vector.shape_cast %swap3A_426 : vector<1x16xf32> to vector<16xf32>
    %swap3A_428 = vector.shape_cast %broadcast_in_dim3A_9 : vector<16xf32> to vector<1x16xf32>
    tpu.vector_store %arg8[%swap3A_424, %swap3A_425], %swap3A_428 {strides = array<i32>} : memref<128x128xf32, #tpu.memory_space<vmem>>, vector<1x16xf32>,
    %swap3A_429 = arith.constant 8 : i32
    %swap3A_430 = arith.index_cast %swap3A_429 : i32 to index
    %swap3A_431 = arith.constant 96 : index
    %swap3A_432 = tpu.vector_load %arg8[%swap3A_430, %swap3A_431] {strides = array<i32>} : memref<128x128xf32, #tpu.memory_space<vmem>>, vector<1x16xf32>,
    %swap3A_433 = vector.shape_cast %swap3A_432 : vector<1x16xf32> to vector<16xf32>
    %swap3A_434 = vector.shape_cast %broadcast_in_dim3A_9 : vector<16xf32> to vector<1x16xf32>
    tpu.vector_store %arg8[%swap3A_430, %swap3A_431], %swap3A_434 {strides = array<i32>} : memref<128x128xf32, #tpu.memory_space<vmem>>, vector<1x16xf32>,
    %swap3A_435 = arith.constant 8 : i32
    %swap3A_436 = arith.index_cast %swap3A_435 : i32 to index
    %swap3A_437 = arith.constant 112 : index
    %swap3A_438 = tpu.vector_load %arg8[%swap3A_436, %swap3A_437] {strides = array<i32>} : memref<128x128xf32, #tpu.memory_space<vmem>>, vector<1x16xf32>,
    %swap3A_439 = vector.shape_cast %swap3A_438 : vector<1x16xf32> to vector<16xf32>
    %swap3A_440 = vector.shape_cast %broadcast_in_dim3A_9 : vector<16xf32> to vector<1x16xf32>
    tpu.vector_store %arg8[%swap3A_436, %swap3A_437], %swap3A_440 {strides = array<i32>} : memref<128x128xf32, #tpu.memory_space<vmem>>, vector<1x16xf32>,
    %swap3A_441 = arith.constant 9 : i32
    %swap3A_442 = arith.index_cast %swap3A_441 : i32 to index
    %swap3A_443 = arith.constant 0 : index
    %swap3A_444 = tpu.vector_load %arg8[%swap3A_442, %swap3A_443] {strides = array<i32>} : memref<128x128xf32, #tpu.memory_space<vmem>>, vector<1x16xf32>,
    %swap3A_445 = vector.shape_cast %swap3A_444 : vector<1x16xf32> to vector<16xf32>
    %swap3A_446 = vector.shape_cast %broadcast_in_dim3A_9 : vector<16xf32> to vector<1x16xf32>
    tpu.vector_store %arg8[%swap3A_442, %swap3A_443], %swap3A_446 {strides = array<i32>} : memref<128x128xf32, #tpu.memory_space<vmem>>, vector<1x16xf32>,
    %swap3A_447 = arith.constant 9 : i32
    %swap3A_448 = arith.index_cast %swap3A_447 : i32 to index
    %swap3A_449 = arith.constant 16 : index
    %swap3A_450 = tpu.vector_load %arg8[%swap3A_448, %swap3A_449] {strides = array<i32>} : memref<128x128xf32, #tpu.memory_space<vmem>>, vector<1x16xf32>,
    %swap3A_451 = vector.shape_cast %swap3A_450 : vector<1x16xf32> to vector<16xf32>
    %swap3A_452 = vector.shape_cast %broadcast_in_dim3A_9 : vector<16xf32> to vector<1x16xf32>
    tpu.vector_store %arg8[%swap3A_448, %swap3A_449], %swap3A_452 {strides = array<i32>} : memref<128x128xf32, #tpu.memory_space<vmem>>, vector<1x16xf32>,
    %swap3A_453 = arith.constant 9 : i32
    %swap3A_454 = arith.index_cast %swap3A_453 : i32 to index
    %swap3A_455 = arith.constant 32 : index
    %swap3A_456 = tpu.vector_load %arg8[%swap3A_454, %swap3A_455] {strides = array<i32>} : memref<128x128xf32, #tpu.memory_space<vmem>>, vector<1x16xf32>,
    %swap3A_457 = vector.shape_cast %swap3A_456 : vector<1x16xf32> to vector<16xf32>
    %swap3A_458 = vector.shape_cast %broadcast_in_dim3A_9 : vector<16xf32> to vector<1x16xf32>
    tpu.vector_store %arg8[%swap3A_454, %swap3A_455], %swap3A_458 {strides = array<i32>} : memref<128x128xf32, #tpu.memory_space<vmem>>, vector<1x16xf32>,
    %swap3A_459 = arith.constant 9 : i32
    %swap3A_460 = arith.index_cast %swap3A_459 : i32 to index
    %swap3A_461 = arith.constant 48 : index
    %swap3A_462 = tpu.vector_load %arg8[%swap3A_460, %swap3A_461] {strides = array<i32>} : memref<128x128xf32, #tpu.memory_space<vmem>>, vector<1x16xf32>,
    %swap3A_463 = vector.shape_cast %swap3A_462 : vector<1x16xf32> to vector<16xf32>
    %swap3A_464 = vector.shape_cast %broadcast_in_dim3A_9 : vector<16xf32> to vector<1x16xf32>
    tpu.vector_store %arg8[%swap3A_460, %swap3A_461], %swap3A_464 {strides = array<i32>} : memref<128x128xf32, #tpu.memory_space<vmem>>, vector<1x16xf32>,
    %swap3A_465 = arith.constant 9 : i32
    %swap3A_466 = arith.index_cast %swap3A_465 : i32 to index
    %swap3A_467 = arith.constant 64 : index
    %swap3A_468 = tpu.vector_load %arg8[%swap3A_466, %swap3A_467] {strides = array<i32>} : memref<128x128xf32, #tpu.memory_space<vmem>>, vector<1x16xf32>,
    %swap3A_469 = vector.shape_cast %swap3A_468 : vector<1x16xf32> to vector<16xf32>
    %swap3A_470 = vector.shape_cast %broadcast_in_dim3A_9 : vector<16xf32> to vector<1x16xf32>
    tpu.vector_store %arg8[%swap3A_466, %swap3A_467], %swap3A_470 {strides = array<i32>} : memref<128x128xf32, #tpu.memory_space<vmem>>, vector<1x16xf32>,
    %swap3A_471 = arith.constant 9 : i32
    %swap3A_472 = arith.index_cast %swap3A_471 : i32 to index
    %swap3A_473 = arith.constant 80 : index
    %swap3A_474 = tpu.vector_load %arg8[%swap3A_472, %swap3A_473] {strides = array<i32>} : memref<128x128xf32, #tpu.memory_space<vmem>>, vector<1x16xf32>,
    %swap3A_475 = vector.shape_cast %swap3A_474 : vector<1x16xf32> to vector<16xf32>
    %swap3A_476 = vector.shape_cast %broadcast_in_dim3A_9 : vector<16xf32> to vector<1x16xf32>
    tpu.vector_store %arg8[%swap3A_472, %swap3A_473], %swap3A_476 {strides = array<i32>} : memref<128x128xf32, #tpu.memory_space<vmem>>, vector<1x16xf32>,
    %swap3A_477 = arith.constant 9 : i32
    %swap3A_478 = arith.index_cast %swap3A_477 : i32 to index
    %swap3A_479 = arith.constant 96 : index
    %swap3A_480 = tpu.vector_load %arg8[%swap3A_478, %swap3A_479] {strides = array<i32>} : memref<128x128xf32, #tpu.memory_space<vmem>>, vector<1x16xf32>,
    %swap3A_481 = vector.shape_cast %swap3A_480 : vector<1x16xf32> to vector<16xf32>
    %swap3A_482 = vector.shape_cast %broadcast_in_dim3A_9 : vector<16xf32> to vector<1x16xf32>
    tpu.vector_store %arg8[%swap3A_478, %swap3A_479], %swap3A_482 {strides = array<i32>} : memref<128x128xf32, #tpu.memory_space<vmem>>, vector<1x16xf32>,
    %swap3A_483 = arith.constant 9 : i32
    %swap3A_484 = arith.index_cast %swap3A_483 : i32 to index
    %swap3A_485 = arith.constant 112 : index
    %swap3A_486 = tpu.vector_load %arg8[%swap3A_484, %swap3A_485] {strides = array<i32>} : memref<128x128xf32, #tpu.memory_space<vmem>>, vector<1x16xf32>,
    %swap3A_487 = vector.shape_cast %swap3A_486 : vector<1x16xf32> to vector<16xf32>
    %swap3A_488 = vector.shape_cast %broadcast_in_dim3A_9 : vector<16xf32> to vector<1x16xf32>
    tpu.vector_store %arg8[%swap3A_484, %swap3A_485], %swap3A_488 {strides = array<i32>} : memref<128x128xf32, #tpu.memory_space<vmem>>, vector<1x16xf32>,
    %swap3A_489 = arith.constant 10 : i32
    %swap3A_490 = arith.index_cast %swap3A_489 : i32 to index
    %swap3A_491 = arith.constant 0 : index
    %swap3A_492 = tpu.vector_load %arg8[%swap3A_490, %swap3A_491] {strides = array<i32>} : memref<128x128xf32, #tpu.memory_space<vmem>>, vector<1x16xf32>,
    %swap3A_493 = vector.shape_cast %swap3A_492 : vector<1x16xf32> to vector<16xf32>
    %swap3A_494 = vector.shape_cast %broadcast_in_dim3A_9 : vector<16xf32> to vector<1x16xf32>
    tpu.vector_store %arg8[%swap3A_490, %swap3A_491], %swap3A_494 {strides = array<i32>} : memref<128x128xf32, #tpu.memory_space<vmem>>, vector<1x16xf32>,
    %swap3A_495 = arith.constant 10 : i32
    %swap3A_496 = arith.index_cast %swap3A_495 : i32 to index
    %swap3A_497 = arith.constant 16 : index
    %swap3A_498 = tpu.vector_load %arg8[%swap3A_496, %swap3A_497] {strides = array<i32>} : memref<128x128xf32, #tpu.memory_space<vmem>>, vector<1x16xf32>,
    %swap3A_499 = vector.shape_cast %swap3A_498 : vector<1x16xf32> to vector<16xf32>
    %swap3A_500 = vector.shape_cast %broadcast_in_dim3A_9 : vector<16xf32> to vector<1x16xf32>
    tpu.vector_store %arg8[%swap3A_496, %swap3A_497], %swap3A_500 {strides = array<i32>} : memref<128x128xf32, #tpu.memory_space<vmem>>, vector<1x16xf32>,
    %swap3A_501 = arith.constant 10 : i32
    %swap3A_502 = arith.index_cast %swap3A_501 : i32 to index
    %swap3A_503 = arith.constant 32 : index
    %swap3A_504 = tpu.vector_load %arg8[%swap3A_502, %swap3A_503] {strides = array<i32>} : memref<128x128xf32, #tpu.memory_space<vmem>>, vector<1x16xf32>,
    %swap3A_505 = vector.shape_cast %swap3A_504 : vector<1x16xf32> to vector<16xf32>
    %swap3A_506 = vector.shape_cast %broadcast_in_dim3A_9 : vector<16xf32> to vector<1x16xf32>
    tpu.vector_store %arg8[%swap3A_502, %swap3A_503], %swap3A_506 {strides = array<i32>} : memref<128x128xf32, #tpu.memory_space<vmem>>, vector<1x16xf32>,
    %swap3A_507 = arith.constant 10 : i32
    %swap3A_508 = arith.index_cast %swap3A_507 : i32 to index
    %swap3A_509 = arith.constant 48 : index
    %swap3A_510 = tpu.vector_load %arg8[%swap3A_508, %swap3A_509] {strides = array<i32>} : memref<128x128xf32, #tpu.memory_space<vmem>>, vector<1x16xf32>,
    %swap3A_511 = vector.shape_cast %swap3A_510 : vector<1x16xf32> to vector<16xf32>
    %swap3A_512 = vector.shape_cast %broadcast_in_dim3A_9 : vector<16xf32> to vector<1x16xf32>
    tpu.vector_store %arg8[%swap3A_508, %swap3A_509], %swap3A_512 {strides = array<i32>} : memref<128x128xf32, #tpu.memory_space<vmem>>, vector<1x16xf32>,
    %swap3A_513 = arith.constant 10 : i32
    %swap3A_514 = arith.index_cast %swap3A_513 : i32 to index
    %swap3A_515 = arith.constant 64 : index
    %swap3A_516 = tpu.vector_load %arg8[%swap3A_514, %swap3A_515] {strides = array<i32>} : memref<128x128xf32, #tpu.memory_space<vmem>>, vector<1x16xf32>,
    %swap3A_517 = vector.shape_cast %swap3A_516 : vector<1x16xf32> to vector<16xf32>
    %swap3A_518 = vector.shape_cast %broadcast_in_dim3A_9 : vector<16xf32> to vector<1x16xf32>
    tpu.vector_store %arg8[%swap3A_514, %swap3A_515], %swap3A_518 {strides = array<i32>} : memref<128x128xf32, #tpu.memory_space<vmem>>, vector<1x16xf32>,
    %swap3A_519 = arith.constant 10 : i32
    %swap3A_520 = arith.index_cast %swap3A_519 : i32 to index
    %swap3A_521 = arith.constant 80 : index
    %swap3A_522 = tpu.vector_load %arg8[%swap3A_520, %swap3A_521] {strides = array<i32>} : memref<128x128xf32, #tpu.memory_space<vmem>>, vector<1x16xf32>,
    %swap3A_523 = vector.shape_cast %swap3A_522 : vector<1x16xf32> to vector<16xf32>
    %swap3A_524 = vector.shape_cast %broadcast_in_dim3A_9 : vector<16xf32> to vector<1x16xf32>
    tpu.vector_store %arg8[%swap3A_520, %swap3A_521], %swap3A_524 {strides = array<i32>} : memref<128x128xf32, #tpu.memory_space<vmem>>, vector<1x16xf32>,
    %swap3A_525 = arith.constant 10 : i32
    %swap3A_526 = arith.index_cast %swap3A_525 : i32 to index
    %swap3A_527 = arith.constant 96 : index
    %swap3A_528 = tpu.vector_load %arg8[%swap3A_526, %swap3A_527] {strides = array<i32>} : memref<128x128xf32, #tpu.memory_space<vmem>>, vector<1x16xf32>,
    %swap3A_529 = vector.shape_cast %swap3A_528 : vector<1x16xf32> to vector<16xf32>
    %swap3A_530 = vector.shape_cast %broadcast_in_dim3A_9 : vector<16xf32> to vector<1x16xf32>
    tpu.vector_store %arg8[%swap3A_526, %swap3A_527], %swap3A_530 {strides = array<i32>} : memref<128x128xf32, #tpu.memory_space<vmem>>, vector<1x16xf32>,
    %swap3A_531 = arith.constant 10 : i32
    %swap3A_532 = arith.index_cast %swap3A_531 : i32 to index
    %swap3A_533 = arith.constant 112 : index
    %swap3A_534 = tpu.vector_load %arg8[%swap3A_532, %swap3A_533] {strides = array<i32>} : memref<128x128xf32, #tpu.memory_space<vmem>>, vector<1x16xf32>,
    %swap3A_535 = vector.shape_cast %swap3A_534 : vector<1x16xf32> to vector<16xf32>
    %swap3A_536 = vector.shape_cast %broadcast_in_dim3A_9 : vector<16xf32> to vector<1x16xf32>
    tpu.vector_store %arg8[%swap3A_532, %swap3A_533], %swap3A_536 {strides = array<i32>} : memref<128x128xf32, #tpu.memory_space<vmem>>, vector<1x16xf32>,
    %swap3A_537 = arith.constant 11 : i32
    %swap3A_538 = arith.index_cast %swap3A_537 : i32 to index
    %swap3A_539 = arith.constant 0 : index
    %swap3A_540 = tpu.vector_load %arg8[%swap3A_538, %swap3A_539] {strides = array<i32>} : memref<128x128xf32, #tpu.memory_space<vmem>>, vector<1x16xf32>,
    %swap3A_541 = vector.shape_cast %swap3A_540 : vector<1x16xf32> to vector<16xf32>
    %swap3A_542 = vector.shape_cast %broadcast_in_dim3A_9 : vector<16xf32> to vector<1x16xf32>
    tpu.vector_store %arg8[%swap3A_538, %swap3A_539], %swap3A_542 {strides = array<i32>} : memref<128x128xf32, #tpu.memory_space<vmem>>, vector<1x16xf32>,
    %swap3A_543 = arith.constant 11 : i32
    %swap3A_544 = arith.index_cast %swap3A_543 : i32 to index
    %swap3A_545 = arith.constant 16 : index
    %swap3A_546 = tpu.vector_load %arg8[%swap3A_544, %swap3A_545] {strides = array<i32>} : memref<128x128xf32, #tpu.memory_space<vmem>>, vector<1x16xf32>,
    %swap3A_547 = vector.shape_cast %swap3A_546 : vector<1x16xf32> to vector<16xf32>
    %swap3A_548 = vector.shape_cast %broadcast_in_dim3A_9 : vector<16xf32> to vector<1x16xf32>
    tpu.vector_store %arg8[%swap3A_544, %swap3A_545], %swap3A_548 {strides = array<i32>} : memref<128x128xf32, #tpu.memory_space<vmem>>, vector<1x16xf32>,
    %swap3A_549 = arith.constant 11 : i32
    %swap3A_550 = arith.index_cast %swap3A_549 : i32 to index
    %swap3A_551 = arith.constant 32 : index
    %swap3A_552 = tpu.vector_load %arg8[%swap3A_550, %swap3A_551] {strides = array<i32>} : memref<128x128xf32, #tpu.memory_space<vmem>>, vector<1x16xf32>,
    %swap3A_553 = vector.shape_cast %swap3A_552 : vector<1x16xf32> to vector<16xf32>
    %swap3A_554 = vector.shape_cast %broadcast_in_dim3A_9 : vector<16xf32> to vector<1x16xf32>
    tpu.vector_store %arg8[%swap3A_550, %swap3A_551], %swap3A_554 {strides = array<i32>} : memref<128x128xf32, #tpu.memory_space<vmem>>, vector<1x16xf32>,
    %swap3A_555 = arith.constant 11 : i32
    %swap3A_556 = arith.index_cast %swap3A_555 : i32 to index
    %swap3A_557 = arith.constant 48 : index
    %swap3A_558 = tpu.vector_load %arg8[%swap3A_556, %swap3A_557] {strides = array<i32>} : memref<128x128xf32, #tpu.memory_space<vmem>>, vector<1x16xf32>,
    %swap3A_559 = vector.shape_cast %swap3A_558 : vector<1x16xf32> to vector<16xf32>
    %swap3A_560 = vector.shape_cast %broadcast_in_dim3A_9 : vector<16xf32> to vector<1x16xf32>
    tpu.vector_store %arg8[%swap3A_556, %swap3A_557], %swap3A_560 {strides = array<i32>} : memref<128x128xf32, #tpu.memory_space<vmem>>, vector<1x16xf32>,
    %swap3A_561 = arith.constant 11 : i32
    %swap3A_562 = arith.index_cast %swap3A_561 : i32 to index
    %swap3A_563 = arith.constant 64 : index
    %swap3A_564 = tpu.vector_load %arg8[%swap3A_562, %swap3A_563] {strides = array<i32>} : memref<128x128xf32, #tpu.memory_space<vmem>>, vector<1x16xf32>,
    %swap3A_565 = vector.shape_cast %swap3A_564 : vector<1x16xf32> to vector<16xf32>
    %swap3A_566 = vector.shape_cast %broadcast_in_dim3A_9 : vector<16xf32> to vector<1x16xf32>
    tpu.vector_store %arg8[%swap3A_562, %swap3A_563], %swap3A_566 {strides = array<i32>} : memref<128x128xf32, #tpu.memory_space<vmem>>, vector<1x16xf32>,
    %swap3A_567 = arith.constant 11 : i32
    %swap3A_568 = arith.index_cast %swap3A_567 : i32 to index
    %swap3A_569 = arith.constant 80 : index
    %swap3A_570 = tpu.vector_load %arg8[%swap3A_568, %swap3A_569] {strides = array<i32>} : memref<128x128xf32, #tpu.memory_space<vmem>>, vector<1x16xf32>,
    %swap3A_571 = vector.shape_cast %swap3A_570 : vector<1x16xf32> to vector<16xf32>
    %swap3A_572 = vector.shape_cast %broadcast_in_dim3A_9 : vector<16xf32> to vector<1x16xf32>
    tpu.vector_store %arg8[%swap3A_568, %swap3A_569], %swap3A_572 {strides = array<i32>} : memref<128x128xf32, #tpu.memory_space<vmem>>, vector<1x16xf32>,
    %swap3A_573 = arith.constant 11 : i32
    %swap3A_574 = arith.index_cast %swap3A_573 : i32 to index
    %swap3A_575 = arith.constant 96 : index
    %swap3A_576 = tpu.vector_load %arg8[%swap3A_574, %swap3A_575] {strides = array<i32>} : memref<128x128xf32, #tpu.memory_space<vmem>>, vector<1x16xf32>,
    %swap3A_577 = vector.shape_cast %swap3A_576 : vector<1x16xf32> to vector<16xf32>
    %swap3A_578 = vector.shape_cast %broadcast_in_dim3A_9 : vector<16xf32> to vector<1x16xf32>
    tpu.vector_store %arg8[%swap3A_574, %swap3A_575], %swap3A_578 {strides = array<i32>} : memref<128x128xf32, #tpu.memory_space<vmem>>, vector<1x16xf32>,
    %swap3A_579 = arith.constant 11 : i32
    %swap3A_580 = arith.index_cast %swap3A_579 : i32 to index
    %swap3A_581 = arith.constant 112 : index
    %swap3A_582 = tpu.vector_load %arg8[%swap3A_580, %swap3A_581] {strides = array<i32>} : memref<128x128xf32, #tpu.memory_space<vmem>>, vector<1x16xf32>,
    %swap3A_583 = vector.shape_cast %swap3A_582 : vector<1x16xf32> to vector<16xf32>
    %swap3A_584 = vector.shape_cast %broadcast_in_dim3A_9 : vector<16xf32> to vector<1x16xf32>
    tpu.vector_store %arg8[%swap3A_580, %swap3A_581], %swap3A_584 {strides = array<i32>} : memref<128x128xf32, #tpu.memory_space<vmem>>, vector<1x16xf32>,
    %swap3A_585 = arith.constant 12 : i32
    %swap3A_586 = arith.index_cast %swap3A_585 : i32 to index
    %swap3A_587 = arith.constant 0 : index
    %swap3A_588 = tpu.vector_load %arg8[%swap3A_586, %swap3A_587] {strides = array<i32>} : memref<128x128xf32, #tpu.memory_space<vmem>>, vector<1x16xf32>,
    %swap3A_589 = vector.shape_cast %swap3A_588 : vector<1x16xf32> to vector<16xf32>
    %swap3A_590 = vector.shape_cast %broadcast_in_dim3A_9 : vector<16xf32> to vector<1x16xf32>
    tpu.vector_store %arg8[%swap3A_586, %swap3A_587], %swap3A_590 {strides = array<i32>} : memref<128x128xf32, #tpu.memory_space<vmem>>, vector<1x16xf32>,
    %swap3A_591 = arith.constant 12 : i32
    %swap3A_592 = arith.index_cast %swap3A_591 : i32 to index
    %swap3A_593 = arith.constant 16 : index
    %swap3A_594 = tpu.vector_load %arg8[%swap3A_592, %swap3A_593] {strides = array<i32>} : memref<128x128xf32, #tpu.memory_space<vmem>>, vector<1x16xf32>,
    %swap3A_595 = vector.shape_cast %swap3A_594 : vector<1x16xf32> to vector<16xf32>
    %swap3A_596 = vector.shape_cast %broadcast_in_dim3A_9 : vector<16xf32> to vector<1x16xf32>
    tpu.vector_store %arg8[%swap3A_592, %swap3A_593], %swap3A_596 {strides = array<i32>} : memref<128x128xf32, #tpu.memory_space<vmem>>, vector<1x16xf32>,
    %swap3A_597 = arith.constant 12 : i32
    %swap3A_598 = arith.index_cast %swap3A_597 : i32 to index
    %swap3A_599 = arith.constant 32 : index
    %swap3A_600 = tpu.vector_load %arg8[%swap3A_598, %swap3A_599] {strides = array<i32>} : memref<128x128xf32, #tpu.memory_space<vmem>>, vector<1x16xf32>,
    %swap3A_601 = vector.shape_cast %swap3A_600 : vector<1x16xf32> to vector<16xf32>
    %swap3A_602 = vector.shape_cast %broadcast_in_dim3A_9 : vector<16xf32> to vector<1x16xf32>
    tpu.vector_store %arg8[%swap3A_598, %swap3A_599], %swap3A_602 {strides = array<i32>} : memref<128x128xf32, #tpu.memory_space<vmem>>, vector<1x16xf32>,
    %swap3A_603 = arith.constant 12 : i32
    %swap3A_604 = arith.index_cast %swap3A_603 : i32 to index
    %swap3A_605 = arith.constant 48 : index
    %swap3A_606 = tpu.vector_load %arg8[%swap3A_604, %swap3A_605] {strides = array<i32>} : memref<128x128xf32, #tpu.memory_space<vmem>>, vector<1x16xf32>,
    %swap3A_607 = vector.shape_cast %swap3A_606 : vector<1x16xf32> to vector<16xf32>
    %swap3A_608 = vector.shape_cast %broadcast_in_dim3A_9 : vector<16xf32> to vector<1x16xf32>
    tpu.vector_store %arg8[%swap3A_604, %swap3A_605], %swap3A_608 {strides = array<i32>} : memref<128x128xf32, #tpu.memory_space<vmem>>, vector<1x16xf32>,
    %swap3A_609 = arith.constant 12 : i32
    %swap3A_610 = arith.index_cast %swap3A_609 : i32 to index
    %swap3A_611 = arith.constant 64 : index
    %swap3A_612 = tpu.vector_load %arg8[%swap3A_610, %swap3A_611] {strides = array<i32>} : memref<128x128xf32, #tpu.memory_space<vmem>>, vector<1x16xf32>,
    %swap3A_613 = vector.shape_cast %swap3A_612 : vector<1x16xf32> to vector<16xf32>
    %swap3A_614 = vector.shape_cast %broadcast_in_dim3A_9 : vector<16xf32> to vector<1x16xf32>
    tpu.vector_store %arg8[%swap3A_610, %swap3A_611], %swap3A_614 {strides = array<i32>} : memref<128x128xf32, #tpu.memory_space<vmem>>, vector<1x16xf32>,
    %swap3A_615 = arith.constant 12 : i32
    %swap3A_616 = arith.index_cast %swap3A_615 : i32 to index
    %swap3A_617 = arith.constant 80 : index
    %swap3A_618 = tpu.vector_load %arg8[%swap3A_616, %swap3A_617] {strides = array<i32>} : memref<128x128xf32, #tpu.memory_space<vmem>>, vector<1x16xf32>,
    %swap3A_619 = vector.shape_cast %swap3A_618 : vector<1x16xf32> to vector<16xf32>
    %swap3A_620 = vector.shape_cast %broadcast_in_dim3A_9 : vector<16xf32> to vector<1x16xf32>
    tpu.vector_store %arg8[%swap3A_616, %swap3A_617], %swap3A_620 {strides = array<i32>} : memref<128x128xf32, #tpu.memory_space<vmem>>, vector<1x16xf32>,
    %swap3A_621 = arith.constant 12 : i32
    %swap3A_622 = arith.index_cast %swap3A_621 : i32 to index
    %swap3A_623 = arith.constant 96 : index
    %swap3A_624 = tpu.vector_load %arg8[%swap3A_622, %swap3A_623] {strides = array<i32>} : memref<128x128xf32, #tpu.memory_space<vmem>>, vector<1x16xf32>,
    %swap3A_625 = vector.shape_cast %swap3A_624 : vector<1x16xf32> to vector<16xf32>
    %swap3A_626 = vector.shape_cast %broadcast_in_dim3A_9 : vector<16xf32> to vector<1x16xf32>
    tpu.vector_store %arg8[%swap3A_622, %swap3A_623], %swap3A_626 {strides = array<i32>} : memref<128x128xf32, #tpu.memory_space<vmem>>, vector<1x16xf32>,
    %swap3A_627 = arith.constant 12 : i32
    %swap3A_628 = arith.index_cast %swap3A_627 : i32 to index
    %swap3A_629 = arith.constant 112 : index
    %swap3A_630 = tpu.vector_load %arg8[%swap3A_628, %swap3A_629] {strides = array<i32>} : memref<128x128xf32, #tpu.memory_space<vmem>>, vector<1x16xf32>,
    %swap3A_631 = vector.shape_cast %swap3A_630 : vector<1x16xf32> to vector<16xf32>
    %swap3A_632 = vector.shape_cast %broadcast_in_dim3A_9 : vector<16xf32> to vector<1x16xf32>
    tpu.vector_store %arg8[%swap3A_628, %swap3A_629], %swap3A_632 {strides = array<i32>} : memref<128x128xf32, #tpu.memory_space<vmem>>, vector<1x16xf32>,
    %swap3A_633 = arith.constant 13 : i32
    %swap3A_634 = arith.index_cast %swap3A_633 : i32 to index
    %swap3A_635 = arith.constant 0 : index
    %swap3A_636 = tpu.vector_load %arg8[%swap3A_634, %swap3A_635] {strides = array<i32>} : memref<128x128xf32, #tpu.memory_space<vmem>>, vector<1x16xf32>,
    %swap3A_637 = vector.shape_cast %swap3A_636 : vector<1x16xf32> to vector<16xf32>
    %swap3A_638 = vector.shape_cast %broadcast_in_dim3A_9 : vector<16xf32> to vector<1x16xf32>
    tpu.vector_store %arg8[%swap3A_634, %swap3A_635], %swap3A_638 {strides = array<i32>} : memref<128x128xf32, #tpu.memory_space<vmem>>, vector<1x16xf32>,
    %swap3A_639 = arith.constant 13 : i32
    %swap3A_640 = arith.index_cast %swap3A_639 : i32 to index
    %swap3A_641 = arith.constant 16 : index
    %swap3A_642 = tpu.vector_load %arg8[%swap3A_640, %swap3A_641] {strides = array<i32>} : memref<128x128xf32, #tpu.memory_space<vmem>>, vector<1x16xf32>,
    %swap3A_643 = vector.shape_cast %swap3A_642 : vector<1x16xf32> to vector<16xf32>
    %swap3A_644 = vector.shape_cast %broadcast_in_dim3A_9 : vector<16xf32> to vector<1x16xf32>
    tpu.vector_store %arg8[%swap3A_640, %swap3A_641], %swap3A_644 {strides = array<i32>} : memref<128x128xf32, #tpu.memory_space<vmem>>, vector<1x16xf32>,
    %swap3A_645 = arith.constant 13 : i32
    %swap3A_646 = arith.index_cast %swap3A_645 : i32 to index
    %swap3A_647 = arith.constant 32 : index
    %swap3A_648 = tpu.vector_load %arg8[%swap3A_646, %swap3A_647] {strides = array<i32>} : memref<128x128xf32, #tpu.memory_space<vmem>>, vector<1x16xf32>,
    %swap3A_649 = vector.shape_cast %swap3A_648 : vector<1x16xf32> to vector<16xf32>
    %swap3A_650 = vector.shape_cast %broadcast_in_dim3A_9 : vector<16xf32> to vector<1x16xf32>
    tpu.vector_store %arg8[%swap3A_646, %swap3A_647], %swap3A_650 {strides = array<i32>} : memref<128x128xf32, #tpu.memory_space<vmem>>, vector<1x16xf32>,
    %swap3A_651 = arith.constant 13 : i32
    %swap3A_652 = arith.index_cast %swap3A_651 : i32 to index
    %swap3A_653 = arith.constant 48 : index
    %swap3A_654 = tpu.vector_load %arg8[%swap3A_652, %swap3A_653] {strides = array<i32>} : memref<128x128xf32, #tpu.memory_space<vmem>>, vector<1x16xf32>,
    %swap3A_655 = vector.shape_cast %swap3A_654 : vector<1x16xf32> to vector<16xf32>
    %swap3A_656 = vector.shape_cast %broadcast_in_dim3A_9 : vector<16xf32> to vector<1x16xf32>
    tpu.vector_store %arg8[%swap3A_652, %swap3A_653], %swap3A_656 {strides = array<i32>} : memref<128x128xf32, #tpu.memory_space<vmem>>, vector<1x16xf32>,
    %swap3A_657 = arith.constant 13 : i32
    %swap3A_658 = arith.index_cast %swap3A_657 : i32 to index
    %swap3A_659 = arith.constant 64 : index
    %swap3A_660 = tpu.vector_load %arg8[%swap3A_658, %swap3A_659] {strides = array<i32>} : memref<128x128xf32, #tpu.memory_space<vmem>>, vector<1x16xf32>,
    %swap3A_661 = vector.shape_cast %swap3A_660 : vector<1x16xf32> to vector<16xf32>
    %swap3A_662 = vector.shape_cast %broadcast_in_dim3A_9 : vector<16xf32> to vector<1x16xf32>
    tpu.vector_store %arg8[%swap3A_658, %swap3A_659], %swap3A_662 {strides = array<i32>} : memref<128x128xf32, #tpu.memory_space<vmem>>, vector<1x16xf32>,
    %swap3A_663 = arith.constant 13 : i32
    %swap3A_664 = arith.index_cast %swap3A_663 : i32 to index
    %swap3A_665 = arith.constant 80 : index
    %swap3A_666 = tpu.vector_load %arg8[%swap3A_664, %swap3A_665] {strides = array<i32>} : memref<128x128xf32, #tpu.memory_space<vmem>>, vector<1x16xf32>,
    %swap3A_667 = vector.shape_cast %swap3A_666 : vector<1x16xf32> to vector<16xf32>
    %swap3A_668 = vector.shape_cast %broadcast_in_dim3A_9 : vector<16xf32> to vector<1x16xf32>
    tpu.vector_store %arg8[%swap3A_664, %swap3A_665], %swap3A_668 {strides = array<i32>} : memref<128x128xf32, #tpu.memory_space<vmem>>, vector<1x16xf32>,
    %swap3A_669 = arith.constant 13 : i32
    %swap3A_670 = arith.index_cast %swap3A_669 : i32 to index
    %swap3A_671 = arith.constant 96 : index
    %swap3A_672 = tpu.vector_load %arg8[%swap3A_670, %swap3A_671] {strides = array<i32>} : memref<128x128xf32, #tpu.memory_space<vmem>>, vector<1x16xf32>,
    %swap3A_673 = vector.shape_cast %swap3A_672 : vector<1x16xf32> to vector<16xf32>
    %swap3A_674 = vector.shape_cast %broadcast_in_dim3A_9 : vector<16xf32> to vector<1x16xf32>
    tpu.vector_store %arg8[%swap3A_670, %swap3A_671], %swap3A_674 {strides = array<i32>} : memref<128x128xf32, #tpu.memory_space<vmem>>, vector<1x16xf32>,
    %swap3A_675 = arith.constant 13 : i32
    %swap3A_676 = arith.index_cast %swap3A_675 : i32 to index
    %swap3A_677 = arith.constant 112 : index
    %swap3A_678 = tpu.vector_load %arg8[%swap3A_676, %swap3A_677] {strides = array<i32>} : memref<128x128xf32, #tpu.memory_space<vmem>>, vector<1x16xf32>,
    %swap3A_679 = vector.shape_cast %swap3A_678 : vector<1x16xf32> to vector<16xf32>
    %swap3A_680 = vector.shape_cast %broadcast_in_dim3A_9 : vector<16xf32> to vector<1x16xf32>
    tpu.vector_store %arg8[%swap3A_676, %swap3A_677], %swap3A_680 {strides = array<i32>} : memref<128x128xf32, #tpu.memory_space<vmem>>, vector<1x16xf32>,
    %swap3A_681 = arith.constant 14 : i32
    %swap3A_682 = arith.index_cast %swap3A_681 : i32 to index
    %swap3A_683 = arith.constant 0 : index
    %swap3A_684 = tpu.vector_load %arg8[%swap3A_682, %swap3A_683] {strides = array<i32>} : memref<128x128xf32, #tpu.memory_space<vmem>>, vector<1x16xf32>,
    %swap3A_685 = vector.shape_cast %swap3A_684 : vector<1x16xf32> to vector<16xf32>
    %swap3A_686 = vector.shape_cast %broadcast_in_dim3A_9 : vector<16xf32> to vector<1x16xf32>
    tpu.vector_store %arg8[%swap3A_682, %swap3A_683], %swap3A_686 {strides = array<i32>} : memref<128x128xf32, #tpu.memory_space<vmem>>, vector<1x16xf32>,
    %swap3A_687 = arith.constant 14 : i32
    %swap3A_688 = arith.index_cast %swap3A_687 : i32 to index
    %swap3A_689 = arith.constant 16 : index
    %swap3A_690 = tpu.vector_load %arg8[%swap3A_688, %swap3A_689] {strides = array<i32>} : memref<128x128xf32, #tpu.memory_space<vmem>>, vector<1x16xf32>,
    %swap3A_691 = vector.shape_cast %swap3A_690 : vector<1x16xf32> to vector<16xf32>
    %swap3A_692 = vector.shape_cast %broadcast_in_dim3A_9 : vector<16xf32> to vector<1x16xf32>
    tpu.vector_store %arg8[%swap3A_688, %swap3A_689], %swap3A_692 {strides = array<i32>} : memref<128x128xf32, #tpu.memory_space<vmem>>, vector<1x16xf32>,
    %swap3A_693 = arith.constant 14 : i32
    %swap3A_694 = arith.index_cast %swap3A_693 : i32 to index
    %swap3A_695 = arith.constant 32 : index
    %swap3A_696 = tpu.vector_load %arg8[%swap3A_694, %swap3A_695] {strides = array<i32>} : memref<128x128xf32, #tpu.memory_space<vmem>>, vector<1x16xf32>,
    %swap3A_697 = vector.shape_cast %swap3A_696 : vector<1x16xf32> to vector<16xf32>
    %swap3A_698 = vector.shape_cast %broadcast_in_dim3A_9 : vector<16xf32> to vector<1x16xf32>
    tpu.vector_store %arg8[%swap3A_694, %swap3A_695], %swap3A_698 {strides = array<i32>} : memref<128x128xf32, #tpu.memory_space<vmem>>, vector<1x16xf32>,
    %swap3A_699 = arith.constant 14 : i32
    %swap3A_700 = arith.index_cast %swap3A_699 : i32 to index
    %swap3A_701 = arith.constant 48 : index
    %swap3A_702 = tpu.vector_load %arg8[%swap3A_700, %swap3A_701] {strides = array<i32>} : memref<128x128xf32, #tpu.memory_space<vmem>>, vector<1x16xf32>,
    %swap3A_703 = vector.shape_cast %swap3A_702 : vector<1x16xf32> to vector<16xf32>
    %swap3A_704 = vector.shape_cast %broadcast_in_dim3A_9 : vector<16xf32> to vector<1x16xf32>
    tpu.vector_store %arg8[%swap3A_700, %swap3A_701], %swap3A_704 {strides = array<i32>} : memref<128x128xf32, #tpu.memory_space<vmem>>, vector<1x16xf32>,
    %swap3A_705 = arith.constant 14 : i32
    %swap3A_706 = arith.index_cast %swap3A_705 : i32 to index
    %swap3A_707 = arith.constant 64 : index
    %swap3A_708 = tpu.vector_load %arg8[%swap3A_706, %swap3A_707] {strides = array<i32>} : memref<128x128xf32, #tpu.memory_space<vmem>>, vector<1x16xf32>,
    %swap3A_709 = vector.shape_cast %swap3A_708 : vector<1x16xf32> to vector<16xf32>
    %swap3A_710 = vector.shape_cast %broadcast_in_dim3A_9 : vector<16xf32> to vector<1x16xf32>
    tpu.vector_store %arg8[%swap3A_706, %swap3A_707], %swap3A_710 {strides = array<i32>} : memref<128x128xf32, #tpu.memory_space<vmem>>, vector<1x16xf32>,
    %swap3A_711 = arith.constant 14 : i32
    %swap3A_712 = arith.index_cast %swap3A_711 : i32 to index
    %swap3A_713 = arith.constant 80 : index
    %swap3A_714 = tpu.vector_load %arg8[%swap3A_712, %swap3A_713] {strides = array<i32>} : memref<128x128xf32, #tpu.memory_space<vmem>>, vector<1x16xf32>,
    %swap3A_715 = vector.shape_cast %swap3A_714 : vector<1x16xf32> to vector<16xf32>
    %swap3A_716 = vector.shape_cast %broadcast_in_dim3A_9 : vector<16xf32> to vector<1x16xf32>
    tpu.vector_store %arg8[%swap3A_712, %swap3A_713], %swap3A_716 {strides = array<i32>} : memref<128x128xf32, #tpu.memory_space<vmem>>, vector<1x16xf32>,
    %swap3A_717 = arith.constant 14 : i32
    %swap3A_718 = arith.index_cast %swap3A_717 : i32 to index
    %swap3A_719 = arith.constant 96 : index
    %swap3A_720 = tpu.vector_load %arg8[%swap3A_718, %swap3A_719] {strides = array<i32>} : memref<128x128xf32, #tpu.memory_space<vmem>>, vector<1x16xf32>,
    %swap3A_721 = vector.shape_cast %swap3A_720 : vector<1x16xf32> to vector<16xf32>
    %swap3A_722 = vector.shape_cast %broadcast_in_dim3A_9 : vector<16xf32> to vector<1x16xf32>
    tpu.vector_store %arg8[%swap3A_718, %swap3A_719], %swap3A_722 {strides = array<i32>} : memref<128x128xf32, #tpu.memory_space<vmem>>, vector<1x16xf32>,
    %swap3A_723 = arith.constant 14 : i32
    %swap3A_724 = arith.index_cast %swap3A_723 : i32 to index
    %swap3A_725 = arith.constant 112 : index
    %swap3A_726 = tpu.vector_load %arg8[%swap3A_724, %swap3A_725] {strides = array<i32>} : memref<128x128xf32, #tpu.memory_space<vmem>>, vector<1x16xf32>,
    %swap3A_727 = vector.shape_cast %swap3A_726 : vector<1x16xf32> to vector<16xf32>
    %swap3A_728 = vector.shape_cast %broadcast_in_dim3A_9 : vector<16xf32> to vector<1x16xf32>
    tpu.vector_store %arg8[%swap3A_724, %swap3A_725], %swap3A_728 {strides = array<i32>} : memref<128x128xf32, #tpu.memory_space<vmem>>, vector<1x16xf32>,
    %swap3A_729 = arith.constant 15 : i32
    %swap3A_730 = arith.index_cast %swap3A_729 : i32 to index
    %swap3A_731 = arith.constant 0 : index
    %swap3A_732 = tpu.vector_load %arg8[%swap3A_730, %swap3A_731] {strides = array<i32>} : memref<128x128xf32, #tpu.memory_space<vmem>>, vector<1x16xf32>,
    %swap3A_733 = vector.shape_cast %swap3A_732 : vector<1x16xf32> to vector<16xf32>
    %swap3A_734 = vector.shape_cast %broadcast_in_dim3A_9 : vector<16xf32> to vector<1x16xf32>
    tpu.vector_store %arg8[%swap3A_730, %swap3A_731], %swap3A_734 {strides = array<i32>} : memref<128x128xf32, #tpu.memory_space<vmem>>, vector<1x16xf32>,
    %swap3A_735 = arith.constant 15 : i32
    %swap3A_736 = arith.index_cast %swap3A_735 : i32 to index
    %swap3A_737 = arith.constant 16 : index
    %swap3A_738 = tpu.vector_load %arg8[%swap3A_736, %swap3A_737] {strides = array<i32>} : memref<128x128xf32, #tpu.memory_space<vmem>>, vector<1x16xf32>,
    %swap3A_739 = vector.shape_cast %swap3A_738 : vector<1x16xf32> to vector<16xf32>
    %swap3A_740 = vector.shape_cast %broadcast_in_dim3A_9 : vector<16xf32> to vector<1x16xf32>
    tpu.vector_store %arg8[%swap3A_736, %swap3A_737], %swap3A_740 {strides = array<i32>} : memref<128x128xf32, #tpu.memory_space<vmem>>, vector<1x16xf32>,
    %swap3A_741 = arith.constant 15 : i32
    %swap3A_742 = arith.index_cast %swap3A_741 : i32 to index
    %swap3A_743 = arith.constant 32 : index
    %swap3A_744 = tpu.vector_load %arg8[%swap3A_742, %swap3A_743] {strides = array<i32>} : memref<128x128xf32, #tpu.memory_space<vmem>>, vector<1x16xf32>,
    %swap3A_745 = vector.shape_cast %swap3A_744 : vector<1x16xf32> to vector<16xf32>
    %swap3A_746 = vector.shape_cast %broadcast_in_dim3A_9 : vector<16xf32> to vector<1x16xf32>
    tpu.vector_store %arg8[%swap3A_742, %swap3A_743], %swap3A_746 {strides = array<i32>} : memref<128x128xf32, #tpu.memory_space<vmem>>, vector<1x16xf32>,
    %swap3A_747 = arith.constant 15 : i32
    %swap3A_748 = arith.index_cast %swap3A_747 : i32 to index
    %swap3A_749 = arith.constant 48 : index
    %swap3A_750 = tpu.vector_load %arg8[%swap3A_748, %swap3A_749] {strides = array<i32>} : memref<128x128xf32, #tpu.memory_space<vmem>>, vector<1x16xf32>,
    %swap3A_751 = vector.shape_cast %swap3A_750 : vector<1x16xf32> to vector<16xf32>
    %swap3A_752 = vector.shape_cast %broadcast_in_dim3A_9 : vector<16xf32> to vector<1x16xf32>
    tpu.vector_store %arg8[%swap3A_748, %swap3A_749], %swap3A_752 {strides = array<i32>} : memref<128x128xf32, #tpu.memory_space<vmem>>, vector<1x16xf32>,
    %swap3A_753 = arith.constant 15 : i32
    %swap3A_754 = arith.index_cast %swap3A_753 : i32 to index
    %swap3A_755 = arith.constant 64 : index
    %swap3A_756 = tpu.vector_load %arg8[%swap3A_754, %swap3A_755] {strides = array<i32>} : memref<128x128xf32, #tpu.memory_space<vmem>>, vector<1x16xf32>,
    %swap3A_757 = vector.shape_cast %swap3A_756 : vector<1x16xf32> to vector<16xf32>
    %swap3A_758 = vector.shape_cast %broadcast_in_dim3A_9 : vector<16xf32> to vector<1x16xf32>
    tpu.vector_store %arg8[%swap3A_754, %swap3A_755], %swap3A_758 {strides = array<i32>} : memref<128x128xf32, #tpu.memory_space<vmem>>, vector<1x16xf32>,
    %swap3A_759 = arith.constant 15 : i32
    %swap3A_760 = arith.index_cast %swap3A_759 : i32 to index
    %swap3A_761 = arith.constant 80 : index
    %swap3A_762 = tpu.vector_load %arg8[%swap3A_760, %swap3A_761] {strides = array<i32>} : memref<128x128xf32, #tpu.memory_space<vmem>>, vector<1x16xf32>,
    %swap3A_763 = vector.shape_cast %swap3A_762 : vector<1x16xf32> to vector<16xf32>
    %swap3A_764 = vector.shape_cast %broadcast_in_dim3A_9 : vector<16xf32> to vector<1x16xf32>
    tpu.vector_store %arg8[%swap3A_760, %swap3A_761], %swap3A_764 {strides = array<i32>} : memref<128x128xf32, #tpu.memory_space<vmem>>, vector<1x16xf32>,
    %swap3A_765 = arith.constant 15 : i32
    %swap3A_766 = arith.index_cast %swap3A_765 : i32 to index
    %swap3A_767 = arith.constant 96 : index
    %swap3A_768 = tpu.vector_load %arg8[%swap3A_766, %swap3A_767] {strides = array<i32>} : memref<128x128xf32, #tpu.memory_space<vmem>>, vector<1x16xf32>,
    %swap3A_769 = vector.shape_cast %swap3A_768 : vector<1x16xf32> to vector<16xf32>
    %swap3A_770 = vector.shape_cast %broadcast_in_dim3A_9 : vector<16xf32> to vector<1x16xf32>
    tpu.vector_store %arg8[%swap3A_766, %swap3A_767], %swap3A_770 {strides = array<i32>} : memref<128x128xf32, #tpu.memory_space<vmem>>, vector<1x16xf32>,
    %swap3A_771 = arith.constant 15 : i32
    %swap3A_772 = arith.index_cast %swap3A_771 : i32 to index
    %swap3A_773 = arith.constant 112 : index
    %swap3A_774 = tpu.vector_load %arg8[%swap3A_772, %swap3A_773] {strides = array<i32>} : memref<128x128xf32, #tpu.memory_space<vmem>>, vector<1x16xf32>,
    %swap3A_775 = vector.shape_cast %swap3A_774 : vector<1x16xf32> to vector<16xf32>
    %swap3A_776 = vector.shape_cast %broadcast_in_dim3A_9 : vector<16xf32> to vector<1x16xf32>
    tpu.vector_store %arg8[%swap3A_772, %swap3A_773], %swap3A_776 {strides = array<i32>} : memref<128x128xf32, #tpu.memory_space<vmem>>, vector<1x16xf32>,
    %mul3A_777 = arith.constant 640 : i32
    %mul3A_778 = arith.muli %arg1, %mul3A_777 : i32
    %scan3A = arith.constant 0 : i32
    %scan3A_779 = arith.constant 0 : i32
    %scan3A_780 = arith.constant 40 : i32
    %scan3A_781 = arith.addi %scan3A_779, %scan3A_780 : i32
    %scan3A_782 = arith.constant 1 : i32
    scf.for %scan3A_841 = %scan3A_779 to %scan3A_781 step %scan3A_782  : i32 {
      %mul3A_842 = arith.constant 16 : i32
      %mul3A_843 = arith.muli %scan3A_841, %mul3A_842 : i32
      %add3A_844 = arith.addi %mul3A_778, %mul3A_843 : i32
      "tpu.region"() ({
        %run_scoped3A_845 = tpu.sem_alloc : memref<!tpu.dma_semaphore, #tpu.memory_space<semaphore_mem>>
        %dma_start3A_846 = arith.constant 0 : i32
        %dma_start3A_847 = arith.constant 0 : i32
        %dma_start3A_848 = tpu.memref_slice %arg8[%dma_start3A_846, %dma_start3A_847] : memref<128x128xf32, #tpu.memory_space<vmem>> -> memref<16x128xf32, #tpu.memory_space<vmem>>
        %dma_start3A_849 = arith.constant 0 : i32
        %dma_start3A_850 = tpu.memref_slice %arg10[%add3A_844, %dma_start3A_849] : memref<10240x128xf32, #tpu.memory_space<vmem_shared>> -> memref<16x128xf32, #tpu.memory_space<vmem_shared>>
        %dma_start3A_851 = arith.constant 0 : i32
        %dma_start3A_852 = tpu.memref_slice %arg10[%add3A_844, %dma_start3A_851] : memref<10240x128xf32, #tpu.memory_space<vmem_shared>> -> memref<16x128xf32, #tpu.memory_space<vmem_shared>>
        %dma_start3A_853 = arith.constant 0 : i32
        %dma_start3A_854 = arith.constant 0 : i32
        %dma_start3A_855 = tpu.memref_slice %arg8[%dma_start3A_853, %dma_start3A_854] : memref<128x128xf32, #tpu.memory_space<vmem>> -> memref<16x128xf32, #tpu.memory_space<vmem>>
        tpu.enqueue_dma source(%dma_start3A_855 : memref<16x128xf32, #tpu.memory_space<vmem>>) target(%dma_start3A_852 : memref<16x128xf32, #tpu.memory_space<vmem_shared>>) target_semaphore(%run_scoped3A_845 : memref<!tpu.dma_semaphore, #tpu.memory_space<semaphore_mem>>)
        %dma_wait3A_856 = arith.constant 0 : i32
        %dma_wait3A_857 = arith.constant 0 : i32
        %dma_wait3A_858 = tpu.memref_slice %arg8[%dma_wait3A_856, %dma_wait3A_857] : memref<128x128xf32, #tpu.memory_space<vmem>> -> memref<16x128xf32, #tpu.memory_space<vmem>>
        %dma_wait3A_859 = arith.constant 0 : i32
        %dma_wait3A_860 = tpu.memref_slice %arg10[%add3A_844, %dma_wait3A_859] : memref<10240x128xf32, #tpu.memory_space<vmem_shared>> -> memref<16x128xf32, #tpu.memory_space<vmem_shared>>
        %dma_wait3A_861 = arith.constant 0 : i32
        %dma_wait3A_862 = tpu.memref_slice %arg10[%add3A_844, %dma_wait3A_861] : memref<10240x128xf32, #tpu.memory_space<vmem_shared>> -> memref<16x128xf32, #tpu.memory_space<vmem_shared>>
        %dma_wait3A_863 = arith.constant 0 : i32
        %dma_wait3A_864 = arith.constant 0 : i32
        %dma_wait3A_865 = tpu.memref_slice %arg8[%dma_wait3A_863, %dma_wait3A_864] : memref<128x128xf32, #tpu.memory_space<vmem>> -> memref<16x128xf32, #tpu.memory_space<vmem>>
        tpu.wait_dma2 semaphore(%run_scoped3A_845 : memref<!tpu.dma_semaphore, #tpu.memory_space<semaphore_mem>>) src(%dma_wait3A_865 : memref<16x128xf32, #tpu.memory_space<vmem>>) dst(%dma_wait3A_862 : memref<16x128xf32, #tpu.memory_space<vmem_shared>>)
        tpu.yield
      }) : () -> ()
    }
    %scan3A_783 = arith.constant 40 : i32
    "tpu.region"() ({
      %run_scoped3A_841 = tpu.sem_alloc : memref<!tpu.dma_semaphore, #tpu.memory_space<semaphore_mem>>
      %dma_start3A_842 = arith.constant 0 : i32
      %dma_start3A_843 = tpu.memref_slice %arg2[%select_n3A_8, %dma_start3A_842] : memref<2664x128xi32, #tpu.memory_space<hbm>> -> memref<104x128xi32, #tpu.memory_space<hbm>>
      %dma_start3A_844 = arith.constant 0 : i32
      %dma_start3A_845 = tpu.memref_slice %arg2[%select_n3A_8, %dma_start3A_844] : memref<2664x128xi32, #tpu.memory_space<hbm>> -> memref<104x128xi32, #tpu.memory_space<hbm>>
      tpu.enqueue_dma source(%dma_start3A_845 : memref<104x128xi32, #tpu.memory_space<hbm>>) target(%arg6 : memref<104x128xi32, #tpu.memory_space<vmem>>) target_semaphore(%run_scoped3A_841 : memref<!tpu.dma_semaphore, #tpu.memory_space<semaphore_mem>>)
      %dma_wait3A_846 = arith.constant 0 : i32
      %dma_wait3A_847 = tpu.memref_slice %arg2[%select_n3A_8, %dma_wait3A_846] : memref<2664x128xi32, #tpu.memory_space<hbm>> -> memref<104x128xi32, #tpu.memory_space<hbm>>
      %dma_wait3A_848 = arith.constant 0 : i32
      %dma_wait3A_849 = tpu.memref_slice %arg2[%select_n3A_8, %dma_wait3A_848] : memref<2664x128xi32, #tpu.memory_space<hbm>> -> memref<104x128xi32, #tpu.memory_space<hbm>>
      tpu.wait_dma2 semaphore(%run_scoped3A_841 : memref<!tpu.dma_semaphore, #tpu.memory_space<semaphore_mem>>) src(%dma_wait3A_849 : memref<104x128xi32, #tpu.memory_space<hbm>>) dst(%arg6 : memref<104x128xi32, #tpu.memory_space<vmem>>)
      tpu.yield
    }) : () -> ()
    %barrier3A = arith.constant 0 : index
    tpu.barrier barrier_id(%barrier3A)
    %run_scoped3A = arith.constant 0 : i32
    "tpu.region"() ({
      %run_scoped3A_841 = tpu.sem_alloc : memref<!tpu.dma_semaphore, #tpu.memory_space<semaphore_mem>>
      %dma_start3A_842 = arith.constant 0 : i32
      %dma_start3A_843 = tpu.memref_slice %arg7[%run_scoped3A, %dma_start3A_842] : memref<4x128xi32, #tpu.memory_space<vmem>> -> memref<1x128xi32, #tpu.memory_space<vmem>>
      %dma_start3A_844 = tpu.memref_squeeze %dma_start3A_843 : memref<1x128xi32, #tpu.memory_space<vmem>> -> memref<128xi32, #tpu.memory_space<vmem>>
      %dma_start3A_845 = arith.constant 0 : i32
      %dma_start3A_846 = tpu.memref_slice %arg3[%select_n3A_8, %dma_start3A_845] : memref<2664x128xi32, #tpu.memory_space<hbm>> -> memref<1x128xi32, #tpu.memory_space<hbm>>
      %dma_start3A_847 = tpu.memref_squeeze %dma_start3A_846 : memref<1x128xi32, #tpu.memory_space<hbm>> -> memref<128xi32, #tpu.memory_space<hbm>>
      %dma_start3A_848 = arith.constant 0 : i32
      %dma_start3A_849 = tpu.memref_slice %arg7[%run_scoped3A, %dma_start3A_848] : memref<4x128xi32, #tpu.memory_space<vmem>> -> memref<1x128xi32, #tpu.memory_space<vmem>>
      %dma_start3A_850 = tpu.memref_squeeze %dma_start3A_849 : memref<1x128xi32, #tpu.memory_space<vmem>> -> memref<128xi32, #tpu.memory_space<vmem>>
      %dma_start3A_851 = arith.constant 0 : i32
      %dma_start3A_852 = tpu.memref_slice %arg3[%select_n3A_8, %dma_start3A_851] : memref<2664x128xi32, #tpu.memory_space<hbm>> -> memref<1x128xi32, #tpu.memory_space<hbm>>
      %dma_start3A_853 = tpu.memref_squeeze %dma_start3A_852 : memref<1x128xi32, #tpu.memory_space<hbm>> -> memref<128xi32, #tpu.memory_space<hbm>>
      tpu.enqueue_dma source(%dma_start3A_853 : memref<128xi32, #tpu.memory_space<hbm>>) target(%dma_start3A_850 : memref<128xi32, #tpu.memory_space<vmem>>) target_semaphore(%run_scoped3A_841 : memref<!tpu.dma_semaphore, #tpu.memory_space<semaphore_mem>>)
      %dma_wait3A_854 = arith.constant 0 : i32
      %dma_wait3A_855 = tpu.memref_slice %arg7[%run_scoped3A, %dma_wait3A_854] : memref<4x128xi32, #tpu.memory_space<vmem>> -> memref<1x128xi32, #tpu.memory_space<vmem>>
      %dma_wait3A_856 = tpu.memref_squeeze %dma_wait3A_855 : memref<1x128xi32, #tpu.memory_space<vmem>> -> memref<128xi32, #tpu.memory_space<vmem>>
      %dma_wait3A_857 = arith.constant 0 : i32
      %dma_wait3A_858 = tpu.memref_slice %arg3[%select_n3A_8, %dma_wait3A_857] : memref<2664x128xi32, #tpu.memory_space<hbm>> -> memref<1x128xi32, #tpu.memory_space<hbm>>
      %dma_wait3A_859 = tpu.memref_squeeze %dma_wait3A_858 : memref<1x128xi32, #tpu.memory_space<hbm>> -> memref<128xi32, #tpu.memory_space<hbm>>
      %dma_wait3A_860 = arith.constant 0 : i32
      %dma_wait3A_861 = tpu.memref_slice %arg7[%run_scoped3A, %dma_wait3A_860] : memref<4x128xi32, #tpu.memory_space<vmem>> -> memref<1x128xi32, #tpu.memory_space<vmem>>
      %dma_wait3A_862 = tpu.memref_squeeze %dma_wait3A_861 : memref<1x128xi32, #tpu.memory_space<vmem>> -> memref<128xi32, #tpu.memory_space<vmem>>
      %dma_wait3A_863 = arith.constant 0 : i32
      %dma_wait3A_864 = tpu.memref_slice %arg3[%select_n3A_8, %dma_wait3A_863] : memref<2664x128xi32, #tpu.memory_space<hbm>> -> memref<1x128xi32, #tpu.memory_space<hbm>>
      %dma_wait3A_865 = tpu.memref_squeeze %dma_wait3A_864 : memref<1x128xi32, #tpu.memory_space<hbm>> -> memref<128xi32, #tpu.memory_space<hbm>>
      tpu.wait_dma2 semaphore(%run_scoped3A_841 : memref<!tpu.dma_semaphore, #tpu.memory_space<semaphore_mem>>) src(%dma_wait3A_865 : memref<128xi32, #tpu.memory_space<hbm>>) dst(%dma_wait3A_862 : memref<128xi32, #tpu.memory_space<vmem>>)
      tpu.yield
    }) : () -> ()
    %add3A_784 = arith.constant 1 : i32
    %add3A_785 = arith.addi %select_n3A_8, %add3A_784 : i32
    %run_scoped3A_786 = arith.constant 1 : i32
    "tpu.region"() ({
      %run_scoped3A_841 = tpu.sem_alloc : memref<!tpu.dma_semaphore, #tpu.memory_space<semaphore_mem>>
      %dma_start3A_842 = arith.constant 0 : i32
      %dma_start3A_843 = tpu.memref_slice %arg7[%run_scoped3A_786, %dma_start3A_842] : memref<4x128xi32, #tpu.memory_space<vmem>> -> memref<1x128xi32, #tpu.memory_space<vmem>>
      %dma_start3A_844 = tpu.memref_squeeze %dma_start3A_843 : memref<1x128xi32, #tpu.memory_space<vmem>> -> memref<128xi32, #tpu.memory_space<vmem>>
      %dma_start3A_845 = arith.constant 0 : i32
      %dma_start3A_846 = tpu.memref_slice %arg3[%add3A_785, %dma_start3A_845] : memref<2664x128xi32, #tpu.memory_space<hbm>> -> memref<1x128xi32, #tpu.memory_space<hbm>>
      %dma_start3A_847 = tpu.memref_squeeze %dma_start3A_846 : memref<1x128xi32, #tpu.memory_space<hbm>> -> memref<128xi32, #tpu.memory_space<hbm>>
      %dma_start3A_848 = arith.constant 0 : i32
      %dma_start3A_849 = tpu.memref_slice %arg7[%run_scoped3A_786, %dma_start3A_848] : memref<4x128xi32, #tpu.memory_space<vmem>> -> memref<1x128xi32, #tpu.memory_space<vmem>>
      %dma_start3A_850 = tpu.memref_squeeze %dma_start3A_849 : memref<1x128xi32, #tpu.memory_space<vmem>> -> memref<128xi32, #tpu.memory_space<vmem>>
      %dma_start3A_851 = arith.constant 0 : i32
      %dma_start3A_852 = tpu.memref_slice %arg3[%add3A_785, %dma_start3A_851] : memref<2664x128xi32, #tpu.memory_space<hbm>> -> memref<1x128xi32, #tpu.memory_space<hbm>>
      %dma_start3A_853 = tpu.memref_squeeze %dma_start3A_852 : memref<1x128xi32, #tpu.memory_space<hbm>> -> memref<128xi32, #tpu.memory_space<hbm>>
      tpu.enqueue_dma source(%dma_start3A_853 : memref<128xi32, #tpu.memory_space<hbm>>) target(%dma_start3A_850 : memref<128xi32, #tpu.memory_space<vmem>>) target_semaphore(%run_scoped3A_841 : memref<!tpu.dma_semaphore, #tpu.memory_space<semaphore_mem>>)
      %dma_wait3A_854 = arith.constant 0 : i32
      %dma_wait3A_855 = tpu.memref_slice %arg7[%run_scoped3A_786, %dma_wait3A_854] : memref<4x128xi32, #tpu.memory_space<vmem>> -> memref<1x128xi32, #tpu.memory_space<vmem>>
      %dma_wait3A_856 = tpu.memref_squeeze %dma_wait3A_855 : memref<1x128xi32, #tpu.memory_space<vmem>> -> memref<128xi32, #tpu.memory_space<vmem>>
      %dma_wait3A_857 = arith.constant 0 : i32
      %dma_wait3A_858 = tpu.memref_slice %arg3[%add3A_785, %dma_wait3A_857] : memref<2664x128xi32, #tpu.memory_space<hbm>> -> memref<1x128xi32, #tpu.memory_space<hbm>>
      %dma_wait3A_859 = tpu.memref_squeeze %dma_wait3A_858 : memref<1x128xi32, #tpu.memory_space<hbm>> -> memref<128xi32, #tpu.memory_space<hbm>>
      %dma_wait3A_860 = arith.constant 0 : i32
      %dma_wait3A_861 = tpu.memref_slice %arg7[%run_scoped3A_786, %dma_wait3A_860] : memref<4x128xi32, #tpu.memory_space<vmem>> -> memref<1x128xi32, #tpu.memory_space<vmem>>
      %dma_wait3A_862 = tpu.memref_squeeze %dma_wait3A_861 : memref<1x128xi32, #tpu.memory_space<vmem>> -> memref<128xi32, #tpu.memory_space<vmem>>
      %dma_wait3A_863 = arith.constant 0 : i32
      %dma_wait3A_864 = tpu.memref_slice %arg3[%add3A_785, %dma_wait3A_863] : memref<2664x128xi32, #tpu.memory_space<hbm>> -> memref<1x128xi32, #tpu.memory_space<hbm>>
      %dma_wait3A_865 = tpu.memref_squeeze %dma_wait3A_864 : memref<1x128xi32, #tpu.memory_space<hbm>> -> memref<128xi32, #tpu.memory_space<hbm>>
      tpu.wait_dma2 semaphore(%run_scoped3A_841 : memref<!tpu.dma_semaphore, #tpu.memory_space<semaphore_mem>>) src(%dma_wait3A_865 : memref<128xi32, #tpu.memory_space<hbm>>) dst(%dma_wait3A_862 : memref<128xi32, #tpu.memory_space<vmem>>)
      tpu.yield
    }) : () -> ()
    %dma_start3A = arith.constant 0 : i32
    %dma_start3A_787 = arith.constant 0 : i32
    %dma_start3A_788 = tpu.memref_slice %arg6[%dma_start3A, %dma_start3A_787] : memref<104x128xi32, #tpu.memory_space<vmem>> -> memref<1x128xi32, #tpu.memory_space<vmem>>
    %dma_start3A_789 = tpu.memref_squeeze %dma_start3A_788 : memref<1x128xi32, #tpu.memory_space<vmem>> -> memref<128xi32, #tpu.memory_space<vmem>>
    %dma_start3A_790 = arith.constant 0 : i32
    %dma_start3A_791 = arith.constant 0 : i32
    %dma_start3A_792 = tpu.memref_slice %arg4[%dma_start3A_790, %dma_start3A_791] : memref<10240x128xf32, #tpu.memory_space<hbm>> -> memref<10240x128xf32, #tpu.memory_space<hbm>>
    tpu.enqueue_indirect_dma source(%dma_start3A_792 : memref<10240x128xf32, #tpu.memory_space<hbm>>) target(%arg8 : memref<128x128xf32, #tpu.memory_space<vmem>>) offsets(%dma_start3A_789 : memref<128xi32, #tpu.memory_space<vmem>>) semaphore(%arg11 : memref<!tpu.dma_semaphore, #tpu.memory_space<semaphore_mem>>)
    %dma_start3A_793 = arith.constant 1 : i32
    %dma_start3A_794 = arith.constant 0 : i32
    %dma_start3A_795 = tpu.memref_slice %arg6[%dma_start3A_793, %dma_start3A_794] : memref<104x128xi32, #tpu.memory_space<vmem>> -> memref<1x128xi32, #tpu.memory_space<vmem>>
    %dma_start3A_796 = tpu.memref_squeeze %dma_start3A_795 : memref<1x128xi32, #tpu.memory_space<vmem>> -> memref<128xi32, #tpu.memory_space<vmem>>
    %dma_start3A_797 = arith.constant 0 : i32
    %dma_start3A_798 = arith.constant 0 : i32
    %dma_start3A_799 = tpu.memref_slice %arg4[%dma_start3A_797, %dma_start3A_798] : memref<10240x128xf32, #tpu.memory_space<hbm>> -> memref<10240x128xf32, #tpu.memory_space<hbm>>
    tpu.enqueue_indirect_dma source(%dma_start3A_799 : memref<10240x128xf32, #tpu.memory_space<hbm>>) target(%arg9 : memref<128x128xf32, #tpu.memory_space<vmem>>) offsets(%dma_start3A_796 : memref<128xi32, #tpu.memory_space<vmem>>) semaphore(%arg12 : memref<!tpu.dma_semaphore, #tpu.memory_space<semaphore_mem>>)
    %jit3A_800 = arith.constant 4 : i32
    %div3A = arith.divsi %select_n3A, %jit3A_800 : i32
    %sign3A = arith.constant 0 : i32
    %sign3A_801 = arith.cmpi sgt, %select_n3A, %sign3A : i32
    %sign3A_802 = arith.extui %sign3A_801 : i1 to i32
    %sign3A_803 = arith.constant 0 : i32
    %sign3A_804 = arith.cmpi slt, %select_n3A, %sign3A_803 : i32
    %sign3A_805 = arith.extui %sign3A_804 : i1 to i32
    %sign3A_806 = arith.subi %sign3A_802, %sign3A_805 : i32
    %sign3A_807 = arith.constant 0 : i32
    %sign3A_808 = arith.cmpi sgt, %jit3A_800, %sign3A_807 : i32
    %sign3A_809 = arith.extui %sign3A_808 : i1 to i32
    %sign3A_810 = arith.constant 0 : i32
    %sign3A_811 = arith.cmpi slt, %jit3A_800, %sign3A_810 : i32
    %sign3A_812 = arith.extui %sign3A_811 : i1 to i32
    %sign3A_813 = arith.subi %sign3A_809, %sign3A_812 : i32
    %ne3A = arith.cmpi ne, %sign3A_806, %sign3A_813 : i32
    %rem3A = arith.remsi %select_n3A, %jit3A_800 : i32
    %ne3A_814 = arith.constant 0 : i32
    %ne3A_815 = arith.cmpi ne, %rem3A, %ne3A_814 : i32
    %and3A = arith.andi %ne3A, %ne3A_815 : i1
    %sub3A = arith.constant 1 : i32
    %sub3A_816 = arith.subi %div3A, %sub3A : i32
    %select_n3A_817 = arith.select %and3A, %sub3A_816, %div3A : i32
    %while3A = arith.constant 0 : i32
    %while3A_818 = arith.constant 0 : i32
    %while3A_819 = arith.subi %select_n3A_817, %while3A_818 : i32
    %while3A_820 = arith.addi %while3A_818, %while3A_819 : i32
    %while3A_821 = arith.constant 1 : i32
    %while3A_822 = arith.divsi %while3A_819, %while3A_821 : i32
    %while3A_823 = arith.muli %while3A_822, %while3A_821 : i32
    %while3A_824 = arith.addi %while3A_818, %while3A_823 : i32
    %while3A_825 = arith.constant 1 : i32
    scf.for %while3A_841 = %while3A_818 to %while3A_824 step %while3A_825  : i32 {
      %mul3A_842 = arith.constant 4 : i32
      %mul3A_843 = arith.muli %mul3A_842, %while3A_841 : i32
      %add3A_844 = arith.constant 0 : i32
      %add3A_845 = arith.addi %mul3A_843, %add3A_844 : i32
      %ge3A = arith.constant 2 : i32
      %ge3A_846 = arith.cmpi sge, %add3A_845, %ge3A : i32
      %convert_element_type3A = arith.extui %ge3A_846 : i1 to i32
      %cond3A = arith.constant 0 : i32
      %cond3A_847 = arith.cmpi ne, %convert_element_type3A, %cond3A : i32
      scf.if %cond3A_847 {
        %dma_wait3A_944 = arith.constant 0 : i32
        %dma_wait3A_945 = arith.constant 0 : i32
        %dma_wait3A_946 = arith.constant 0 : i32
        %dma_wait3A_947 = tpu.memref_slice %arg7[%dma_wait3A_945, %dma_wait3A_946] : memref<4x128xi32, #tpu.memory_space<vmem>> -> memref<1x128xi32, #tpu.memory_space<vmem>>
        %dma_wait3A_948 = tpu.memref_squeeze %dma_wait3A_947 : memref<1x128xi32, #tpu.memory_space<vmem>> -> memref<128xi32, #tpu.memory_space<vmem>>
        %dma_wait3A_949 = arith.constant 0 : i32
        %dma_wait3A_950 = tpu.memref_slice %arg3[%dma_wait3A_944, %dma_wait3A_949] : memref<2664x128xi32, #tpu.memory_space<hbm>> -> memref<1x128xi32, #tpu.memory_space<hbm>>
        %dma_wait3A_951 = tpu.memref_squeeze %dma_wait3A_950 : memref<1x128xi32, #tpu.memory_space<hbm>> -> memref<128xi32, #tpu.memory_space<hbm>>
        %dma_wait3A_952 = arith.constant 0 : i32
        %dma_wait3A_953 = tpu.memref_slice %arg7[%dma_wait3A_945, %dma_wait3A_952] : memref<4x128xi32, #tpu.memory_space<vmem>> -> memref<1x128xi32, #tpu.memory_space<vmem>>
        %dma_wait3A_954 = tpu.memref_squeeze %dma_wait3A_953 : memref<1x128xi32, #tpu.memory_space<vmem>> -> memref<128xi32, #tpu.memory_space<vmem>>
        %dma_wait3A_955 = arith.constant 0 : i32
        %dma_wait3A_956 = tpu.memref_slice %arg3[%dma_wait3A_944, %dma_wait3A_955] : memref<2664x128xi32, #tpu.memory_space<hbm>> -> memref<1x128xi32, #tpu.memory_space<hbm>>
        %dma_wait3A_957 = tpu.memref_squeeze %dma_wait3A_956 : memref<1x128xi32, #tpu.memory_space<hbm>> -> memref<128xi32, #tpu.memory_space<hbm>>
        tpu.wait_dma2 semaphore(%arg15 : memref<!tpu.dma_semaphore, #tpu.memory_space<semaphore_mem>>) src(%dma_wait3A_957 : memref<128xi32, #tpu.memory_space<hbm>>) dst(%dma_wait3A_954 : memref<128xi32, #tpu.memory_space<vmem>>)
      } else {
      }
      %dma_wait3A_848 = arith.constant 0 : i32
      %dma_wait3A_849 = tpu.memref_slice %arg6[%add3A_845, %dma_wait3A_848] : memref<104x128xi32, #tpu.memory_space<vmem>> -> memref<1x128xi32, #tpu.memory_space<vmem>>
      %dma_wait3A_850 = tpu.memref_squeeze %dma_wait3A_849 : memref<1x128xi32, #tpu.memory_space<vmem>> -> memref<128xi32, #tpu.memory_space<vmem>>
      %dma_wait3A_851 = arith.constant 0 : i32
      %dma_wait3A_852 = arith.constant 0 : i32
      %dma_wait3A_853 = tpu.memref_slice %arg4[%dma_wait3A_851, %dma_wait3A_852] : memref<10240x128xf32, #tpu.memory_space<hbm>> -> memref<10240x128xf32, #tpu.memory_space<hbm>>
      tpu.wait_indirect_dma semaphore(%arg11 : memref<!tpu.dma_semaphore, #tpu.memory_space<semaphore_mem>>) src(%dma_wait3A_853 : memref<10240x128xf32, #tpu.memory_space<hbm>>) dst(%arg8 : memref<128x128xf32, #tpu.memory_space<vmem>>)
      %dma_start3A_854 = arith.constant 0 : i32
      %dma_start3A_855 = arith.constant 0 : i32
      %dma_start3A_856 = tpu.memref_slice %arg7[%dma_start3A_854, %dma_start3A_855] : memref<4x128xi32, #tpu.memory_space<vmem>> -> memref<1x128xi32, #tpu.memory_space<vmem>>
      %dma_start3A_857 = tpu.memref_squeeze %dma_start3A_856 : memref<1x128xi32, #tpu.memory_space<vmem>> -> memref<128xi32, #tpu.memory_space<vmem>>
      %dma_start3A_858 = arith.constant 0 : i32
      %dma_start3A_859 = arith.constant 0 : i32
      %dma_start3A_860 = tpu.memref_slice %arg10[%dma_start3A_858, %dma_start3A_859] : memref<10240x128xf32, #tpu.memory_space<vmem_shared>> -> memref<10240x128xf32, #tpu.memory_space<vmem_shared>>
      tpu.enqueue_indirect_dma source(%arg8 : memref<128x128xf32, #tpu.memory_space<vmem>>) target(%dma_start3A_860 : memref<10240x128xf32, #tpu.memory_space<vmem_shared>>) offsets(%dma_start3A_857 : memref<128xi32, #tpu.memory_space<vmem>>) semaphore(%arg13 : memref<!tpu.dma_semaphore, #tpu.memory_space<semaphore_mem>>) {add = true}
      %add3A_861 = arith.constant 2 : i32
      %add3A_862 = arith.addi %add3A_845, %add3A_861 : i32
      %lt3A = arith.cmpi slt, %add3A_862, %select_n3A : i32
      %convert_element_type3A_863 = arith.extui %lt3A : i1 to i32
      %cond3A_864 = arith.constant 0 : i32
      %cond3A_865 = arith.cmpi ne, %convert_element_type3A_863, %cond3A_864 : i32
      scf.if %cond3A_865 {
        %dma_wait3A_944 = arith.constant 0 : i32
        %dma_wait3A_945 = arith.constant 0 : i32
        %dma_wait3A_946 = tpu.memref_slice %arg7[%dma_wait3A_944, %dma_wait3A_945] : memref<4x128xi32, #tpu.memory_space<vmem>> -> memref<1x128xi32, #tpu.memory_space<vmem>>
        %dma_wait3A_947 = tpu.memref_squeeze %dma_wait3A_946 : memref<1x128xi32, #tpu.memory_space<vmem>> -> memref<128xi32, #tpu.memory_space<vmem>>
        %dma_wait3A_948 = arith.constant 0 : i32
        %dma_wait3A_949 = arith.constant 0 : i32
        %dma_wait3A_950 = tpu.memref_slice %arg10[%dma_wait3A_948, %dma_wait3A_949] : memref<10240x128xf32, #tpu.memory_space<vmem_shared>> -> memref<10240x128xf32, #tpu.memory_space<vmem_shared>>
        tpu.wait_indirect_dma semaphore(%arg13 : memref<!tpu.dma_semaphore, #tpu.memory_space<semaphore_mem>>) src(%arg8 : memref<128x128xf32, #tpu.memory_space<vmem>>) dst(%dma_wait3A_950 : memref<10240x128xf32, #tpu.memory_space<vmem_shared>>)
        %add3A_951 = arith.constant 2 : i32
        %add3A_952 = arith.addi %add3A_845, %add3A_951 : i32
        %dma_start3A_953 = arith.constant 0 : i32
        %dma_start3A_954 = tpu.memref_slice %arg6[%add3A_952, %dma_start3A_953] : memref<104x128xi32, #tpu.memory_space<vmem>> -> memref<1x128xi32, #tpu.memory_space<vmem>>
        %dma_start3A_955 = tpu.memref_squeeze %dma_start3A_954 : memref<1x128xi32, #tpu.memory_space<vmem>> -> memref<128xi32, #tpu.memory_space<vmem>>
        %dma_start3A_956 = arith.constant 0 : i32
        %dma_start3A_957 = arith.constant 0 : i32
        %dma_start3A_958 = tpu.memref_slice %arg4[%dma_start3A_956, %dma_start3A_957] : memref<10240x128xf32, #tpu.memory_space<hbm>> -> memref<10240x128xf32, #tpu.memory_space<hbm>>
        tpu.enqueue_indirect_dma source(%dma_start3A_958 : memref<10240x128xf32, #tpu.memory_space<hbm>>) target(%arg8 : memref<128x128xf32, #tpu.memory_space<vmem>>) offsets(%dma_start3A_955 : memref<128xi32, #tpu.memory_space<vmem>>) semaphore(%arg11 : memref<!tpu.dma_semaphore, #tpu.memory_space<semaphore_mem>>)
        %add3A_959 = arith.addi %select_n3A_8, %add3A_845 : i32
        %add3A_960 = arith.constant 2 : i32
        %add3A_961 = arith.addi %add3A_959, %add3A_960 : i32
        %dma_start3A_962 = arith.constant 2 : i32
        %dma_start3A_963 = arith.constant 0 : i32
        %dma_start3A_964 = tpu.memref_slice %arg7[%dma_start3A_962, %dma_start3A_963] : memref<4x128xi32, #tpu.memory_space<vmem>> -> memref<1x128xi32, #tpu.memory_space<vmem>>
        %dma_start3A_965 = tpu.memref_squeeze %dma_start3A_964 : memref<1x128xi32, #tpu.memory_space<vmem>> -> memref<128xi32, #tpu.memory_space<vmem>>
        %dma_start3A_966 = arith.constant 0 : i32
        %dma_start3A_967 = tpu.memref_slice %arg3[%add3A_961, %dma_start3A_966] : memref<2664x128xi32, #tpu.memory_space<hbm>> -> memref<1x128xi32, #tpu.memory_space<hbm>>
        %dma_start3A_968 = tpu.memref_squeeze %dma_start3A_967 : memref<1x128xi32, #tpu.memory_space<hbm>> -> memref<128xi32, #tpu.memory_space<hbm>>
        %dma_start3A_969 = arith.constant 0 : i32
        %dma_start3A_970 = tpu.memref_slice %arg7[%dma_start3A_962, %dma_start3A_969] : memref<4x128xi32, #tpu.memory_space<vmem>> -> memref<1x128xi32, #tpu.memory_space<vmem>>
        %dma_start3A_971 = tpu.memref_squeeze %dma_start3A_970 : memref<1x128xi32, #tpu.memory_space<vmem>> -> memref<128xi32, #tpu.memory_space<vmem>>
        %dma_start3A_972 = arith.constant 0 : i32
        %dma_start3A_973 = tpu.memref_slice %arg3[%add3A_961, %dma_start3A_972] : memref<2664x128xi32, #tpu.memory_space<hbm>> -> memref<1x128xi32, #tpu.memory_space<hbm>>
        %dma_start3A_974 = tpu.memref_squeeze %dma_start3A_973 : memref<1x128xi32, #tpu.memory_space<hbm>> -> memref<128xi32, #tpu.memory_space<hbm>>
        tpu.enqueue_dma source(%dma_start3A_974 : memref<128xi32, #tpu.memory_space<hbm>>) target(%dma_start3A_971 : memref<128xi32, #tpu.memory_space<vmem>>) target_semaphore(%arg17 : memref<!tpu.dma_semaphore, #tpu.memory_space<semaphore_mem>>)
      } else {
      }
      %add3A_866 = arith.constant 1 : i32
      %add3A_867 = arith.addi %mul3A_843, %add3A_866 : i32
      %ge3A_868 = arith.constant 2 : i32
      %ge3A_869 = arith.cmpi sge, %add3A_867, %ge3A_868 : i32
      %convert_element_type3A_870 = arith.extui %ge3A_869 : i1 to i32
      %cond3A_871 = arith.constant 0 : i32
      %cond3A_872 = arith.cmpi ne, %convert_element_type3A_870, %cond3A_871 : i32
      scf.if %cond3A_872 {
        %dma_wait3A_944 = arith.constant 0 : i32
        %dma_wait3A_945 = arith.constant 1 : i32
        %dma_wait3A_946 = arith.constant 0 : i32
        %dma_wait3A_947 = tpu.memref_slice %arg7[%dma_wait3A_945, %dma_wait3A_946] : memref<4x128xi32, #tpu.memory_space<vmem>> -> memref<1x128xi32, #tpu.memory_space<vmem>>
        %dma_wait3A_948 = tpu.memref_squeeze %dma_wait3A_947 : memref<1x128xi32, #tpu.memory_space<vmem>> -> memref<128xi32, #tpu.memory_space<vmem>>
        %dma_wait3A_949 = arith.constant 0 : i32
        %dma_wait3A_950 = tpu.memref_slice %arg3[%dma_wait3A_944, %dma_wait3A_949] : memref<2664x128xi32, #tpu.memory_space<hbm>> -> memref<1x128xi32, #tpu.memory_space<hbm>>
        %dma_wait3A_951 = tpu.memref_squeeze %dma_wait3A_950 : memref<1x128xi32, #tpu.memory_space<hbm>> -> memref<128xi32, #tpu.memory_space<hbm>>
        %dma_wait3A_952 = arith.constant 0 : i32
        %dma_wait3A_953 = tpu.memref_slice %arg7[%dma_wait3A_945, %dma_wait3A_952] : memref<4x128xi32, #tpu.memory_space<vmem>> -> memref<1x128xi32, #tpu.memory_space<vmem>>
        %dma_wait3A_954 = tpu.memref_squeeze %dma_wait3A_953 : memref<1x128xi32, #tpu.memory_space<vmem>> -> memref<128xi32, #tpu.memory_space<vmem>>
        %dma_wait3A_955 = arith.constant 0 : i32
        %dma_wait3A_956 = tpu.memref_slice %arg3[%dma_wait3A_944, %dma_wait3A_955] : memref<2664x128xi32, #tpu.memory_space<hbm>> -> memref<1x128xi32, #tpu.memory_space<hbm>>
        %dma_wait3A_957 = tpu.memref_squeeze %dma_wait3A_956 : memref<1x128xi32, #tpu.memory_space<hbm>> -> memref<128xi32, #tpu.memory_space<hbm>>
        tpu.wait_dma2 semaphore(%arg16 : memref<!tpu.dma_semaphore, #tpu.memory_space<semaphore_mem>>) src(%dma_wait3A_957 : memref<128xi32, #tpu.memory_space<hbm>>) dst(%dma_wait3A_954 : memref<128xi32, #tpu.memory_space<vmem>>)
      } else {
      }
      %dma_wait3A_873 = arith.constant 0 : i32
      %dma_wait3A_874 = tpu.memref_slice %arg6[%add3A_867, %dma_wait3A_873] : memref<104x128xi32, #tpu.memory_space<vmem>> -> memref<1x128xi32, #tpu.memory_space<vmem>>
      %dma_wait3A_875 = tpu.memref_squeeze %dma_wait3A_874 : memref<1x128xi32, #tpu.memory_space<vmem>> -> memref<128xi32, #tpu.memory_space<vmem>>
      %dma_wait3A_876 = arith.constant 0 : i32
      %dma_wait3A_877 = arith.constant 0 : i32
      %dma_wait3A_878 = tpu.memref_slice %arg4[%dma_wait3A_876, %dma_wait3A_877] : memref<10240x128xf32, #tpu.memory_space<hbm>> -> memref<10240x128xf32, #tpu.memory_space<hbm>>
      tpu.wait_indirect_dma semaphore(%arg12 : memref<!tpu.dma_semaphore, #tpu.memory_space<semaphore_mem>>) src(%dma_wait3A_878 : memref<10240x128xf32, #tpu.memory_space<hbm>>) dst(%arg9 : memref<128x128xf32, #tpu.memory_space<vmem>>)
      %dma_start3A_879 = arith.constant 1 : i32
      %dma_start3A_880 = arith.constant 0 : i32
      %dma_start3A_881 = tpu.memref_slice %arg7[%dma_start3A_879, %dma_start3A_880] : memref<4x128xi32, #tpu.memory_space<vmem>> -> memref<1x128xi32, #tpu.memory_space<vmem>>
      %dma_start3A_882 = tpu.memref_squeeze %dma_start3A_881 : memref<1x128xi32, #tpu.memory_space<vmem>> -> memref<128xi32, #tpu.memory_space<vmem>>
      %dma_start3A_883 = arith.constant 0 : i32
      %dma_start3A_884 = arith.constant 0 : i32
      %dma_start3A_885 = tpu.memref_slice %arg10[%dma_start3A_883, %dma_start3A_884] : memref<10240x128xf32, #tpu.memory_space<vmem_shared>> -> memref<10240x128xf32, #tpu.memory_space<vmem_shared>>
      tpu.enqueue_indirect_dma source(%arg9 : memref<128x128xf32, #tpu.memory_space<vmem>>) target(%dma_start3A_885 : memref<10240x128xf32, #tpu.memory_space<vmem_shared>>) offsets(%dma_start3A_882 : memref<128xi32, #tpu.memory_space<vmem>>) semaphore(%arg14 : memref<!tpu.dma_semaphore, #tpu.memory_space<semaphore_mem>>) {add = true}
      %add3A_886 = arith.constant 2 : i32
      %add3A_887 = arith.addi %add3A_867, %add3A_886 : i32
      %lt3A_888 = arith.cmpi slt, %add3A_887, %select_n3A : i32
      %convert_element_type3A_889 = arith.extui %lt3A_888 : i1 to i32
      %cond3A_890 = arith.constant 0 : i32
      %cond3A_891 = arith.cmpi ne, %convert_element_type3A_889, %cond3A_890 : i32
      scf.if %cond3A_891 {
        %dma_wait3A_944 = arith.constant 0 : i32
        %dma_wait3A_945 = arith.constant 0 : i32
        %dma_wait3A_946 = tpu.memref_slice %arg7[%dma_wait3A_944, %dma_wait3A_945] : memref<4x128xi32, #tpu.memory_space<vmem>> -> memref<1x128xi32, #tpu.memory_space<vmem>>
        %dma_wait3A_947 = tpu.memref_squeeze %dma_wait3A_946 : memref<1x128xi32, #tpu.memory_space<vmem>> -> memref<128xi32, #tpu.memory_space<vmem>>
        %dma_wait3A_948 = arith.constant 0 : i32
        %dma_wait3A_949 = arith.constant 0 : i32
        %dma_wait3A_950 = tpu.memref_slice %arg10[%dma_wait3A_948, %dma_wait3A_949] : memref<10240x128xf32, #tpu.memory_space<vmem_shared>> -> memref<10240x128xf32, #tpu.memory_space<vmem_shared>>
        tpu.wait_indirect_dma semaphore(%arg14 : memref<!tpu.dma_semaphore, #tpu.memory_space<semaphore_mem>>) src(%arg9 : memref<128x128xf32, #tpu.memory_space<vmem>>) dst(%dma_wait3A_950 : memref<10240x128xf32, #tpu.memory_space<vmem_shared>>)
        %add3A_951 = arith.constant 2 : i32
        %add3A_952 = arith.addi %add3A_867, %add3A_951 : i32
        %dma_start3A_953 = arith.constant 0 : i32
        %dma_start3A_954 = tpu.memref_slice %arg6[%add3A_952, %dma_start3A_953] : memref<104x128xi32, #tpu.memory_space<vmem>> -> memref<1x128xi32, #tpu.memory_space<vmem>>
        %dma_start3A_955 = tpu.memref_squeeze %dma_start3A_954 : memref<1x128xi32, #tpu.memory_space<vmem>> -> memref<128xi32, #tpu.memory_space<vmem>>
        %dma_start3A_956 = arith.constant 0 : i32
        %dma_start3A_957 = arith.constant 0 : i32
        %dma_start3A_958 = tpu.memref_slice %arg4[%dma_start3A_956, %dma_start3A_957] : memref<10240x128xf32, #tpu.memory_space<hbm>> -> memref<10240x128xf32, #tpu.memory_space<hbm>>
        tpu.enqueue_indirect_dma source(%dma_start3A_958 : memref<10240x128xf32, #tpu.memory_space<hbm>>) target(%arg9 : memref<128x128xf32, #tpu.memory_space<vmem>>) offsets(%dma_start3A_955 : memref<128xi32, #tpu.memory_space<vmem>>) semaphore(%arg12 : memref<!tpu.dma_semaphore, #tpu.memory_space<semaphore_mem>>)
        %add3A_959 = arith.addi %select_n3A_8, %add3A_867 : i32
        %add3A_960 = arith.constant 2 : i32
        %add3A_961 = arith.addi %add3A_959, %add3A_960 : i32
        %dma_start3A_962 = arith.constant 3 : i32
        %dma_start3A_963 = arith.constant 0 : i32
        %dma_start3A_964 = tpu.memref_slice %arg7[%dma_start3A_962, %dma_start3A_963] : memref<4x128xi32, #tpu.memory_space<vmem>> -> memref<1x128xi32, #tpu.memory_space<vmem>>
        %dma_start3A_965 = tpu.memref_squeeze %dma_start3A_964 : memref<1x128xi32, #tpu.memory_space<vmem>> -> memref<128xi32, #tpu.memory_space<vmem>>
        %dma_start3A_966 = arith.constant 0 : i32
        %dma_start3A_967 = tpu.memref_slice %arg3[%add3A_961, %dma_start3A_966] : memref<2664x128xi32, #tpu.memory_space<hbm>> -> memref<1x128xi32, #tpu.memory_space<hbm>>
        %dma_start3A_968 = tpu.memref_squeeze %dma_start3A_967 : memref<1x128xi32, #tpu.memory_space<hbm>> -> memref<128xi32, #tpu.memory_space<hbm>>
        %dma_start3A_969 = arith.constant 0 : i32
        %dma_start3A_970 = tpu.memref_slice %arg7[%dma_start3A_962, %dma_start3A_969] : memref<4x128xi32, #tpu.memory_space<vmem>> -> memref<1x128xi32, #tpu.memory_space<vmem>>
        %dma_start3A_971 = tpu.memref_squeeze %dma_start3A_970 : memref<1x128xi32, #tpu.memory_space<vmem>> -> memref<128xi32, #tpu.memory_space<vmem>>
        %dma_start3A_972 = arith.constant 0 : i32
        %dma_start3A_973 = tpu.memref_slice %arg3[%add3A_961, %dma_start3A_972] : memref<2664x128xi32, #tpu.memory_space<hbm>> -> memref<1x128xi32, #tpu.memory_space<hbm>>
        %dma_start3A_974 = tpu.memref_squeeze %dma_start3A_973 : memref<1x128xi32, #tpu.memory_space<hbm>> -> memref<128xi32, #tpu.memory_space<hbm>>
        tpu.enqueue_dma source(%dma_start3A_974 : memref<128xi32, #tpu.memory_space<hbm>>) target(%dma_start3A_971 : memref<128xi32, #tpu.memory_space<vmem>>) target_semaphore(%arg18 : memref<!tpu.dma_semaphore, #tpu.memory_space<semaphore_mem>>)
      } else {
      }
      %add3A_892 = arith.constant 2 : i32
      %add3A_893 = arith.addi %mul3A_843, %add3A_892 : i32
      %ge3A_894 = arith.constant 2 : i32
      %ge3A_895 = arith.cmpi sge, %add3A_893, %ge3A_894 : i32
      %convert_element_type3A_896 = arith.extui %ge3A_895 : i1 to i32
      %cond3A_897 = arith.constant 0 : i32
      %cond3A_898 = arith.cmpi ne, %convert_element_type3A_896, %cond3A_897 : i32
      scf.if %cond3A_898 {
        %dma_wait3A_944 = arith.constant 0 : i32
        %dma_wait3A_945 = arith.constant 2 : i32
        %dma_wait3A_946 = arith.constant 0 : i32
        %dma_wait3A_947 = tpu.memref_slice %arg7[%dma_wait3A_945, %dma_wait3A_946] : memref<4x128xi32, #tpu.memory_space<vmem>> -> memref<1x128xi32, #tpu.memory_space<vmem>>
        %dma_wait3A_948 = tpu.memref_squeeze %dma_wait3A_947 : memref<1x128xi32, #tpu.memory_space<vmem>> -> memref<128xi32, #tpu.memory_space<vmem>>
        %dma_wait3A_949 = arith.constant 0 : i32
        %dma_wait3A_950 = tpu.memref_slice %arg3[%dma_wait3A_944, %dma_wait3A_949] : memref<2664x128xi32, #tpu.memory_space<hbm>> -> memref<1x128xi32, #tpu.memory_space<hbm>>
        %dma_wait3A_951 = tpu.memref_squeeze %dma_wait3A_950 : memref<1x128xi32, #tpu.memory_space<hbm>> -> memref<128xi32, #tpu.memory_space<hbm>>
        %dma_wait3A_952 = arith.constant 0 : i32
        %dma_wait3A_953 = tpu.memref_slice %arg7[%dma_wait3A_945, %dma_wait3A_952] : memref<4x128xi32, #tpu.memory_space<vmem>> -> memref<1x128xi32, #tpu.memory_space<vmem>>
        %dma_wait3A_954 = tpu.memref_squeeze %dma_wait3A_953 : memref<1x128xi32, #tpu.memory_space<vmem>> -> memref<128xi32, #tpu.memory_space<vmem>>
        %dma_wait3A_955 = arith.constant 0 : i32
        %dma_wait3A_956 = tpu.memref_slice %arg3[%dma_wait3A_944, %dma_wait3A_955] : memref<2664x128xi32, #tpu.memory_space<hbm>> -> memref<1x128xi32, #tpu.memory_space<hbm>>
        %dma_wait3A_957 = tpu.memref_squeeze %dma_wait3A_956 : memref<1x128xi32, #tpu.memory_space<hbm>> -> memref<128xi32, #tpu.memory_space<hbm>>
        tpu.wait_dma2 semaphore(%arg17 : memref<!tpu.dma_semaphore, #tpu.memory_space<semaphore_mem>>) src(%dma_wait3A_957 : memref<128xi32, #tpu.memory_space<hbm>>) dst(%dma_wait3A_954 : memref<128xi32, #tpu.memory_space<vmem>>)
      } else {
      }
      %dma_wait3A_899 = arith.constant 0 : i32
      %dma_wait3A_900 = tpu.memref_slice %arg6[%add3A_893, %dma_wait3A_899] : memref<104x128xi32, #tpu.memory_space<vmem>> -> memref<1x128xi32, #tpu.memory_space<vmem>>
      %dma_wait3A_901 = tpu.memref_squeeze %dma_wait3A_900 : memref<1x128xi32, #tpu.memory_space<vmem>> -> memref<128xi32, #tpu.memory_space<vmem>>
      %dma_wait3A_902 = arith.constant 0 : i32
      %dma_wait3A_903 = arith.constant 0 : i32
      %dma_wait3A_904 = tpu.memref_slice %arg4[%dma_wait3A_902, %dma_wait3A_903] : memref<10240x128xf32, #tpu.memory_space<hbm>> -> memref<10240x128xf32, #tpu.memory_space<hbm>>
      tpu.wait_indirect_dma semaphore(%arg11 : memref<!tpu.dma_semaphore, #tpu.memory_space<semaphore_mem>>) src(%dma_wait3A_904 : memref<10240x128xf32, #tpu.memory_space<hbm>>) dst(%arg8 : memref<128x128xf32, #tpu.memory_space<vmem>>)
      %dma_start3A_905 = arith.constant 2 : i32
      %dma_start3A_906 = arith.constant 0 : i32
      %dma_start3A_907 = tpu.memref_slice %arg7[%dma_start3A_905, %dma_start3A_906] : memref<4x128xi32, #tpu.memory_space<vmem>> -> memref<1x128xi32, #tpu.memory_space<vmem>>
      %dma_start3A_908 = tpu.memref_squeeze %dma_start3A_907 : memref<1x128xi32, #tpu.memory_space<vmem>> -> memref<128xi32, #tpu.memory_space<vmem>>
      %dma_start3A_909 = arith.constant 0 : i32
      %dma_start3A_910 = arith.constant 0 : i32
      %dma_start3A_911 = tpu.memref_slice %arg10[%dma_start3A_909, %dma_start3A_910] : memref<10240x128xf32, #tpu.memory_space<vmem_shared>> -> memref<10240x128xf32, #tpu.memory_space<vmem_shared>>
      tpu.enqueue_indirect_dma source(%arg8 : memref<128x128xf32, #tpu.memory_space<vmem>>) target(%dma_start3A_911 : memref<10240x128xf32, #tpu.memory_space<vmem_shared>>) offsets(%dma_start3A_908 : memref<128xi32, #tpu.memory_space<vmem>>) semaphore(%arg13 : memref<!tpu.dma_semaphore, #tpu.memory_space<semaphore_mem>>) {add = true}
      %add3A_912 = arith.constant 2 : i32
      %add3A_913 = arith.addi %add3A_893, %add3A_912 : i32
      %lt3A_914 = arith.cmpi slt, %add3A_913, %select_n3A : i32
      %convert_element_type3A_915 = arith.extui %lt3A_914 : i1 to i32
      %cond3A_916 = arith.constant 0 : i32
      %cond3A_917 = arith.cmpi ne, %convert_element_type3A_915, %cond3A_916 : i32
      scf.if %cond3A_917 {
        %dma_wait3A_944 = arith.constant 0 : i32
        %dma_wait3A_945 = arith.constant 0 : i32
        %dma_wait3A_946 = tpu.memref_slice %arg7[%dma_wait3A_944, %dma_wait3A_945] : memref<4x128xi32, #tpu.memory_space<vmem>> -> memref<1x128xi32, #tpu.memory_space<vmem>>
        %dma_wait3A_947 = tpu.memref_squeeze %dma_wait3A_946 : memref<1x128xi32, #tpu.memory_space<vmem>> -> memref<128xi32, #tpu.memory_space<vmem>>
        %dma_wait3A_948 = arith.constant 0 : i32
        %dma_wait3A_949 = arith.constant 0 : i32
        %dma_wait3A_950 = tpu.memref_slice %arg10[%dma_wait3A_948, %dma_wait3A_949] : memref<10240x128xf32, #tpu.memory_space<vmem_shared>> -> memref<10240x128xf32, #tpu.memory_space<vmem_shared>>
        tpu.wait_indirect_dma semaphore(%arg13 : memref<!tpu.dma_semaphore, #tpu.memory_space<semaphore_mem>>) src(%arg8 : memref<128x128xf32, #tpu.memory_space<vmem>>) dst(%dma_wait3A_950 : memref<10240x128xf32, #tpu.memory_space<vmem_shared>>)
        %add3A_951 = arith.constant 2 : i32
        %add3A_952 = arith.addi %add3A_893, %add3A_951 : i32
        %dma_start3A_953 = arith.constant 0 : i32
        %dma_start3A_954 = tpu.memref_slice %arg6[%add3A_952, %dma_start3A_953] : memref<104x128xi32, #tpu.memory_space<vmem>> -> memref<1x128xi32, #tpu.memory_space<vmem>>
        %dma_start3A_955 = tpu.memref_squeeze %dma_start3A_954 : memref<1x128xi32, #tpu.memory_space<vmem>> -> memref<128xi32, #tpu.memory_space<vmem>>
        %dma_start3A_956 = arith.constant 0 : i32
        %dma_start3A_957 = arith.constant 0 : i32
        %dma_start3A_958 = tpu.memref_slice %arg4[%dma_start3A_956, %dma_start3A_957] : memref<10240x128xf32, #tpu.memory_space<hbm>> -> memref<10240x128xf32, #tpu.memory_space<hbm>>
        tpu.enqueue_indirect_dma source(%dma_start3A_958 : memref<10240x128xf32, #tpu.memory_space<hbm>>) target(%arg8 : memref<128x128xf32, #tpu.memory_space<vmem>>) offsets(%dma_start3A_955 : memref<128xi32, #tpu.memory_space<vmem>>) semaphore(%arg11 : memref<!tpu.dma_semaphore, #tpu.memory_space<semaphore_mem>>)
        %add3A_959 = arith.addi %select_n3A_8, %add3A_893 : i32
        %add3A_960 = arith.constant 2 : i32
        %add3A_961 = arith.addi %add3A_959, %add3A_960 : i32
        %dma_start3A_962 = arith.constant 0 : i32
        %dma_start3A_963 = arith.constant 0 : i32
        %dma_start3A_964 = tpu.memref_slice %arg7[%dma_start3A_962, %dma_start3A_963] : memref<4x128xi32, #tpu.memory_space<vmem>> -> memref<1x128xi32, #tpu.memory_space<vmem>>
        %dma_start3A_965 = tpu.memref_squeeze %dma_start3A_964 : memref<1x128xi32, #tpu.memory_space<vmem>> -> memref<128xi32, #tpu.memory_space<vmem>>
        %dma_start3A_966 = arith.constant 0 : i32
        %dma_start3A_967 = tpu.memref_slice %arg3[%add3A_961, %dma_start3A_966] : memref<2664x128xi32, #tpu.memory_space<hbm>> -> memref<1x128xi32, #tpu.memory_space<hbm>>
        %dma_start3A_968 = tpu.memref_squeeze %dma_start3A_967 : memref<1x128xi32, #tpu.memory_space<hbm>> -> memref<128xi32, #tpu.memory_space<hbm>>
        %dma_start3A_969 = arith.constant 0 : i32
        %dma_start3A_970 = tpu.memref_slice %arg7[%dma_start3A_962, %dma_start3A_969] : memref<4x128xi32, #tpu.memory_space<vmem>> -> memref<1x128xi32, #tpu.memory_space<vmem>>
        %dma_start3A_971 = tpu.memref_squeeze %dma_start3A_970 : memref<1x128xi32, #tpu.memory_space<vmem>> -> memref<128xi32, #tpu.memory_space<vmem>>
        %dma_start3A_972 = arith.constant 0 : i32
        %dma_start3A_973 = tpu.memref_slice %arg3[%add3A_961, %dma_start3A_972] : memref<2664x128xi32, #tpu.memory_space<hbm>> -> memref<1x128xi32, #tpu.memory_space<hbm>>
        %dma_start3A_974 = tpu.memref_squeeze %dma_start3A_973 : memref<1x128xi32, #tpu.memory_space<hbm>> -> memref<128xi32, #tpu.memory_space<hbm>>
        tpu.enqueue_dma source(%dma_start3A_974 : memref<128xi32, #tpu.memory_space<hbm>>) target(%dma_start3A_971 : memref<128xi32, #tpu.memory_space<vmem>>) target_semaphore(%arg15 : memref<!tpu.dma_semaphore, #tpu.memory_space<semaphore_mem>>)
      } else {
      }
      %add3A_918 = arith.constant 3 : i32
      %add3A_919 = arith.addi %mul3A_843, %add3A_918 : i32
      %ge3A_920 = arith.constant 2 : i32
      %ge3A_921 = arith.cmpi sge, %add3A_919, %ge3A_920 : i32
      %convert_element_type3A_922 = arith.extui %ge3A_921 : i1 to i32
      %cond3A_923 = arith.constant 0 : i32
      %cond3A_924 = arith.cmpi ne, %convert_element_type3A_922, %cond3A_923 : i32
      scf.if %cond3A_924 {
        %dma_wait3A_944 = arith.constant 0 : i32
        %dma_wait3A_945 = arith.constant 3 : i32
        %dma_wait3A_946 = arith.constant 0 : i32
        %dma_wait3A_947 = tpu.memref_slice %arg7[%dma_wait3A_945, %dma_wait3A_946] : memref<4x128xi32, #tpu.memory_space<vmem>> -> memref<1x128xi32, #tpu.memory_space<vmem>>
        %dma_wait3A_948 = tpu.memref_squeeze %dma_wait3A_947 : memref<1x128xi32, #tpu.memory_space<vmem>> -> memref<128xi32, #tpu.memory_space<vmem>>
        %dma_wait3A_949 = arith.constant 0 : i32
        %dma_wait3A_950 = tpu.memref_slice %arg3[%dma_wait3A_944, %dma_wait3A_949] : memref<2664x128xi32, #tpu.memory_space<hbm>> -> memref<1x128xi32, #tpu.memory_space<hbm>>
        %dma_wait3A_951 = tpu.memref_squeeze %dma_wait3A_950 : memref<1x128xi32, #tpu.memory_space<hbm>> -> memref<128xi32, #tpu.memory_space<hbm>>
        %dma_wait3A_952 = arith.constant 0 : i32
        %dma_wait3A_953 = tpu.memref_slice %arg7[%dma_wait3A_945, %dma_wait3A_952] : memref<4x128xi32, #tpu.memory_space<vmem>> -> memref<1x128xi32, #tpu.memory_space<vmem>>
        %dma_wait3A_954 = tpu.memref_squeeze %dma_wait3A_953 : memref<1x128xi32, #tpu.memory_space<vmem>> -> memref<128xi32, #tpu.memory_space<vmem>>
        %dma_wait3A_955 = arith.constant 0 : i32
        %dma_wait3A_956 = tpu.memref_slice %arg3[%dma_wait3A_944, %dma_wait3A_955] : memref<2664x128xi32, #tpu.memory_space<hbm>> -> memref<1x128xi32, #tpu.memory_space<hbm>>
        %dma_wait3A_957 = tpu.memref_squeeze %dma_wait3A_956 : memref<1x128xi32, #tpu.memory_space<hbm>> -> memref<128xi32, #tpu.memory_space<hbm>>
        tpu.wait_dma2 semaphore(%arg18 : memref<!tpu.dma_semaphore, #tpu.memory_space<semaphore_mem>>) src(%dma_wait3A_957 : memref<128xi32, #tpu.memory_space<hbm>>) dst(%dma_wait3A_954 : memref<128xi32, #tpu.memory_space<vmem>>)
      } else {
      }
      %dma_wait3A_925 = arith.constant 0 : i32
      %dma_wait3A_926 = tpu.memref_slice %arg6[%add3A_919, %dma_wait3A_925] : memref<104x128xi32, #tpu.memory_space<vmem>> -> memref<1x128xi32, #tpu.memory_space<vmem>>
      %dma_wait3A_927 = tpu.memref_squeeze %dma_wait3A_926 : memref<1x128xi32, #tpu.memory_space<vmem>> -> memref<128xi32, #tpu.memory_space<vmem>>
      %dma_wait3A_928 = arith.constant 0 : i32
      %dma_wait3A_929 = arith.constant 0 : i32
      %dma_wait3A_930 = tpu.memref_slice %arg4[%dma_wait3A_928, %dma_wait3A_929] : memref<10240x128xf32, #tpu.memory_space<hbm>> -> memref<10240x128xf32, #tpu.memory_space<hbm>>
      tpu.wait_indirect_dma semaphore(%arg12 : memref<!tpu.dma_semaphore, #tpu.memory_space<semaphore_mem>>) src(%dma_wait3A_930 : memref<10240x128xf32, #tpu.memory_space<hbm>>) dst(%arg9 : memref<128x128xf32, #tpu.memory_space<vmem>>)
      %dma_start3A_931 = arith.constant 3 : i32
      %dma_start3A_932 = arith.constant 0 : i32
      %dma_start3A_933 = tpu.memref_slice %arg7[%dma_start3A_931, %dma_start3A_932] : memref<4x128xi32, #tpu.memory_space<vmem>> -> memref<1x128xi32, #tpu.memory_space<vmem>>
      %dma_start3A_934 = tpu.memref_squeeze %dma_start3A_933 : memref<1x128xi32, #tpu.memory_space<vmem>> -> memref<128xi32, #tpu.memory_space<vmem>>
      %dma_start3A_935 = arith.constant 0 : i32
      %dma_start3A_936 = arith.constant 0 : i32
      %dma_start3A_937 = tpu.memref_slice %arg10[%dma_start3A_935, %dma_start3A_936] : memref<10240x128xf32, #tpu.memory_space<vmem_shared>> -> memref<10240x128xf32, #tpu.memory_space<vmem_shared>>
      tpu.enqueue_indirect_dma source(%arg9 : memref<128x128xf32, #tpu.memory_space<vmem>>) target(%dma_start3A_937 : memref<10240x128xf32, #tpu.memory_space<vmem_shared>>) offsets(%dma_start3A_934 : memref<128xi32, #tpu.memory_space<vmem>>) semaphore(%arg14 : memref<!tpu.dma_semaphore, #tpu.memory_space<semaphore_mem>>) {add = true}
      %add3A_938 = arith.constant 2 : i32
      %add3A_939 = arith.addi %add3A_919, %add3A_938 : i32
      %lt3A_940 = arith.cmpi slt, %add3A_939, %select_n3A : i32
      %convert_element_type3A_941 = arith.extui %lt3A_940 : i1 to i32
      %cond3A_942 = arith.constant 0 : i32
      %cond3A_943 = arith.cmpi ne, %convert_element_type3A_941, %cond3A_942 : i32
      scf.if %cond3A_943 {
        %dma_wait3A_944 = arith.constant 0 : i32
        %dma_wait3A_945 = arith.constant 0 : i32
        %dma_wait3A_946 = tpu.memref_slice %arg7[%dma_wait3A_944, %dma_wait3A_945] : memref<4x128xi32, #tpu.memory_space<vmem>> -> memref<1x128xi32, #tpu.memory_space<vmem>>
        %dma_wait3A_947 = tpu.memref_squeeze %dma_wait3A_946 : memref<1x128xi32, #tpu.memory_space<vmem>> -> memref<128xi32, #tpu.memory_space<vmem>>
        %dma_wait3A_948 = arith.constant 0 : i32
        %dma_wait3A_949 = arith.constant 0 : i32
        %dma_wait3A_950 = tpu.memref_slice %arg10[%dma_wait3A_948, %dma_wait3A_949] : memref<10240x128xf32, #tpu.memory_space<vmem_shared>> -> memref<10240x128xf32, #tpu.memory_space<vmem_shared>>
        tpu.wait_indirect_dma semaphore(%arg14 : memref<!tpu.dma_semaphore, #tpu.memory_space<semaphore_mem>>) src(%arg9 : memref<128x128xf32, #tpu.memory_space<vmem>>) dst(%dma_wait3A_950 : memref<10240x128xf32, #tpu.memory_space<vmem_shared>>)
        %add3A_951 = arith.constant 2 : i32
        %add3A_952 = arith.addi %add3A_919, %add3A_951 : i32
        %dma_start3A_953 = arith.constant 0 : i32
        %dma_start3A_954 = tpu.memref_slice %arg6[%add3A_952, %dma_start3A_953] : memref<104x128xi32, #tpu.memory_space<vmem>> -> memref<1x128xi32, #tpu.memory_space<vmem>>
        %dma_start3A_955 = tpu.memref_squeeze %dma_start3A_954 : memref<1x128xi32, #tpu.memory_space<vmem>> -> memref<128xi32, #tpu.memory_space<vmem>>
        %dma_start3A_956 = arith.constant 0 : i32
        %dma_start3A_957 = arith.constant 0 : i32
        %dma_start3A_958 = tpu.memref_slice %arg4[%dma_start3A_956, %dma_start3A_957] : memref<10240x128xf32, #tpu.memory_space<hbm>> -> memref<10240x128xf32, #tpu.memory_space<hbm>>
        tpu.enqueue_indirect_dma source(%dma_start3A_958 : memref<10240x128xf32, #tpu.memory_space<hbm>>) target(%arg9 : memref<128x128xf32, #tpu.memory_space<vmem>>) offsets(%dma_start3A_955 : memref<128xi32, #tpu.memory_space<vmem>>) semaphore(%arg12 : memref<!tpu.dma_semaphore, #tpu.memory_space<semaphore_mem>>)
        %add3A_959 = arith.addi %select_n3A_8, %add3A_919 : i32
        %add3A_960 = arith.constant 2 : i32
        %add3A_961 = arith.addi %add3A_959, %add3A_960 : i32
        %dma_start3A_962 = arith.constant 1 : i32
        %dma_start3A_963 = arith.constant 0 : i32
        %dma_start3A_964 = tpu.memref_slice %arg7[%dma_start3A_962, %dma_start3A_963] : memref<4x128xi32, #tpu.memory_space<vmem>> -> memref<1x128xi32, #tpu.memory_space<vmem>>
        %dma_start3A_965 = tpu.memref_squeeze %dma_start3A_964 : memref<1x128xi32, #tpu.memory_space<vmem>> -> memref<128xi32, #tpu.memory_space<vmem>>
        %dma_start3A_966 = arith.constant 0 : i32
        %dma_start3A_967 = tpu.memref_slice %arg3[%add3A_961, %dma_start3A_966] : memref<2664x128xi32, #tpu.memory_space<hbm>> -> memref<1x128xi32, #tpu.memory_space<hbm>>
        %dma_start3A_968 = tpu.memref_squeeze %dma_start3A_967 : memref<1x128xi32, #tpu.memory_space<hbm>> -> memref<128xi32, #tpu.memory_space<hbm>>
        %dma_start3A_969 = arith.constant 0 : i32
        %dma_start3A_970 = tpu.memref_slice %arg7[%dma_start3A_962, %dma_start3A_969] : memref<4x128xi32, #tpu.memory_space<vmem>> -> memref<1x128xi32, #tpu.memory_space<vmem>>
        %dma_start3A_971 = tpu.memref_squeeze %dma_start3A_970 : memref<1x128xi32, #tpu.memory_space<vmem>> -> memref<128xi32, #tpu.memory_space<vmem>>
        %dma_start3A_972 = arith.constant 0 : i32
        %dma_start3A_973 = tpu.memref_slice %arg3[%add3A_961, %dma_start3A_972] : memref<2664x128xi32, #tpu.memory_space<hbm>> -> memref<1x128xi32, #tpu.memory_space<hbm>>
        %dma_start3A_974 = tpu.memref_squeeze %dma_start3A_973 : memref<1x128xi32, #tpu.memory_space<hbm>> -> memref<128xi32, #tpu.memory_space<hbm>>
        tpu.enqueue_dma source(%dma_start3A_974 : memref<128xi32, #tpu.memory_space<hbm>>) target(%dma_start3A_971 : memref<128xi32, #tpu.memory_space<vmem>>) target_semaphore(%arg16 : memref<!tpu.dma_semaphore, #tpu.memory_space<semaphore_mem>>)
      } else {
      }
    }
    %while3A_826 = arith.constant 1 : i32
    scf.for %while3A_841 = %while3A_824 to %while3A_820 step %while3A_826  : i32 {
      %mul3A_842 = arith.constant 4 : i32
      %mul3A_843 = arith.muli %mul3A_842, %while3A_841 : i32
      %add3A_844 = arith.constant 0 : i32
      %add3A_845 = arith.addi %mul3A_843, %add3A_844 : i32
      %ge3A = arith.constant 2 : i32
      %ge3A_846 = arith.cmpi sge, %add3A_845, %ge3A : i32
      %convert_element_type3A = arith.extui %ge3A_846 : i1 to i32
      %cond3A = arith.constant 0 : i32
      %cond3A_847 = arith.cmpi ne, %convert_element_type3A, %cond3A : i32
      scf.if %cond3A_847 {
        %dma_wait3A_944 = arith.constant 0 : i32
        %dma_wait3A_945 = arith.constant 0 : i32
        %dma_wait3A_946 = arith.constant 0 : i32
        %dma_wait3A_947 = tpu.memref_slice %arg7[%dma_wait3A_945, %dma_wait3A_946] : memref<4x128xi32, #tpu.memory_space<vmem>> -> memref<1x128xi32, #tpu.memory_space<vmem>>
        %dma_wait3A_948 = tpu.memref_squeeze %dma_wait3A_947 : memref<1x128xi32, #tpu.memory_space<vmem>> -> memref<128xi32, #tpu.memory_space<vmem>>
        %dma_wait3A_949 = arith.constant 0 : i32
        %dma_wait3A_950 = tpu.memref_slice %arg3[%dma_wait3A_944, %dma_wait3A_949] : memref<2664x128xi32, #tpu.memory_space<hbm>> -> memref<1x128xi32, #tpu.memory_space<hbm>>
        %dma_wait3A_951 = tpu.memref_squeeze %dma_wait3A_950 : memref<1x128xi32, #tpu.memory_space<hbm>> -> memref<128xi32, #tpu.memory_space<hbm>>
        %dma_wait3A_952 = arith.constant 0 : i32
        %dma_wait3A_953 = tpu.memref_slice %arg7[%dma_wait3A_945, %dma_wait3A_952] : memref<4x128xi32, #tpu.memory_space<vmem>> -> memref<1x128xi32, #tpu.memory_space<vmem>>
        %dma_wait3A_954 = tpu.memref_squeeze %dma_wait3A_953 : memref<1x128xi32, #tpu.memory_space<vmem>> -> memref<128xi32, #tpu.memory_space<vmem>>
        %dma_wait3A_955 = arith.constant 0 : i32
        %dma_wait3A_956 = tpu.memref_slice %arg3[%dma_wait3A_944, %dma_wait3A_955] : memref<2664x128xi32, #tpu.memory_space<hbm>> -> memref<1x128xi32, #tpu.memory_space<hbm>>
        %dma_wait3A_957 = tpu.memref_squeeze %dma_wait3A_956 : memref<1x128xi32, #tpu.memory_space<hbm>> -> memref<128xi32, #tpu.memory_space<hbm>>
        tpu.wait_dma2 semaphore(%arg15 : memref<!tpu.dma_semaphore, #tpu.memory_space<semaphore_mem>>) src(%dma_wait3A_957 : memref<128xi32, #tpu.memory_space<hbm>>) dst(%dma_wait3A_954 : memref<128xi32, #tpu.memory_space<vmem>>)
      } else {
      }
      %dma_wait3A_848 = arith.constant 0 : i32
      %dma_wait3A_849 = tpu.memref_slice %arg6[%add3A_845, %dma_wait3A_848] : memref<104x128xi32, #tpu.memory_space<vmem>> -> memref<1x128xi32, #tpu.memory_space<vmem>>
      %dma_wait3A_850 = tpu.memref_squeeze %dma_wait3A_849 : memref<1x128xi32, #tpu.memory_space<vmem>> -> memref<128xi32, #tpu.memory_space<vmem>>
      %dma_wait3A_851 = arith.constant 0 : i32
      %dma_wait3A_852 = arith.constant 0 : i32
      %dma_wait3A_853 = tpu.memref_slice %arg4[%dma_wait3A_851, %dma_wait3A_852] : memref<10240x128xf32, #tpu.memory_space<hbm>> -> memref<10240x128xf32, #tpu.memory_space<hbm>>
      tpu.wait_indirect_dma semaphore(%arg11 : memref<!tpu.dma_semaphore, #tpu.memory_space<semaphore_mem>>) src(%dma_wait3A_853 : memref<10240x128xf32, #tpu.memory_space<hbm>>) dst(%arg8 : memref<128x128xf32, #tpu.memory_space<vmem>>)
      %dma_start3A_854 = arith.constant 0 : i32
      %dma_start3A_855 = arith.constant 0 : i32
      %dma_start3A_856 = tpu.memref_slice %arg7[%dma_start3A_854, %dma_start3A_855] : memref<4x128xi32, #tpu.memory_space<vmem>> -> memref<1x128xi32, #tpu.memory_space<vmem>>
      %dma_start3A_857 = tpu.memref_squeeze %dma_start3A_856 : memref<1x128xi32, #tpu.memory_space<vmem>> -> memref<128xi32, #tpu.memory_space<vmem>>
      %dma_start3A_858 = arith.constant 0 : i32
      %dma_start3A_859 = arith.constant 0 : i32
      %dma_start3A_860 = tpu.memref_slice %arg10[%dma_start3A_858, %dma_start3A_859] : memref<10240x128xf32, #tpu.memory_space<vmem_shared>> -> memref<10240x128xf32, #tpu.memory_space<vmem_shared>>
      tpu.enqueue_indirect_dma source(%arg8 : memref<128x128xf32, #tpu.memory_space<vmem>>) target(%dma_start3A_860 : memref<10240x128xf32, #tpu.memory_space<vmem_shared>>) offsets(%dma_start3A_857 : memref<128xi32, #tpu.memory_space<vmem>>) semaphore(%arg13 : memref<!tpu.dma_semaphore, #tpu.memory_space<semaphore_mem>>) {add = true}
      %add3A_861 = arith.constant 2 : i32
      %add3A_862 = arith.addi %add3A_845, %add3A_861 : i32
      %lt3A = arith.cmpi slt, %add3A_862, %select_n3A : i32
      %convert_element_type3A_863 = arith.extui %lt3A : i1 to i32
      %cond3A_864 = arith.constant 0 : i32
      %cond3A_865 = arith.cmpi ne, %convert_element_type3A_863, %cond3A_864 : i32
      scf.if %cond3A_865 {
        %dma_wait3A_944 = arith.constant 0 : i32
        %dma_wait3A_945 = arith.constant 0 : i32
        %dma_wait3A_946 = tpu.memref_slice %arg7[%dma_wait3A_944, %dma_wait3A_945] : memref<4x128xi32, #tpu.memory_space<vmem>> -> memref<1x128xi32, #tpu.memory_space<vmem>>
        %dma_wait3A_947 = tpu.memref_squeeze %dma_wait3A_946 : memref<1x128xi32, #tpu.memory_space<vmem>> -> memref<128xi32, #tpu.memory_space<vmem>>
        %dma_wait3A_948 = arith.constant 0 : i32
        %dma_wait3A_949 = arith.constant 0 : i32
        %dma_wait3A_950 = tpu.memref_slice %arg10[%dma_wait3A_948, %dma_wait3A_949] : memref<10240x128xf32, #tpu.memory_space<vmem_shared>> -> memref<10240x128xf32, #tpu.memory_space<vmem_shared>>
        tpu.wait_indirect_dma semaphore(%arg13 : memref<!tpu.dma_semaphore, #tpu.memory_space<semaphore_mem>>) src(%arg8 : memref<128x128xf32, #tpu.memory_space<vmem>>) dst(%dma_wait3A_950 : memref<10240x128xf32, #tpu.memory_space<vmem_shared>>)
        %add3A_951 = arith.constant 2 : i32
        %add3A_952 = arith.addi %add3A_845, %add3A_951 : i32
        %dma_start3A_953 = arith.constant 0 : i32
        %dma_start3A_954 = tpu.memref_slice %arg6[%add3A_952, %dma_start3A_953] : memref<104x128xi32, #tpu.memory_space<vmem>> -> memref<1x128xi32, #tpu.memory_space<vmem>>
        %dma_start3A_955 = tpu.memref_squeeze %dma_start3A_954 : memref<1x128xi32, #tpu.memory_space<vmem>> -> memref<128xi32, #tpu.memory_space<vmem>>
        %dma_start3A_956 = arith.constant 0 : i32
        %dma_start3A_957 = arith.constant 0 : i32
        %dma_start3A_958 = tpu.memref_slice %arg4[%dma_start3A_956, %dma_start3A_957] : memref<10240x128xf32, #tpu.memory_space<hbm>> -> memref<10240x128xf32, #tpu.memory_space<hbm>>
        tpu.enqueue_indirect_dma source(%dma_start3A_958 : memref<10240x128xf32, #tpu.memory_space<hbm>>) target(%arg8 : memref<128x128xf32, #tpu.memory_space<vmem>>) offsets(%dma_start3A_955 : memref<128xi32, #tpu.memory_space<vmem>>) semaphore(%arg11 : memref<!tpu.dma_semaphore, #tpu.memory_space<semaphore_mem>>)
        %add3A_959 = arith.addi %select_n3A_8, %add3A_845 : i32
        %add3A_960 = arith.constant 2 : i32
        %add3A_961 = arith.addi %add3A_959, %add3A_960 : i32
        %dma_start3A_962 = arith.constant 2 : i32
        %dma_start3A_963 = arith.constant 0 : i32
        %dma_start3A_964 = tpu.memref_slice %arg7[%dma_start3A_962, %dma_start3A_963] : memref<4x128xi32, #tpu.memory_space<vmem>> -> memref<1x128xi32, #tpu.memory_space<vmem>>
        %dma_start3A_965 = tpu.memref_squeeze %dma_start3A_964 : memref<1x128xi32, #tpu.memory_space<vmem>> -> memref<128xi32, #tpu.memory_space<vmem>>
        %dma_start3A_966 = arith.constant 0 : i32
        %dma_start3A_967 = tpu.memref_slice %arg3[%add3A_961, %dma_start3A_966] : memref<2664x128xi32, #tpu.memory_space<hbm>> -> memref<1x128xi32, #tpu.memory_space<hbm>>
        %dma_start3A_968 = tpu.memref_squeeze %dma_start3A_967 : memref<1x128xi32, #tpu.memory_space<hbm>> -> memref<128xi32, #tpu.memory_space<hbm>>
        %dma_start3A_969 = arith.constant 0 : i32
        %dma_start3A_970 = tpu.memref_slice %arg7[%dma_start3A_962, %dma_start3A_969] : memref<4x128xi32, #tpu.memory_space<vmem>> -> memref<1x128xi32, #tpu.memory_space<vmem>>
        %dma_start3A_971 = tpu.memref_squeeze %dma_start3A_970 : memref<1x128xi32, #tpu.memory_space<vmem>> -> memref<128xi32, #tpu.memory_space<vmem>>
        %dma_start3A_972 = arith.constant 0 : i32
        %dma_start3A_973 = tpu.memref_slice %arg3[%add3A_961, %dma_start3A_972] : memref<2664x128xi32, #tpu.memory_space<hbm>> -> memref<1x128xi32, #tpu.memory_space<hbm>>
        %dma_start3A_974 = tpu.memref_squeeze %dma_start3A_973 : memref<1x128xi32, #tpu.memory_space<hbm>> -> memref<128xi32, #tpu.memory_space<hbm>>
        tpu.enqueue_dma source(%dma_start3A_974 : memref<128xi32, #tpu.memory_space<hbm>>) target(%dma_start3A_971 : memref<128xi32, #tpu.memory_space<vmem>>) target_semaphore(%arg17 : memref<!tpu.dma_semaphore, #tpu.memory_space<semaphore_mem>>)
      } else {
      }
      %add3A_866 = arith.constant 1 : i32
      %add3A_867 = arith.addi %mul3A_843, %add3A_866 : i32
      %ge3A_868 = arith.constant 2 : i32
      %ge3A_869 = arith.cmpi sge, %add3A_867, %ge3A_868 : i32
      %convert_element_type3A_870 = arith.extui %ge3A_869 : i1 to i32
      %cond3A_871 = arith.constant 0 : i32
      %cond3A_872 = arith.cmpi ne, %convert_element_type3A_870, %cond3A_871 : i32
      scf.if %cond3A_872 {
        %dma_wait3A_944 = arith.constant 0 : i32
        %dma_wait3A_945 = arith.constant 1 : i32
        %dma_wait3A_946 = arith.constant 0 : i32
        %dma_wait3A_947 = tpu.memref_slice %arg7[%dma_wait3A_945, %dma_wait3A_946] : memref<4x128xi32, #tpu.memory_space<vmem>> -> memref<1x128xi32, #tpu.memory_space<vmem>>
        %dma_wait3A_948 = tpu.memref_squeeze %dma_wait3A_947 : memref<1x128xi32, #tpu.memory_space<vmem>> -> memref<128xi32, #tpu.memory_space<vmem>>
        %dma_wait3A_949 = arith.constant 0 : i32
        %dma_wait3A_950 = tpu.memref_slice %arg3[%dma_wait3A_944, %dma_wait3A_949] : memref<2664x128xi32, #tpu.memory_space<hbm>> -> memref<1x128xi32, #tpu.memory_space<hbm>>
        %dma_wait3A_951 = tpu.memref_squeeze %dma_wait3A_950 : memref<1x128xi32, #tpu.memory_space<hbm>> -> memref<128xi32, #tpu.memory_space<hbm>>
        %dma_wait3A_952 = arith.constant 0 : i32
        %dma_wait3A_953 = tpu.memref_slice %arg7[%dma_wait3A_945, %dma_wait3A_952] : memref<4x128xi32, #tpu.memory_space<vmem>> -> memref<1x128xi32, #tpu.memory_space<vmem>>
        %dma_wait3A_954 = tpu.memref_squeeze %dma_wait3A_953 : memref<1x128xi32, #tpu.memory_space<vmem>> -> memref<128xi32, #tpu.memory_space<vmem>>
        %dma_wait3A_955 = arith.constant 0 : i32
        %dma_wait3A_956 = tpu.memref_slice %arg3[%dma_wait3A_944, %dma_wait3A_955] : memref<2664x128xi32, #tpu.memory_space<hbm>> -> memref<1x128xi32, #tpu.memory_space<hbm>>
        %dma_wait3A_957 = tpu.memref_squeeze %dma_wait3A_956 : memref<1x128xi32, #tpu.memory_space<hbm>> -> memref<128xi32, #tpu.memory_space<hbm>>
        tpu.wait_dma2 semaphore(%arg16 : memref<!tpu.dma_semaphore, #tpu.memory_space<semaphore_mem>>) src(%dma_wait3A_957 : memref<128xi32, #tpu.memory_space<hbm>>) dst(%dma_wait3A_954 : memref<128xi32, #tpu.memory_space<vmem>>)
      } else {
      }
      %dma_wait3A_873 = arith.constant 0 : i32
      %dma_wait3A_874 = tpu.memref_slice %arg6[%add3A_867, %dma_wait3A_873] : memref<104x128xi32, #tpu.memory_space<vmem>> -> memref<1x128xi32, #tpu.memory_space<vmem>>
      %dma_wait3A_875 = tpu.memref_squeeze %dma_wait3A_874 : memref<1x128xi32, #tpu.memory_space<vmem>> -> memref<128xi32, #tpu.memory_space<vmem>>
      %dma_wait3A_876 = arith.constant 0 : i32
      %dma_wait3A_877 = arith.constant 0 : i32
      %dma_wait3A_878 = tpu.memref_slice %arg4[%dma_wait3A_876, %dma_wait3A_877] : memref<10240x128xf32, #tpu.memory_space<hbm>> -> memref<10240x128xf32, #tpu.memory_space<hbm>>
      tpu.wait_indirect_dma semaphore(%arg12 : memref<!tpu.dma_semaphore, #tpu.memory_space<semaphore_mem>>) src(%dma_wait3A_878 : memref<10240x128xf32, #tpu.memory_space<hbm>>) dst(%arg9 : memref<128x128xf32, #tpu.memory_space<vmem>>)
      %dma_start3A_879 = arith.constant 1 : i32
      %dma_start3A_880 = arith.constant 0 : i32
      %dma_start3A_881 = tpu.memref_slice %arg7[%dma_start3A_879, %dma_start3A_880] : memref<4x128xi32, #tpu.memory_space<vmem>> -> memref<1x128xi32, #tpu.memory_space<vmem>>
      %dma_start3A_882 = tpu.memref_squeeze %dma_start3A_881 : memref<1x128xi32, #tpu.memory_space<vmem>> -> memref<128xi32, #tpu.memory_space<vmem>>
      %dma_start3A_883 = arith.constant 0 : i32
      %dma_start3A_884 = arith.constant 0 : i32
      %dma_start3A_885 = tpu.memref_slice %arg10[%dma_start3A_883, %dma_start3A_884] : memref<10240x128xf32, #tpu.memory_space<vmem_shared>> -> memref<10240x128xf32, #tpu.memory_space<vmem_shared>>
      tpu.enqueue_indirect_dma source(%arg9 : memref<128x128xf32, #tpu.memory_space<vmem>>) target(%dma_start3A_885 : memref<10240x128xf32, #tpu.memory_space<vmem_shared>>) offsets(%dma_start3A_882 : memref<128xi32, #tpu.memory_space<vmem>>) semaphore(%arg14 : memref<!tpu.dma_semaphore, #tpu.memory_space<semaphore_mem>>) {add = true}
      %add3A_886 = arith.constant 2 : i32
      %add3A_887 = arith.addi %add3A_867, %add3A_886 : i32
      %lt3A_888 = arith.cmpi slt, %add3A_887, %select_n3A : i32
      %convert_element_type3A_889 = arith.extui %lt3A_888 : i1 to i32
      %cond3A_890 = arith.constant 0 : i32
      %cond3A_891 = arith.cmpi ne, %convert_element_type3A_889, %cond3A_890 : i32
      scf.if %cond3A_891 {
        %dma_wait3A_944 = arith.constant 0 : i32
        %dma_wait3A_945 = arith.constant 0 : i32
        %dma_wait3A_946 = tpu.memref_slice %arg7[%dma_wait3A_944, %dma_wait3A_945] : memref<4x128xi32, #tpu.memory_space<vmem>> -> memref<1x128xi32, #tpu.memory_space<vmem>>
        %dma_wait3A_947 = tpu.memref_squeeze %dma_wait3A_946 : memref<1x128xi32, #tpu.memory_space<vmem>> -> memref<128xi32, #tpu.memory_space<vmem>>
        %dma_wait3A_948 = arith.constant 0 : i32
        %dma_wait3A_949 = arith.constant 0 : i32
        %dma_wait3A_950 = tpu.memref_slice %arg10[%dma_wait3A_948, %dma_wait3A_949] : memref<10240x128xf32, #tpu.memory_space<vmem_shared>> -> memref<10240x128xf32, #tpu.memory_space<vmem_shared>>
        tpu.wait_indirect_dma semaphore(%arg14 : memref<!tpu.dma_semaphore, #tpu.memory_space<semaphore_mem>>) src(%arg9 : memref<128x128xf32, #tpu.memory_space<vmem>>) dst(%dma_wait3A_950 : memref<10240x128xf32, #tpu.memory_space<vmem_shared>>)
        %add3A_951 = arith.constant 2 : i32
        %add3A_952 = arith.addi %add3A_867, %add3A_951 : i32
        %dma_start3A_953 = arith.constant 0 : i32
        %dma_start3A_954 = tpu.memref_slice %arg6[%add3A_952, %dma_start3A_953] : memref<104x128xi32, #tpu.memory_space<vmem>> -> memref<1x128xi32, #tpu.memory_space<vmem>>
        %dma_start3A_955 = tpu.memref_squeeze %dma_start3A_954 : memref<1x128xi32, #tpu.memory_space<vmem>> -> memref<128xi32, #tpu.memory_space<vmem>>
        %dma_start3A_956 = arith.constant 0 : i32
        %dma_start3A_957 = arith.constant 0 : i32
        %dma_start3A_958 = tpu.memref_slice %arg4[%dma_start3A_956, %dma_start3A_957] : memref<10240x128xf32, #tpu.memory_space<hbm>> -> memref<10240x128xf32, #tpu.memory_space<hbm>>
        tpu.enqueue_indirect_dma source(%dma_start3A_958 : memref<10240x128xf32, #tpu.memory_space<hbm>>) target(%arg9 : memref<128x128xf32, #tpu.memory_space<vmem>>) offsets(%dma_start3A_955 : memref<128xi32, #tpu.memory_space<vmem>>) semaphore(%arg12 : memref<!tpu.dma_semaphore, #tpu.memory_space<semaphore_mem>>)
        %add3A_959 = arith.addi %select_n3A_8, %add3A_867 : i32
        %add3A_960 = arith.constant 2 : i32
        %add3A_961 = arith.addi %add3A_959, %add3A_960 : i32
        %dma_start3A_962 = arith.constant 3 : i32
        %dma_start3A_963 = arith.constant 0 : i32
        %dma_start3A_964 = tpu.memref_slice %arg7[%dma_start3A_962, %dma_start3A_963] : memref<4x128xi32, #tpu.memory_space<vmem>> -> memref<1x128xi32, #tpu.memory_space<vmem>>
        %dma_start3A_965 = tpu.memref_squeeze %dma_start3A_964 : memref<1x128xi32, #tpu.memory_space<vmem>> -> memref<128xi32, #tpu.memory_space<vmem>>
        %dma_start3A_966 = arith.constant 0 : i32
        %dma_start3A_967 = tpu.memref_slice %arg3[%add3A_961, %dma_start3A_966] : memref<2664x128xi32, #tpu.memory_space<hbm>> -> memref<1x128xi32, #tpu.memory_space<hbm>>
        %dma_start3A_968 = tpu.memref_squeeze %dma_start3A_967 : memref<1x128xi32, #tpu.memory_space<hbm>> -> memref<128xi32, #tpu.memory_space<hbm>>
        %dma_start3A_969 = arith.constant 0 : i32
        %dma_start3A_970 = tpu.memref_slice %arg7[%dma_start3A_962, %dma_start3A_969] : memref<4x128xi32, #tpu.memory_space<vmem>> -> memref<1x128xi32, #tpu.memory_space<vmem>>
        %dma_start3A_971 = tpu.memref_squeeze %dma_start3A_970 : memref<1x128xi32, #tpu.memory_space<vmem>> -> memref<128xi32, #tpu.memory_space<vmem>>
        %dma_start3A_972 = arith.constant 0 : i32
        %dma_start3A_973 = tpu.memref_slice %arg3[%add3A_961, %dma_start3A_972] : memref<2664x128xi32, #tpu.memory_space<hbm>> -> memref<1x128xi32, #tpu.memory_space<hbm>>
        %dma_start3A_974 = tpu.memref_squeeze %dma_start3A_973 : memref<1x128xi32, #tpu.memory_space<hbm>> -> memref<128xi32, #tpu.memory_space<hbm>>
        tpu.enqueue_dma source(%dma_start3A_974 : memref<128xi32, #tpu.memory_space<hbm>>) target(%dma_start3A_971 : memref<128xi32, #tpu.memory_space<vmem>>) target_semaphore(%arg18 : memref<!tpu.dma_semaphore, #tpu.memory_space<semaphore_mem>>)
      } else {
      }
      %add3A_892 = arith.constant 2 : i32
      %add3A_893 = arith.addi %mul3A_843, %add3A_892 : i32
      %ge3A_894 = arith.constant 2 : i32
      %ge3A_895 = arith.cmpi sge, %add3A_893, %ge3A_894 : i32
      %convert_element_type3A_896 = arith.extui %ge3A_895 : i1 to i32
      %cond3A_897 = arith.constant 0 : i32
      %cond3A_898 = arith.cmpi ne, %convert_element_type3A_896, %cond3A_897 : i32
      scf.if %cond3A_898 {
        %dma_wait3A_944 = arith.constant 0 : i32
        %dma_wait3A_945 = arith.constant 2 : i32
        %dma_wait3A_946 = arith.constant 0 : i32
        %dma_wait3A_947 = tpu.memref_slice %arg7[%dma_wait3A_945, %dma_wait3A_946] : memref<4x128xi32, #tpu.memory_space<vmem>> -> memref<1x128xi32, #tpu.memory_space<vmem>>
        %dma_wait3A_948 = tpu.memref_squeeze %dma_wait3A_947 : memref<1x128xi32, #tpu.memory_space<vmem>> -> memref<128xi32, #tpu.memory_space<vmem>>
        %dma_wait3A_949 = arith.constant 0 : i32
        %dma_wait3A_950 = tpu.memref_slice %arg3[%dma_wait3A_944, %dma_wait3A_949] : memref<2664x128xi32, #tpu.memory_space<hbm>> -> memref<1x128xi32, #tpu.memory_space<hbm>>
        %dma_wait3A_951 = tpu.memref_squeeze %dma_wait3A_950 : memref<1x128xi32, #tpu.memory_space<hbm>> -> memref<128xi32, #tpu.memory_space<hbm>>
        %dma_wait3A_952 = arith.constant 0 : i32
        %dma_wait3A_953 = tpu.memref_slice %arg7[%dma_wait3A_945, %dma_wait3A_952] : memref<4x128xi32, #tpu.memory_space<vmem>> -> memref<1x128xi32, #tpu.memory_space<vmem>>
        %dma_wait3A_954 = tpu.memref_squeeze %dma_wait3A_953 : memref<1x128xi32, #tpu.memory_space<vmem>> -> memref<128xi32, #tpu.memory_space<vmem>>
        %dma_wait3A_955 = arith.constant 0 : i32
        %dma_wait3A_956 = tpu.memref_slice %arg3[%dma_wait3A_944, %dma_wait3A_955] : memref<2664x128xi32, #tpu.memory_space<hbm>> -> memref<1x128xi32, #tpu.memory_space<hbm>>
        %dma_wait3A_957 = tpu.memref_squeeze %dma_wait3A_956 : memref<1x128xi32, #tpu.memory_space<hbm>> -> memref<128xi32, #tpu.memory_space<hbm>>
        tpu.wait_dma2 semaphore(%arg17 : memref<!tpu.dma_semaphore, #tpu.memory_space<semaphore_mem>>) src(%dma_wait3A_957 : memref<128xi32, #tpu.memory_space<hbm>>) dst(%dma_wait3A_954 : memref<128xi32, #tpu.memory_space<vmem>>)
      } else {
      }
      %dma_wait3A_899 = arith.constant 0 : i32
      %dma_wait3A_900 = tpu.memref_slice %arg6[%add3A_893, %dma_wait3A_899] : memref<104x128xi32, #tpu.memory_space<vmem>> -> memref<1x128xi32, #tpu.memory_space<vmem>>
      %dma_wait3A_901 = tpu.memref_squeeze %dma_wait3A_900 : memref<1x128xi32, #tpu.memory_space<vmem>> -> memref<128xi32, #tpu.memory_space<vmem>>
      %dma_wait3A_902 = arith.constant 0 : i32
      %dma_wait3A_903 = arith.constant 0 : i32
      %dma_wait3A_904 = tpu.memref_slice %arg4[%dma_wait3A_902, %dma_wait3A_903] : memref<10240x128xf32, #tpu.memory_space<hbm>> -> memref<10240x128xf32, #tpu.memory_space<hbm>>
      tpu.wait_indirect_dma semaphore(%arg11 : memref<!tpu.dma_semaphore, #tpu.memory_space<semaphore_mem>>) src(%dma_wait3A_904 : memref<10240x128xf32, #tpu.memory_space<hbm>>) dst(%arg8 : memref<128x128xf32, #tpu.memory_space<vmem>>)
      %dma_start3A_905 = arith.constant 2 : i32
      %dma_start3A_906 = arith.constant 0 : i32
      %dma_start3A_907 = tpu.memref_slice %arg7[%dma_start3A_905, %dma_start3A_906] : memref<4x128xi32, #tpu.memory_space<vmem>> -> memref<1x128xi32, #tpu.memory_space<vmem>>
      %dma_start3A_908 = tpu.memref_squeeze %dma_start3A_907 : memref<1x128xi32, #tpu.memory_space<vmem>> -> memref<128xi32, #tpu.memory_space<vmem>>
      %dma_start3A_909 = arith.constant 0 : i32
      %dma_start3A_910 = arith.constant 0 : i32
      %dma_start3A_911 = tpu.memref_slice %arg10[%dma_start3A_909, %dma_start3A_910] : memref<10240x128xf32, #tpu.memory_space<vmem_shared>> -> memref<10240x128xf32, #tpu.memory_space<vmem_shared>>
      tpu.enqueue_indirect_dma source(%arg8 : memref<128x128xf32, #tpu.memory_space<vmem>>) target(%dma_start3A_911 : memref<10240x128xf32, #tpu.memory_space<vmem_shared>>) offsets(%dma_start3A_908 : memref<128xi32, #tpu.memory_space<vmem>>) semaphore(%arg13 : memref<!tpu.dma_semaphore, #tpu.memory_space<semaphore_mem>>) {add = true}
      %add3A_912 = arith.constant 2 : i32
      %add3A_913 = arith.addi %add3A_893, %add3A_912 : i32
      %lt3A_914 = arith.cmpi slt, %add3A_913, %select_n3A : i32
      %convert_element_type3A_915 = arith.extui %lt3A_914 : i1 to i32
      %cond3A_916 = arith.constant 0 : i32
      %cond3A_917 = arith.cmpi ne, %convert_element_type3A_915, %cond3A_916 : i32
      scf.if %cond3A_917 {
        %dma_wait3A_944 = arith.constant 0 : i32
        %dma_wait3A_945 = arith.constant 0 : i32
        %dma_wait3A_946 = tpu.memref_slice %arg7[%dma_wait3A_944, %dma_wait3A_945] : memref<4x128xi32, #tpu.memory_space<vmem>> -> memref<1x128xi32, #tpu.memory_space<vmem>>
        %dma_wait3A_947 = tpu.memref_squeeze %dma_wait3A_946 : memref<1x128xi32, #tpu.memory_space<vmem>> -> memref<128xi32, #tpu.memory_space<vmem>>
        %dma_wait3A_948 = arith.constant 0 : i32
        %dma_wait3A_949 = arith.constant 0 : i32
        %dma_wait3A_950 = tpu.memref_slice %arg10[%dma_wait3A_948, %dma_wait3A_949] : memref<10240x128xf32, #tpu.memory_space<vmem_shared>> -> memref<10240x128xf32, #tpu.memory_space<vmem_shared>>
        tpu.wait_indirect_dma semaphore(%arg13 : memref<!tpu.dma_semaphore, #tpu.memory_space<semaphore_mem>>) src(%arg8 : memref<128x128xf32, #tpu.memory_space<vmem>>) dst(%dma_wait3A_950 : memref<10240x128xf32, #tpu.memory_space<vmem_shared>>)
        %add3A_951 = arith.constant 2 : i32
        %add3A_952 = arith.addi %add3A_893, %add3A_951 : i32
        %dma_start3A_953 = arith.constant 0 : i32
        %dma_start3A_954 = tpu.memref_slice %arg6[%add3A_952, %dma_start3A_953] : memref<104x128xi32, #tpu.memory_space<vmem>> -> memref<1x128xi32, #tpu.memory_space<vmem>>
        %dma_start3A_955 = tpu.memref_squeeze %dma_start3A_954 : memref<1x128xi32, #tpu.memory_space<vmem>> -> memref<128xi32, #tpu.memory_space<vmem>>
        %dma_start3A_956 = arith.constant 0 : i32
        %dma_start3A_957 = arith.constant 0 : i32
        %dma_start3A_958 = tpu.memref_slice %arg4[%dma_start3A_956, %dma_start3A_957] : memref<10240x128xf32, #tpu.memory_space<hbm>> -> memref<10240x128xf32, #tpu.memory_space<hbm>>
        tpu.enqueue_indirect_dma source(%dma_start3A_958 : memref<10240x128xf32, #tpu.memory_space<hbm>>) target(%arg8 : memref<128x128xf32, #tpu.memory_space<vmem>>) offsets(%dma_start3A_955 : memref<128xi32, #tpu.memory_space<vmem>>) semaphore(%arg11 : memref<!tpu.dma_semaphore, #tpu.memory_space<semaphore_mem>>)
        %add3A_959 = arith.addi %select_n3A_8, %add3A_893 : i32
        %add3A_960 = arith.constant 2 : i32
        %add3A_961 = arith.addi %add3A_959, %add3A_960 : i32
        %dma_start3A_962 = arith.constant 0 : i32
        %dma_start3A_963 = arith.constant 0 : i32
        %dma_start3A_964 = tpu.memref_slice %arg7[%dma_start3A_962, %dma_start3A_963] : memref<4x128xi32, #tpu.memory_space<vmem>> -> memref<1x128xi32, #tpu.memory_space<vmem>>
        %dma_start3A_965 = tpu.memref_squeeze %dma_start3A_964 : memref<1x128xi32, #tpu.memory_space<vmem>> -> memref<128xi32, #tpu.memory_space<vmem>>
        %dma_start3A_966 = arith.constant 0 : i32
        %dma_start3A_967 = tpu.memref_slice %arg3[%add3A_961, %dma_start3A_966] : memref<2664x128xi32, #tpu.memory_space<hbm>> -> memref<1x128xi32, #tpu.memory_space<hbm>>
        %dma_start3A_968 = tpu.memref_squeeze %dma_start3A_967 : memref<1x128xi32, #tpu.memory_space<hbm>> -> memref<128xi32, #tpu.memory_space<hbm>>
        %dma_start3A_969 = arith.constant 0 : i32
        %dma_start3A_970 = tpu.memref_slice %arg7[%dma_start3A_962, %dma_start3A_969] : memref<4x128xi32, #tpu.memory_space<vmem>> -> memref<1x128xi32, #tpu.memory_space<vmem>>
        %dma_start3A_971 = tpu.memref_squeeze %dma_start3A_970 : memref<1x128xi32, #tpu.memory_space<vmem>> -> memref<128xi32, #tpu.memory_space<vmem>>
        %dma_start3A_972 = arith.constant 0 : i32
        %dma_start3A_973 = tpu.memref_slice %arg3[%add3A_961, %dma_start3A_972] : memref<2664x128xi32, #tpu.memory_space<hbm>> -> memref<1x128xi32, #tpu.memory_space<hbm>>
        %dma_start3A_974 = tpu.memref_squeeze %dma_start3A_973 : memref<1x128xi32, #tpu.memory_space<hbm>> -> memref<128xi32, #tpu.memory_space<hbm>>
        tpu.enqueue_dma source(%dma_start3A_974 : memref<128xi32, #tpu.memory_space<hbm>>) target(%dma_start3A_971 : memref<128xi32, #tpu.memory_space<vmem>>) target_semaphore(%arg15 : memref<!tpu.dma_semaphore, #tpu.memory_space<semaphore_mem>>)
      } else {
      }
      %add3A_918 = arith.constant 3 : i32
      %add3A_919 = arith.addi %mul3A_843, %add3A_918 : i32
      %ge3A_920 = arith.constant 2 : i32
      %ge3A_921 = arith.cmpi sge, %add3A_919, %ge3A_920 : i32
      %convert_element_type3A_922 = arith.extui %ge3A_921 : i1 to i32
      %cond3A_923 = arith.constant 0 : i32
      %cond3A_924 = arith.cmpi ne, %convert_element_type3A_922, %cond3A_923 : i32
      scf.if %cond3A_924 {
        %dma_wait3A_944 = arith.constant 0 : i32
        %dma_wait3A_945 = arith.constant 3 : i32
        %dma_wait3A_946 = arith.constant 0 : i32
        %dma_wait3A_947 = tpu.memref_slice %arg7[%dma_wait3A_945, %dma_wait3A_946] : memref<4x128xi32, #tpu.memory_space<vmem>> -> memref<1x128xi32, #tpu.memory_space<vmem>>
        %dma_wait3A_948 = tpu.memref_squeeze %dma_wait3A_947 : memref<1x128xi32, #tpu.memory_space<vmem>> -> memref<128xi32, #tpu.memory_space<vmem>>
        %dma_wait3A_949 = arith.constant 0 : i32
        %dma_wait3A_950 = tpu.memref_slice %arg3[%dma_wait3A_944, %dma_wait3A_949] : memref<2664x128xi32, #tpu.memory_space<hbm>> -> memref<1x128xi32, #tpu.memory_space<hbm>>
        %dma_wait3A_951 = tpu.memref_squeeze %dma_wait3A_950 : memref<1x128xi32, #tpu.memory_space<hbm>> -> memref<128xi32, #tpu.memory_space<hbm>>
        %dma_wait3A_952 = arith.constant 0 : i32
        %dma_wait3A_953 = tpu.memref_slice %arg7[%dma_wait3A_945, %dma_wait3A_952] : memref<4x128xi32, #tpu.memory_space<vmem>> -> memref<1x128xi32, #tpu.memory_space<vmem>>
        %dma_wait3A_954 = tpu.memref_squeeze %dma_wait3A_953 : memref<1x128xi32, #tpu.memory_space<vmem>> -> memref<128xi32, #tpu.memory_space<vmem>>
        %dma_wait3A_955 = arith.constant 0 : i32
        %dma_wait3A_956 = tpu.memref_slice %arg3[%dma_wait3A_944, %dma_wait3A_955] : memref<2664x128xi32, #tpu.memory_space<hbm>> -> memref<1x128xi32, #tpu.memory_space<hbm>>
        %dma_wait3A_957 = tpu.memref_squeeze %dma_wait3A_956 : memref<1x128xi32, #tpu.memory_space<hbm>> -> memref<128xi32, #tpu.memory_space<hbm>>
        tpu.wait_dma2 semaphore(%arg18 : memref<!tpu.dma_semaphore, #tpu.memory_space<semaphore_mem>>) src(%dma_wait3A_957 : memref<128xi32, #tpu.memory_space<hbm>>) dst(%dma_wait3A_954 : memref<128xi32, #tpu.memory_space<vmem>>)
      } else {
      }
      %dma_wait3A_925 = arith.constant 0 : i32
      %dma_wait3A_926 = tpu.memref_slice %arg6[%add3A_919, %dma_wait3A_925] : memref<104x128xi32, #tpu.memory_space<vmem>> -> memref<1x128xi32, #tpu.memory_space<vmem>>
      %dma_wait3A_927 = tpu.memref_squeeze %dma_wait3A_926 : memref<1x128xi32, #tpu.memory_space<vmem>> -> memref<128xi32, #tpu.memory_space<vmem>>
      %dma_wait3A_928 = arith.constant 0 : i32
      %dma_wait3A_929 = arith.constant 0 : i32
      %dma_wait3A_930 = tpu.memref_slice %arg4[%dma_wait3A_928, %dma_wait3A_929] : memref<10240x128xf32, #tpu.memory_space<hbm>> -> memref<10240x128xf32, #tpu.memory_space<hbm>>
      tpu.wait_indirect_dma semaphore(%arg12 : memref<!tpu.dma_semaphore, #tpu.memory_space<semaphore_mem>>) src(%dma_wait3A_930 : memref<10240x128xf32, #tpu.memory_space<hbm>>) dst(%arg9 : memref<128x128xf32, #tpu.memory_space<vmem>>)
      %dma_start3A_931 = arith.constant 3 : i32
      %dma_start3A_932 = arith.constant 0 : i32
      %dma_start3A_933 = tpu.memref_slice %arg7[%dma_start3A_931, %dma_start3A_932] : memref<4x128xi32, #tpu.memory_space<vmem>> -> memref<1x128xi32, #tpu.memory_space<vmem>>
      %dma_start3A_934 = tpu.memref_squeeze %dma_start3A_933 : memref<1x128xi32, #tpu.memory_space<vmem>> -> memref<128xi32, #tpu.memory_space<vmem>>
      %dma_start3A_935 = arith.constant 0 : i32
      %dma_start3A_936 = arith.constant 0 : i32
      %dma_start3A_937 = tpu.memref_slice %arg10[%dma_start3A_935, %dma_start3A_936] : memref<10240x128xf32, #tpu.memory_space<vmem_shared>> -> memref<10240x128xf32, #tpu.memory_space<vmem_shared>>
      tpu.enqueue_indirect_dma source(%arg9 : memref<128x128xf32, #tpu.memory_space<vmem>>) target(%dma_start3A_937 : memref<10240x128xf32, #tpu.memory_space<vmem_shared>>) offsets(%dma_start3A_934 : memref<128xi32, #tpu.memory_space<vmem>>) semaphore(%arg14 : memref<!tpu.dma_semaphore, #tpu.memory_space<semaphore_mem>>) {add = true}
      %add3A_938 = arith.constant 2 : i32
      %add3A_939 = arith.addi %add3A_919, %add3A_938 : i32
      %lt3A_940 = arith.cmpi slt, %add3A_939, %select_n3A : i32
      %convert_element_type3A_941 = arith.extui %lt3A_940 : i1 to i32
      %cond3A_942 = arith.constant 0 : i32
      %cond3A_943 = arith.cmpi ne, %convert_element_type3A_941, %cond3A_942 : i32
      scf.if %cond3A_943 {
        %dma_wait3A_944 = arith.constant 0 : i32
        %dma_wait3A_945 = arith.constant 0 : i32
        %dma_wait3A_946 = tpu.memref_slice %arg7[%dma_wait3A_944, %dma_wait3A_945] : memref<4x128xi32, #tpu.memory_space<vmem>> -> memref<1x128xi32, #tpu.memory_space<vmem>>
        %dma_wait3A_947 = tpu.memref_squeeze %dma_wait3A_946 : memref<1x128xi32, #tpu.memory_space<vmem>> -> memref<128xi32, #tpu.memory_space<vmem>>
        %dma_wait3A_948 = arith.constant 0 : i32
        %dma_wait3A_949 = arith.constant 0 : i32
        %dma_wait3A_950 = tpu.memref_slice %arg10[%dma_wait3A_948, %dma_wait3A_949] : memref<10240x128xf32, #tpu.memory_space<vmem_shared>> -> memref<10240x128xf32, #tpu.memory_space<vmem_shared>>
        tpu.wait_indirect_dma semaphore(%arg14 : memref<!tpu.dma_semaphore, #tpu.memory_space<semaphore_mem>>) src(%arg9 : memref<128x128xf32, #tpu.memory_space<vmem>>) dst(%dma_wait3A_950 : memref<10240x128xf32, #tpu.memory_space<vmem_shared>>)
        %add3A_951 = arith.constant 2 : i32
        %add3A_952 = arith.addi %add3A_919, %add3A_951 : i32
        %dma_start3A_953 = arith.constant 0 : i32
        %dma_start3A_954 = tpu.memref_slice %arg6[%add3A_952, %dma_start3A_953] : memref<104x128xi32, #tpu.memory_space<vmem>> -> memref<1x128xi32, #tpu.memory_space<vmem>>
        %dma_start3A_955 = tpu.memref_squeeze %dma_start3A_954 : memref<1x128xi32, #tpu.memory_space<vmem>> -> memref<128xi32, #tpu.memory_space<vmem>>
        %dma_start3A_956 = arith.constant 0 : i32
        %dma_start3A_957 = arith.constant 0 : i32
        %dma_start3A_958 = tpu.memref_slice %arg4[%dma_start3A_956, %dma_start3A_957] : memref<10240x128xf32, #tpu.memory_space<hbm>> -> memref<10240x128xf32, #tpu.memory_space<hbm>>
        tpu.enqueue_indirect_dma source(%dma_start3A_958 : memref<10240x128xf32, #tpu.memory_space<hbm>>) target(%arg9 : memref<128x128xf32, #tpu.memory_space<vmem>>) offsets(%dma_start3A_955 : memref<128xi32, #tpu.memory_space<vmem>>) semaphore(%arg12 : memref<!tpu.dma_semaphore, #tpu.memory_space<semaphore_mem>>)
        %add3A_959 = arith.addi %select_n3A_8, %add3A_919 : i32
        %add3A_960 = arith.constant 2 : i32
        %add3A_961 = arith.addi %add3A_959, %add3A_960 : i32
        %dma_start3A_962 = arith.constant 1 : i32
        %dma_start3A_963 = arith.constant 0 : i32
        %dma_start3A_964 = tpu.memref_slice %arg7[%dma_start3A_962, %dma_start3A_963] : memref<4x128xi32, #tpu.memory_space<vmem>> -> memref<1x128xi32, #tpu.memory_space<vmem>>
        %dma_start3A_965 = tpu.memref_squeeze %dma_start3A_964 : memref<1x128xi32, #tpu.memory_space<vmem>> -> memref<128xi32, #tpu.memory_space<vmem>>
        %dma_start3A_966 = arith.constant 0 : i32
        %dma_start3A_967 = tpu.memref_slice %arg3[%add3A_961, %dma_start3A_966] : memref<2664x128xi32, #tpu.memory_space<hbm>> -> memref<1x128xi32, #tpu.memory_space<hbm>>
        %dma_start3A_968 = tpu.memref_squeeze %dma_start3A_967 : memref<1x128xi32, #tpu.memory_space<hbm>> -> memref<128xi32, #tpu.memory_space<hbm>>
        %dma_start3A_969 = arith.constant 0 : i32
        %dma_start3A_970 = tpu.memref_slice %arg7[%dma_start3A_962, %dma_start3A_969] : memref<4x128xi32, #tpu.memory_space<vmem>> -> memref<1x128xi32, #tpu.memory_space<vmem>>
        %dma_start3A_971 = tpu.memref_squeeze %dma_start3A_970 : memref<1x128xi32, #tpu.memory_space<vmem>> -> memref<128xi32, #tpu.memory_space<vmem>>
        %dma_start3A_972 = arith.constant 0 : i32
        %dma_start3A_973 = tpu.memref_slice %arg3[%add3A_961, %dma_start3A_972] : memref<2664x128xi32, #tpu.memory_space<hbm>> -> memref<1x128xi32, #tpu.memory_space<hbm>>
        %dma_start3A_974 = tpu.memref_squeeze %dma_start3A_973 : memref<1x128xi32, #tpu.memory_space<hbm>> -> memref<128xi32, #tpu.memory_space<hbm>>
        tpu.enqueue_dma source(%dma_start3A_974 : memref<128xi32, #tpu.memory_space<hbm>>) target(%dma_start3A_971 : memref<128xi32, #tpu.memory_space<vmem>>) target_semaphore(%arg16 : memref<!tpu.dma_semaphore, #tpu.memory_space<semaphore_mem>>)
      } else {
      }
    }
    %dma_wait3A = arith.constant 0 : i32
    %dma_wait3A_827 = arith.constant 0 : i32
    %dma_wait3A_828 = tpu.memref_slice %arg7[%dma_wait3A, %dma_wait3A_827] : memref<4x128xi32, #tpu.memory_space<vmem>> -> memref<1x128xi32, #tpu.memory_space<vmem>>
    %dma_wait3A_829 = tpu.memref_squeeze %dma_wait3A_828 : memref<1x128xi32, #tpu.memory_space<vmem>> -> memref<128xi32, #tpu.memory_space<vmem>>
    %dma_wait3A_830 = arith.constant 0 : i32
    %dma_wait3A_831 = arith.constant 0 : i32
    %dma_wait3A_832 = tpu.memref_slice %arg10[%dma_wait3A_830, %dma_wait3A_831] : memref<10240x128xf32, #tpu.memory_space<vmem_shared>> -> memref<10240x128xf32, #tpu.memory_space<vmem_shared>>
    tpu.wait_indirect_dma semaphore(%arg13 : memref<!tpu.dma_semaphore, #tpu.memory_space<semaphore_mem>>) src(%arg8 : memref<128x128xf32, #tpu.memory_space<vmem>>) dst(%dma_wait3A_832 : memref<10240x128xf32, #tpu.memory_space<vmem_shared>>)
    %dma_wait3A_833 = arith.constant 0 : i32
    %dma_wait3A_834 = arith.constant 0 : i32
    %dma_wait3A_835 = tpu.memref_slice %arg7[%dma_wait3A_833, %dma_wait3A_834] : memref<4x128xi32, #tpu.memory_space<vmem>> -> memref<1x128xi32, #tpu.memory_space<vmem>>
    %dma_wait3A_836 = tpu.memref_squeeze %dma_wait3A_835 : memref<1x128xi32, #tpu.memory_space<vmem>> -> memref<128xi32, #tpu.memory_space<vmem>>
    %dma_wait3A_837 = arith.constant 0 : i32
    %dma_wait3A_838 = arith.constant 0 : i32
    %dma_wait3A_839 = tpu.memref_slice %arg10[%dma_wait3A_837, %dma_wait3A_838] : memref<10240x128xf32, #tpu.memory_space<vmem_shared>> -> memref<10240x128xf32, #tpu.memory_space<vmem_shared>>
    tpu.wait_indirect_dma semaphore(%arg14 : memref<!tpu.dma_semaphore, #tpu.memory_space<semaphore_mem>>) src(%arg9 : memref<128x128xf32, #tpu.memory_space<vmem>>) dst(%dma_wait3A_839 : memref<10240x128xf32, #tpu.memory_space<vmem_shared>>)
    %barrier3A_840 = arith.constant 0 : index
    tpu.barrier barrier_id(%barrier3A_840)
    "tpu.region"() ({
      %run_scoped3A_841 = tpu.sem_alloc : memref<!tpu.dma_semaphore, #tpu.memory_space<semaphore_mem>>
      %dma_start3A_842 = arith.constant 0 : i32
      %dma_start3A_843 = tpu.memref_slice %arg5[%arg0, %mul3A_778, %dma_start3A_842] : memref<2x10240x128xf32, #tpu.memory_space<hbm>> -> memref<1x640x128xf32, #tpu.memory_space<hbm>>
      %dma_start3A_844 = tpu.memref_squeeze %dma_start3A_843 : memref<1x640x128xf32, #tpu.memory_space<hbm>> -> memref<640x128xf32, #tpu.memory_space<hbm>>
      %dma_start3A_845 = arith.constant 0 : i32
      %dma_start3A_846 = tpu.memref_slice %arg10[%mul3A_778, %dma_start3A_845] : memref<10240x128xf32, #tpu.memory_space<vmem_shared>> -> memref<640x128xf32, #tpu.memory_space<vmem_shared>>
      tpu.enqueue_dma source(%dma_start3A_846 : memref<640x128xf32, #tpu.memory_space<vmem_shared>>) target(%dma_start3A_844 : memref<640x128xf32, #tpu.memory_space<hbm>>) target_semaphore(%run_scoped3A_841 : memref<!tpu.dma_semaphore, #tpu.memory_space<semaphore_mem>>)
      %dma_wait3A_847 = arith.constant 0 : i32
      %dma_wait3A_848 = tpu.memref_slice %arg5[%arg0, %mul3A_778, %dma_wait3A_847] : memref<2x10240x128xf32, #tpu.memory_space<hbm>> -> memref<1x640x128xf32, #tpu.memory_space<hbm>>
      %dma_wait3A_849 = tpu.memref_squeeze %dma_wait3A_848 : memref<1x640x128xf32, #tpu.memory_space<hbm>> -> memref<640x128xf32, #tpu.memory_space<hbm>>
      %dma_wait3A_850 = arith.constant 0 : i32
      %dma_wait3A_851 = tpu.memref_slice %arg10[%mul3A_778, %dma_wait3A_850] : memref<10240x128xf32, #tpu.memory_space<vmem_shared>> -> memref<640x128xf32, #tpu.memory_space<vmem_shared>>
      tpu.wait_dma2 semaphore(%run_scoped3A_841 : memref<!tpu.dma_semaphore, #tpu.memory_space<semaphore_mem>>) src(%dma_wait3A_851 : memref<640x128xf32, #tpu.memory_space<vmem_shared>>) dst(%dma_wait3A_849 : memref<640x128xf32, #tpu.memory_space<hbm>>)
      tpu.yield
    }) : () -> ()
    return
  }
}

#map = affine_map<(d0, d1) -> (0, 0, 0)>
#map1 = affine_map<(d0, d1) -> (0)>
#map2 = affine_map<(d0, d1) -> (0, 0)>
module attributes {stable_mosaic.version = 14 : i64} {
  func.func @aggs_kernel(%arg0: i32, %arg1: i32, %arg2: memref<32x80x128xi32, #tpu.memory_space<hbm>>, %arg3: memref<32x80x128xi32, #tpu.memory_space<hbm>>, %arg4: memref<10240xf32, #tpu.memory_space<hbm>>, %arg5: memref<2x10240xf32, #tpu.memory_space<hbm>>, %arg6: memref<80x128xi32, #tpu.memory_space<vmem>>, %arg7: memref<80x128xi32, #tpu.memory_space<vmem>>, %arg8: memref<80x128xf32, #tpu.memory_space<vmem>>, %arg9: memref<640xf32, #tpu.memory_space<vmem>>, %arg10: memref<10240xf32, #tpu.memory_space<vmem_shared>>, %arg11: memref<!tpu.dma_semaphore, #tpu.memory_space<semaphore_mem>>, %arg12: memref<!tpu.dma_semaphore, #tpu.memory_space<semaphore_mem>>) attributes {dimension_semantics = [#tpu.dimension_semantics<core_parallel>, #tpu.dimension_semantics<subcore_parallel>], iteration_bounds = array<i64: 2, 16>, scalar_prefetch = 0 : i64, scratch_operands = 7 : i64, tpu.core_type = #tpu.core_type<sc_vector_subcore>, window_params = [{transform_indices = #map}, {transform_indices = #map}, {transform_indices = #map1}, {transform_indices = #map2}]} {
    %mul3A = arith.constant 16 : i32
    %mul3A_0 = arith.muli %arg0, %mul3A : i32
    %add3A = arith.addi %mul3A_0, %arg1 : i32
    %broadcast_in_dim3A = arith.constant 0.000000e+00 : f32
    %broadcast_in_dim3A_1 = vector.broadcast %broadcast_in_dim3A : f32 to vector<16xf32>
    %scan3A = arith.constant 0 : i32
    %scan3A_2 = arith.constant 0 : i32
    %scan3A_3 = arith.constant 40 : i32
    %scan3A_4 = arith.addi %scan3A_2, %scan3A_3 : i32
    %scan3A_5 = arith.constant 1 : i32
    scf.for %scan3A_34 = %scan3A_2 to %scan3A_4 step %scan3A_5  : i32 {
      %mul3A_35 = arith.constant 16 : i32
      %mul3A_36 = arith.muli %scan3A_34, %mul3A_35 : i32
      %swap3A = arith.index_cast %mul3A_36 : i32 to index
      %swap3A_37 = tpu.vector_load %arg9[%swap3A] {strides = array<i32>} : memref<640xf32, #tpu.memory_space<vmem>>, vector<16xf32>,
      %swap3A_38 = vector.shape_cast %swap3A_37 : vector<16xf32> to vector<16xf32>
      %swap3A_39 = vector.shape_cast %broadcast_in_dim3A_1 : vector<16xf32> to vector<16xf32>
      tpu.vector_store %arg9[%swap3A], %swap3A_39 {strides = array<i32>} : memref<640xf32, #tpu.memory_space<vmem>>, vector<16xf32>,
    }
    %scan3A_6 = arith.constant 40 : i32
    %mul3A_7 = arith.constant 640 : i32
    %mul3A_8 = arith.muli %arg1, %mul3A_7 : i32
    "tpu.region"() ({
      %run_scoped3A = tpu.sem_alloc : memref<!tpu.dma_semaphore, #tpu.memory_space<semaphore_mem>>
      %dma_start3A = tpu.memref_slice %arg10[%mul3A_8] : memref<10240xf32, #tpu.memory_space<vmem_shared>> -> memref<640xf32, #tpu.memory_space<vmem_shared>>
      %dma_start3A_34 = tpu.memref_slice %arg10[%mul3A_8] : memref<10240xf32, #tpu.memory_space<vmem_shared>> -> memref<640xf32, #tpu.memory_space<vmem_shared>>
      tpu.enqueue_dma source(%arg9 : memref<640xf32, #tpu.memory_space<vmem>>) target(%dma_start3A_34 : memref<640xf32, #tpu.memory_space<vmem_shared>>) target_semaphore(%run_scoped3A : memref<!tpu.dma_semaphore, #tpu.memory_space<semaphore_mem>>)
      %dma_wait3A = tpu.memref_slice %arg10[%mul3A_8] : memref<10240xf32, #tpu.memory_space<vmem_shared>> -> memref<640xf32, #tpu.memory_space<vmem_shared>>
      %dma_wait3A_35 = tpu.memref_slice %arg10[%mul3A_8] : memref<10240xf32, #tpu.memory_space<vmem_shared>> -> memref<640xf32, #tpu.memory_space<vmem_shared>>
      tpu.wait_dma2 semaphore(%run_scoped3A : memref<!tpu.dma_semaphore, #tpu.memory_space<semaphore_mem>>) src(%arg9 : memref<640xf32, #tpu.memory_space<vmem>>) dst(%dma_wait3A_35 : memref<640xf32, #tpu.memory_space<vmem_shared>>)
      tpu.yield
    }) : () -> ()
    "tpu.region"() ({
      %run_scoped3A = tpu.sem_alloc : memref<!tpu.dma_semaphore, #tpu.memory_space<semaphore_mem>>
      %dma_start3A = arith.constant 0 : i32
      %dma_start3A_34 = arith.constant 0 : i32
      %dma_start3A_35 = tpu.memref_slice %arg2[%add3A, %dma_start3A, %dma_start3A_34] : memref<32x80x128xi32, #tpu.memory_space<hbm>> -> memref<1x80x128xi32, #tpu.memory_space<hbm>>
      %dma_start3A_36 = tpu.memref_squeeze %dma_start3A_35 : memref<1x80x128xi32, #tpu.memory_space<hbm>> -> memref<80x128xi32, #tpu.memory_space<hbm>>
      %dma_start3A_37 = arith.constant 0 : i32
      %dma_start3A_38 = arith.constant 0 : i32
      %dma_start3A_39 = tpu.memref_slice %arg2[%add3A, %dma_start3A_37, %dma_start3A_38] : memref<32x80x128xi32, #tpu.memory_space<hbm>> -> memref<1x80x128xi32, #tpu.memory_space<hbm>>
      %dma_start3A_40 = tpu.memref_squeeze %dma_start3A_39 : memref<1x80x128xi32, #tpu.memory_space<hbm>> -> memref<80x128xi32, #tpu.memory_space<hbm>>
      tpu.enqueue_dma source(%dma_start3A_40 : memref<80x128xi32, #tpu.memory_space<hbm>>) target(%arg6 : memref<80x128xi32, #tpu.memory_space<vmem>>) target_semaphore(%run_scoped3A : memref<!tpu.dma_semaphore, #tpu.memory_space<semaphore_mem>>)
      %dma_wait3A = arith.constant 0 : i32
      %dma_wait3A_41 = arith.constant 0 : i32
      %dma_wait3A_42 = tpu.memref_slice %arg2[%add3A, %dma_wait3A, %dma_wait3A_41] : memref<32x80x128xi32, #tpu.memory_space<hbm>> -> memref<1x80x128xi32, #tpu.memory_space<hbm>>
      %dma_wait3A_43 = tpu.memref_squeeze %dma_wait3A_42 : memref<1x80x128xi32, #tpu.memory_space<hbm>> -> memref<80x128xi32, #tpu.memory_space<hbm>>
      %dma_wait3A_44 = arith.constant 0 : i32
      %dma_wait3A_45 = arith.constant 0 : i32
      %dma_wait3A_46 = tpu.memref_slice %arg2[%add3A, %dma_wait3A_44, %dma_wait3A_45] : memref<32x80x128xi32, #tpu.memory_space<hbm>> -> memref<1x80x128xi32, #tpu.memory_space<hbm>>
      %dma_wait3A_47 = tpu.memref_squeeze %dma_wait3A_46 : memref<1x80x128xi32, #tpu.memory_space<hbm>> -> memref<80x128xi32, #tpu.memory_space<hbm>>
      tpu.wait_dma2 semaphore(%run_scoped3A : memref<!tpu.dma_semaphore, #tpu.memory_space<semaphore_mem>>) src(%dma_wait3A_47 : memref<80x128xi32, #tpu.memory_space<hbm>>) dst(%arg6 : memref<80x128xi32, #tpu.memory_space<vmem>>)
      tpu.yield
    }) : () -> ()
    "tpu.region"() ({
      %run_scoped3A = tpu.sem_alloc : memref<!tpu.dma_semaphore, #tpu.memory_space<semaphore_mem>>
      %dma_start3A = arith.constant 0 : i32
      %dma_start3A_34 = arith.constant 0 : i32
      %dma_start3A_35 = tpu.memref_slice %arg3[%add3A, %dma_start3A, %dma_start3A_34] : memref<32x80x128xi32, #tpu.memory_space<hbm>> -> memref<1x80x128xi32, #tpu.memory_space<hbm>>
      %dma_start3A_36 = tpu.memref_squeeze %dma_start3A_35 : memref<1x80x128xi32, #tpu.memory_space<hbm>> -> memref<80x128xi32, #tpu.memory_space<hbm>>
      %dma_start3A_37 = arith.constant 0 : i32
      %dma_start3A_38 = arith.constant 0 : i32
      %dma_start3A_39 = tpu.memref_slice %arg3[%add3A, %dma_start3A_37, %dma_start3A_38] : memref<32x80x128xi32, #tpu.memory_space<hbm>> -> memref<1x80x128xi32, #tpu.memory_space<hbm>>
      %dma_start3A_40 = tpu.memref_squeeze %dma_start3A_39 : memref<1x80x128xi32, #tpu.memory_space<hbm>> -> memref<80x128xi32, #tpu.memory_space<hbm>>
      tpu.enqueue_dma source(%dma_start3A_40 : memref<80x128xi32, #tpu.memory_space<hbm>>) target(%arg7 : memref<80x128xi32, #tpu.memory_space<vmem>>) target_semaphore(%run_scoped3A : memref<!tpu.dma_semaphore, #tpu.memory_space<semaphore_mem>>)
      %dma_wait3A = arith.constant 0 : i32
      %dma_wait3A_41 = arith.constant 0 : i32
      %dma_wait3A_42 = tpu.memref_slice %arg3[%add3A, %dma_wait3A, %dma_wait3A_41] : memref<32x80x128xi32, #tpu.memory_space<hbm>> -> memref<1x80x128xi32, #tpu.memory_space<hbm>>
      %dma_wait3A_43 = tpu.memref_squeeze %dma_wait3A_42 : memref<1x80x128xi32, #tpu.memory_space<hbm>> -> memref<80x128xi32, #tpu.memory_space<hbm>>
      %dma_wait3A_44 = arith.constant 0 : i32
      %dma_wait3A_45 = arith.constant 0 : i32
      %dma_wait3A_46 = tpu.memref_slice %arg3[%add3A, %dma_wait3A_44, %dma_wait3A_45] : memref<32x80x128xi32, #tpu.memory_space<hbm>> -> memref<1x80x128xi32, #tpu.memory_space<hbm>>
      %dma_wait3A_47 = tpu.memref_squeeze %dma_wait3A_46 : memref<1x80x128xi32, #tpu.memory_space<hbm>> -> memref<80x128xi32, #tpu.memory_space<hbm>>
      tpu.wait_dma2 semaphore(%run_scoped3A : memref<!tpu.dma_semaphore, #tpu.memory_space<semaphore_mem>>) src(%dma_wait3A_47 : memref<80x128xi32, #tpu.memory_space<hbm>>) dst(%arg7 : memref<80x128xi32, #tpu.memory_space<vmem>>)
      tpu.yield
    }) : () -> ()
    %barrier3A = arith.constant 0 : index
    tpu.barrier barrier_id(%barrier3A)
    %scan3A_9 = arith.constant 0 : i32
    %scan3A_10 = arith.constant 0 : i32
    %scan3A_11 = arith.constant 80 : i32
    %scan3A_12 = arith.addi %scan3A_10, %scan3A_11 : i32
    %scan3A_13 = arith.constant 1 : i32
    scf.for %scan3A_34 = %scan3A_10 to %scan3A_12 step %scan3A_13  : i32 {
      %dma_start3A = arith.constant 0 : i32
      %dma_start3A_35 = tpu.memref_slice %arg8[%scan3A_34, %dma_start3A] : memref<80x128xf32, #tpu.memory_space<vmem>> -> memref<1x128xf32, #tpu.memory_space<vmem>>
      %dma_start3A_36 = tpu.memref_squeeze %dma_start3A_35 : memref<1x128xf32, #tpu.memory_space<vmem>> -> memref<128xf32, #tpu.memory_space<vmem>>
      %dma_start3A_37 = arith.constant 0 : i32
      %dma_start3A_38 = tpu.memref_slice %arg6[%scan3A_34, %dma_start3A_37] : memref<80x128xi32, #tpu.memory_space<vmem>> -> memref<1x128xi32, #tpu.memory_space<vmem>>
      %dma_start3A_39 = tpu.memref_squeeze %dma_start3A_38 : memref<1x128xi32, #tpu.memory_space<vmem>> -> memref<128xi32, #tpu.memory_space<vmem>>
      %dma_start3A_40 = arith.constant 0 : i32
      %dma_start3A_41 = tpu.memref_slice %arg4[%dma_start3A_40] : memref<10240xf32, #tpu.memory_space<hbm>> -> memref<10240xf32, #tpu.memory_space<hbm>>
      tpu.enqueue_indirect_dma source(%dma_start3A_41 : memref<10240xf32, #tpu.memory_space<hbm>>) target(%dma_start3A_36 : memref<128xf32, #tpu.memory_space<vmem>>) offsets(%dma_start3A_39 : memref<128xi32, #tpu.memory_space<vmem>>) semaphore(%arg11 : memref<!tpu.dma_semaphore, #tpu.memory_space<semaphore_mem>>)
    }
    %scan3A_14 = arith.constant 80 : i32
    %scan3A_15 = arith.constant 0 : i32
    %scan3A_16 = arith.constant 0 : i32
    %scan3A_17 = arith.constant 80 : i32
    %scan3A_18 = arith.addi %scan3A_16, %scan3A_17 : i32
    %scan3A_19 = arith.constant 1 : i32
    scf.for %scan3A_34 = %scan3A_16 to %scan3A_18 step %scan3A_19  : i32 {
      %dma_wait3A = arith.constant 0 : i32
      %dma_wait3A_35 = arith.constant 0 : i32
      %dma_wait3A_36 = arith.constant 0 : i32
      %dma_wait3A_37 = tpu.memref_slice %arg8[%dma_wait3A_35, %dma_wait3A_36] : memref<80x128xf32, #tpu.memory_space<vmem>> -> memref<1x128xf32, #tpu.memory_space<vmem>>
      %dma_wait3A_38 = tpu.memref_squeeze %dma_wait3A_37 : memref<1x128xf32, #tpu.memory_space<vmem>> -> memref<128xf32, #tpu.memory_space<vmem>>
      %dma_wait3A_39 = arith.constant 0 : i32
      %dma_wait3A_40 = tpu.memref_slice %arg6[%dma_wait3A, %dma_wait3A_39] : memref<80x128xi32, #tpu.memory_space<vmem>> -> memref<1x128xi32, #tpu.memory_space<vmem>>
      %dma_wait3A_41 = tpu.memref_squeeze %dma_wait3A_40 : memref<1x128xi32, #tpu.memory_space<vmem>> -> memref<128xi32, #tpu.memory_space<vmem>>
      %dma_wait3A_42 = arith.constant 0 : i32
      %dma_wait3A_43 = tpu.memref_slice %arg4[%dma_wait3A_42] : memref<10240xf32, #tpu.memory_space<hbm>> -> memref<10240xf32, #tpu.memory_space<hbm>>
      tpu.wait_indirect_dma semaphore(%arg11 : memref<!tpu.dma_semaphore, #tpu.memory_space<semaphore_mem>>) src(%dma_wait3A_43 : memref<10240xf32, #tpu.memory_space<hbm>>) dst(%dma_wait3A_38 : memref<128xf32, #tpu.memory_space<vmem>>)
    }
    %scan3A_20 = arith.constant 80 : i32
    %scan3A_21 = arith.constant 0 : i32
    %scan3A_22 = arith.constant 0 : i32
    %scan3A_23 = arith.constant 80 : i32
    %scan3A_24 = arith.addi %scan3A_22, %scan3A_23 : i32
    %scan3A_25 = arith.constant 1 : i32
    scf.for %scan3A_34 = %scan3A_22 to %scan3A_24 step %scan3A_25  : i32 {
      %dma_start3A = arith.constant 0 : i32
      %dma_start3A_35 = tpu.memref_slice %arg8[%scan3A_34, %dma_start3A] : memref<80x128xf32, #tpu.memory_space<vmem>> -> memref<1x128xf32, #tpu.memory_space<vmem>>
      %dma_start3A_36 = tpu.memref_squeeze %dma_start3A_35 : memref<1x128xf32, #tpu.memory_space<vmem>> -> memref<128xf32, #tpu.memory_space<vmem>>
      %dma_start3A_37 = arith.constant 0 : i32
      %dma_start3A_38 = tpu.memref_slice %arg7[%scan3A_34, %dma_start3A_37] : memref<80x128xi32, #tpu.memory_space<vmem>> -> memref<1x128xi32, #tpu.memory_space<vmem>>
      %dma_start3A_39 = tpu.memref_squeeze %dma_start3A_38 : memref<1x128xi32, #tpu.memory_space<vmem>> -> memref<128xi32, #tpu.memory_space<vmem>>
      %dma_start3A_40 = arith.constant 0 : i32
      %dma_start3A_41 = tpu.memref_slice %arg10[%dma_start3A_40] : memref<10240xf32, #tpu.memory_space<vmem_shared>> -> memref<10240xf32, #tpu.memory_space<vmem_shared>>
      tpu.enqueue_indirect_dma source(%dma_start3A_36 : memref<128xf32, #tpu.memory_space<vmem>>) target(%dma_start3A_41 : memref<10240xf32, #tpu.memory_space<vmem_shared>>) offsets(%dma_start3A_39 : memref<128xi32, #tpu.memory_space<vmem>>) semaphore(%arg12 : memref<!tpu.dma_semaphore, #tpu.memory_space<semaphore_mem>>) {add = true}
    }
    %scan3A_26 = arith.constant 80 : i32
    %scan3A_27 = arith.constant 0 : i32
    %scan3A_28 = arith.constant 0 : i32
    %scan3A_29 = arith.constant 80 : i32
    %scan3A_30 = arith.addi %scan3A_28, %scan3A_29 : i32
    %scan3A_31 = arith.constant 1 : i32
    scf.for %scan3A_34 = %scan3A_28 to %scan3A_30 step %scan3A_31  : i32 {
      %dma_wait3A = arith.constant 0 : i32
      %dma_wait3A_35 = arith.constant 0 : i32
      %dma_wait3A_36 = arith.constant 0 : i32
      %dma_wait3A_37 = tpu.memref_slice %arg8[%dma_wait3A, %dma_wait3A_36] : memref<80x128xf32, #tpu.memory_space<vmem>> -> memref<1x128xf32, #tpu.memory_space<vmem>>
      %dma_wait3A_38 = tpu.memref_squeeze %dma_wait3A_37 : memref<1x128xf32, #tpu.memory_space<vmem>> -> memref<128xf32, #tpu.memory_space<vmem>>
      %dma_wait3A_39 = arith.constant 0 : i32
      %dma_wait3A_40 = tpu.memref_slice %arg7[%dma_wait3A_35, %dma_wait3A_39] : memref<80x128xi32, #tpu.memory_space<vmem>> -> memref<1x128xi32, #tpu.memory_space<vmem>>
      %dma_wait3A_41 = tpu.memref_squeeze %dma_wait3A_40 : memref<1x128xi32, #tpu.memory_space<vmem>> -> memref<128xi32, #tpu.memory_space<vmem>>
      %dma_wait3A_42 = arith.constant 0 : i32
      %dma_wait3A_43 = tpu.memref_slice %arg10[%dma_wait3A_42] : memref<10240xf32, #tpu.memory_space<vmem_shared>> -> memref<10240xf32, #tpu.memory_space<vmem_shared>>
      tpu.wait_indirect_dma semaphore(%arg12 : memref<!tpu.dma_semaphore, #tpu.memory_space<semaphore_mem>>) src(%dma_wait3A_38 : memref<128xf32, #tpu.memory_space<vmem>>) dst(%dma_wait3A_43 : memref<10240xf32, #tpu.memory_space<vmem_shared>>)
    }
    %scan3A_32 = arith.constant 80 : i32
    %barrier3A_33 = arith.constant 0 : index
    tpu.barrier barrier_id(%barrier3A_33)
    "tpu.region"() ({
      %run_scoped3A = tpu.sem_alloc : memref<!tpu.dma_semaphore, #tpu.memory_space<semaphore_mem>>
      %dma_start3A = tpu.memref_slice %arg5[%arg0, %mul3A_8] : memref<2x10240xf32, #tpu.memory_space<hbm>> -> memref<1x640xf32, #tpu.memory_space<hbm>>
      %dma_start3A_34 = tpu.memref_squeeze %dma_start3A : memref<1x640xf32, #tpu.memory_space<hbm>> -> memref<640xf32, #tpu.memory_space<hbm>>
      %dma_start3A_35 = tpu.memref_slice %arg10[%mul3A_8] : memref<10240xf32, #tpu.memory_space<vmem_shared>> -> memref<640xf32, #tpu.memory_space<vmem_shared>>
      tpu.enqueue_dma source(%dma_start3A_35 : memref<640xf32, #tpu.memory_space<vmem_shared>>) target(%dma_start3A_34 : memref<640xf32, #tpu.memory_space<hbm>>) target_semaphore(%run_scoped3A : memref<!tpu.dma_semaphore, #tpu.memory_space<semaphore_mem>>)
      %dma_wait3A = tpu.memref_slice %arg5[%arg0, %mul3A_8] : memref<2x10240xf32, #tpu.memory_space<hbm>> -> memref<1x640xf32, #tpu.memory_space<hbm>>
      %dma_wait3A_36 = tpu.memref_squeeze %dma_wait3A : memref<1x640xf32, #tpu.memory_space<hbm>> -> memref<640xf32, #tpu.memory_space<hbm>>
      %dma_wait3A_37 = tpu.memref_slice %arg10[%mul3A_8] : memref<10240xf32, #tpu.memory_space<vmem_shared>> -> memref<640xf32, #tpu.memory_space<vmem_shared>>
      tpu.wait_dma2 semaphore(%run_scoped3A : memref<!tpu.dma_semaphore, #tpu.memory_space<semaphore_mem>>) src(%dma_wait3A_37 : memref<640xf32, #tpu.memory_space<vmem_shared>>) dst(%dma_wait3A_36 : memref<640xf32, #tpu.memory_space<hbm>>)
      tpu.yield
    }) : () -> ()
    return
  }
}

module attributes {stable_mosaic.version = 14 : i64} {
  func.func @_tc1_body(%arg0: memref<10000x128xf32, #tpu.memory_space<vmem>>, %arg1: memref<128x128xf32, #tpu.memory_space<vmem>>, %arg2: memref<2x10240xf32, #tpu.memory_space<vmem>>, %arg3: memref<10240x128xf32, #tpu.memory_space<vmem>>) attributes {dimension_semantics = [], scalar_prefetch = 0 : i64, scratch_operands = 0 : i64, tpu.core_type = #tpu.core_type<tc>} {
    %get3A = arith.constant 0 : index
    %get3A_0 = arith.constant 0 : index
    %get3A_1 = vector.load %arg0[%get3A, %get3A_0] : memref<10000x128xf32, #tpu.memory_space<vmem>>, vector<10000x128xf32>
    %reduce_sum3A = arith.constant dense<0.000000e+00> : vector<10000xf32>
    %reduce_sum3A_2 = vector.multi_reduction <add>, %get3A_1, %reduce_sum3A [1] : vector<10000x128xf32> to vector<10000xf32>
    %broadcast_in_dim3A = vector.shape_cast %reduce_sum3A_2 : vector<10000xf32> to vector<10000x1xf32>
    %div3A = vector.broadcast %broadcast_in_dim3A : vector<10000x1xf32> to vector<10000x128xf32>
    %div3A_3 = arith.divf %get3A_1, %div3A : vector<10000x128xf32>
    %get3A_4 = arith.constant 0 : index
    %get3A_5 = arith.constant 0 : index
    %get3A_6 = vector.load %arg1[%get3A_4, %get3A_5] : memref<128x128xf32, #tpu.memory_space<vmem>>, vector<128x128xf32>
    %dot_general3A = arith.constant dense<0.000000e+00> : vector<10000x128xf32>
    %dot_general3A_7 = tpu.matmul %div3A_3, %get3A_6, %dot_general3A {dimension_numbers = #tpu.dot_dimension_numbers<[1], [0], [0], [1], [0, 0, 1, 1], [], []>, transpose_lhs_hint = false} : vector<10000x128xf32>, vector<128x128xf32>, vector<10000x128xf32> -> vector<10000x128xf32>
    %get3A_8 = arith.constant 0 : index
    %get3A_9 = arith.constant 0 : index
    %get3A_10 = vector.load %arg2[%get3A_8, %get3A_9] : memref<2x10240xf32, #tpu.memory_space<vmem>>, vector<1x10000xf32>
    %get3A_11 = vector.shape_cast %get3A_10 : vector<1x10000xf32> to vector<10000xf32>
    %get3A_12 = arith.constant 1 : index
    %get3A_13 = arith.constant 0 : index
    %get3A_14 = vector.load %arg2[%get3A_12, %get3A_13] : memref<2x10240xf32, #tpu.memory_space<vmem>>, vector<1x10000xf32>
    %get3A_15 = vector.shape_cast %get3A_14 : vector<1x10000xf32> to vector<10000xf32>
    %add3A = arith.addf %get3A_11, %get3A_15 : vector<10000xf32>
    %add3A_16 = arith.constant 1.000000e+00 : f32
    %add3A_17 = vector.broadcast %add3A_16 : f32 to vector<10000xf32>
    %add3A_18 = arith.addf %add3A, %add3A_17 : vector<10000xf32>
    %rsqrt3A = math.rsqrt %add3A_18 : vector<10000xf32>
    %broadcast_in_dim3A_19 = vector.shape_cast %rsqrt3A : vector<10000xf32> to vector<10000x1xf32>
    %mul3A = vector.broadcast %broadcast_in_dim3A_19 : vector<10000x1xf32> to vector<10000x128xf32>
    %mul3A_20 = arith.mulf %dot_general3A_7, %mul3A : vector<10000x128xf32>
    %swap3A = arith.constant 0 : index
    %swap3A_21 = arith.constant 0 : index
    %swap3A_22 = vector.load %arg3[%swap3A, %swap3A_21] : memref<10240x128xf32, #tpu.memory_space<vmem>>, vector<10000x128xf32>
    tpu.vector_store %arg3[%swap3A, %swap3A_21], %mul3A_20 {strides = array<i32>} : memref<10240x128xf32, #tpu.memory_space<vmem>>, vector<10000x128xf32>,
    %broadcast_in_dim3A_23 = arith.constant 0.000000e+00 : f32
    %broadcast_in_dim3A_24 = vector.broadcast %broadcast_in_dim3A_23 : f32 to vector<240x128xf32>
    %swap3A_25 = arith.constant 10000 : index
    %swap3A_26 = arith.constant 0 : index
    %swap3A_27 = vector.load %arg3[%swap3A_25, %swap3A_26] : memref<10240x128xf32, #tpu.memory_space<vmem>>, vector<240x128xf32>
    tpu.vector_store %arg3[%swap3A_25, %swap3A_26], %broadcast_in_dim3A_24 {strides = array<i32>} : memref<10240x128xf32, #tpu.memory_space<vmem>>, vector<240x128xf32>,
    return
  }
}

module attributes {stable_mosaic.version = 14 : i64} {
  func.func @_tc2_body(%arg0: memref<2x10240x128xf32, #tpu.memory_space<vmem>>, %arg1: memref<10240x128xf32, #tpu.memory_space<vmem>>, %arg2: memref<2x10240xf32, #tpu.memory_space<vmem>>, %arg3: memref<128xf32, #tpu.memory_space<vmem>>, %arg4: memref<128x1xf32, #tpu.memory_space<vmem>>, %arg5: memref<10240xf32, #tpu.memory_space<vmem>>) attributes {dimension_semantics = [], scalar_prefetch = 0 : i64, scratch_operands = 0 : i64, tpu.core_type = #tpu.core_type<tc>} {
    %get3A = arith.constant 0 : index
    %get3A_0 = arith.constant 0 : index
    %get3A_1 = arith.constant 0 : index
    %get3A_2 = vector.load %arg0[%get3A, %get3A_0, %get3A_1] : memref<2x10240x128xf32, #tpu.memory_space<vmem>>, vector<1x10000x128xf32>
    %get3A_3 = vector.shape_cast %get3A_2 : vector<1x10000x128xf32> to vector<10000x128xf32>
    %get3A_4 = arith.constant 1 : index
    %get3A_5 = arith.constant 0 : index
    %get3A_6 = arith.constant 0 : index
    %get3A_7 = vector.load %arg0[%get3A_4, %get3A_5, %get3A_6] : memref<2x10240x128xf32, #tpu.memory_space<vmem>>, vector<1x10000x128xf32>
    %get3A_8 = vector.shape_cast %get3A_7 : vector<1x10000x128xf32> to vector<10000x128xf32>
    %add3A = arith.addf %get3A_3, %get3A_8 : vector<10000x128xf32>
    %get3A_9 = arith.constant 0 : index
    %get3A_10 = arith.constant 0 : index
    %get3A_11 = vector.load %arg1[%get3A_9, %get3A_10] : memref<10240x128xf32, #tpu.memory_space<vmem>>, vector<10000x128xf32>
    %add3A_12 = arith.addf %add3A, %get3A_11 : vector<10000x128xf32>
    %get3A_13 = arith.constant 0 : index
    %get3A_14 = arith.constant 0 : index
    %get3A_15 = vector.load %arg2[%get3A_13, %get3A_14] : memref<2x10240xf32, #tpu.memory_space<vmem>>, vector<1x10000xf32>
    %get3A_16 = vector.shape_cast %get3A_15 : vector<1x10000xf32> to vector<10000xf32>
    %get3A_17 = arith.constant 1 : index
    %get3A_18 = arith.constant 0 : index
    %get3A_19 = vector.load %arg2[%get3A_17, %get3A_18] : memref<2x10240xf32, #tpu.memory_space<vmem>>, vector<1x10000xf32>
    %get3A_20 = vector.shape_cast %get3A_19 : vector<1x10000xf32> to vector<10000xf32>
    %add3A_21 = arith.addf %get3A_16, %get3A_20 : vector<10000xf32>
    %add3A_22 = arith.constant 1.000000e+00 : f32
    %add3A_23 = vector.broadcast %add3A_22 : f32 to vector<10000xf32>
    %add3A_24 = arith.addf %add3A_21, %add3A_23 : vector<10000xf32>
    %rsqrt3A = math.rsqrt %add3A_24 : vector<10000xf32>
    %broadcast_in_dim3A = vector.shape_cast %rsqrt3A : vector<10000xf32> to vector<10000x1xf32>
    %mul3A = vector.broadcast %broadcast_in_dim3A : vector<10000x1xf32> to vector<10000x128xf32>
    %mul3A_25 = arith.mulf %add3A_12, %mul3A : vector<10000x128xf32>
    %get3A_26 = arith.constant 0 : index
    %get3A_27 = vector.load %arg3[%get3A_26] : memref<128xf32, #tpu.memory_space<vmem>>, vector<128xf32>
    %broadcast_in_dim3A_28 = vector.shape_cast %get3A_27 : vector<128xf32> to vector<1x128xf32>
    %add3A_29 = vector.broadcast %broadcast_in_dim3A_28 : vector<1x128xf32> to vector<10000x128xf32>
    %add3A_30 = arith.addf %mul3A_25, %add3A_29 : vector<10000x128xf32>
    %max3A = arith.constant 0.000000e+00 : f32
    %max3A_31 = vector.broadcast %max3A : f32 to vector<10000x128xf32>
    %max3A_32 = arith.maximumf %add3A_30, %max3A_31 : vector<10000x128xf32>
    %get3A_33 = arith.constant 0 : index
    %get3A_34 = arith.constant 0 : index
    %get3A_35 = vector.load %arg4[%get3A_33, %get3A_34] : memref<128x1xf32, #tpu.memory_space<vmem>>, vector<128x1xf32>
    %squeeze3A = vector.shape_cast %get3A_35 : vector<128x1xf32> to vector<128xf32>
    %broadcast_in_dim3A_36 = vector.shape_cast %squeeze3A : vector<128xf32> to vector<1x128xf32>
    %mul3A_37 = vector.broadcast %broadcast_in_dim3A_36 : vector<1x128xf32> to vector<10000x128xf32>
    %mul3A_38 = arith.mulf %max3A_32, %mul3A_37 : vector<10000x128xf32>
    %reduce_sum3A = arith.constant dense<0.000000e+00> : vector<10000xf32>
    %reduce_sum3A_39 = vector.multi_reduction <add>, %mul3A_38, %reduce_sum3A [1] : vector<10000x128xf32> to vector<10000xf32>
    %mul3A_40 = arith.mulf %rsqrt3A, %reduce_sum3A_39 : vector<10000xf32>
    %swap3A = arith.constant 0 : index
    %swap3A_41 = vector.load %arg5[%swap3A] : memref<10240xf32, #tpu.memory_space<vmem>>, vector<10000xf32>
    tpu.vector_store %arg5[%swap3A], %mul3A_40 {strides = array<i32>} : memref<10240xf32, #tpu.memory_space<vmem>>, vector<10000xf32>,
    %broadcast_in_dim3A_42 = arith.constant 0.000000e+00 : f32
    %broadcast_in_dim3A_43 = vector.broadcast %broadcast_in_dim3A_42 : f32 to vector<240xf32>
    %swap3A_44 = arith.constant 10000 : index
    %swap3A_45 = vector.load %arg5[%swap3A_44] : memref<10240xf32, #tpu.memory_space<vmem>>, vector<240xf32>
    tpu.vector_store %arg5[%swap3A_44], %broadcast_in_dim3A_43 {strides = array<i32>} : memref<10240xf32, #tpu.memory_space<vmem>>, vector<240xf32>,
    return
  }
}

module attributes {stable_mosaic.version = 14 : i64} {
  func.func @_tc3_body(%arg0: memref<2x10240xf32, #tpu.memory_space<vmem>>, %arg1: memref<10240xf32, #tpu.memory_space<vmem>>, %arg2: memref<2x10240xf32, #tpu.memory_space<vmem>>, %arg3: memref<1xf32, #tpu.memory_space<vmem>>, %arg4: memref<1x10000xf32, #tpu.memory_space<vmem>>) attributes {dimension_semantics = [], scalar_prefetch = 0 : i64, scratch_operands = 0 : i64, tpu.core_type = #tpu.core_type<tc>} {
    %get3A = arith.constant 0 : index
    %get3A_0 = arith.constant 0 : index
    %get3A_1 = vector.load %arg0[%get3A, %get3A_0] : memref<2x10240xf32, #tpu.memory_space<vmem>>, vector<1x10000xf32>
    %get3A_2 = vector.shape_cast %get3A_1 : vector<1x10000xf32> to vector<10000xf32>
    %get3A_3 = arith.constant 1 : index
    %get3A_4 = arith.constant 0 : index
    %get3A_5 = vector.load %arg0[%get3A_3, %get3A_4] : memref<2x10240xf32, #tpu.memory_space<vmem>>, vector<1x10000xf32>
    %get3A_6 = vector.shape_cast %get3A_5 : vector<1x10000xf32> to vector<10000xf32>
    %add3A = arith.addf %get3A_2, %get3A_6 : vector<10000xf32>
    %get3A_7 = arith.constant 0 : index
    %get3A_8 = vector.load %arg1[%get3A_7] : memref<10240xf32, #tpu.memory_space<vmem>>, vector<10000xf32>
    %add3A_9 = arith.addf %add3A, %get3A_8 : vector<10000xf32>
    %get3A_10 = arith.constant 0 : index
    %get3A_11 = arith.constant 0 : index
    %get3A_12 = vector.load %arg2[%get3A_10, %get3A_11] : memref<2x10240xf32, #tpu.memory_space<vmem>>, vector<1x10000xf32>
    %get3A_13 = vector.shape_cast %get3A_12 : vector<1x10000xf32> to vector<10000xf32>
    %get3A_14 = arith.constant 1 : index
    %get3A_15 = arith.constant 0 : index
    %get3A_16 = vector.load %arg2[%get3A_14, %get3A_15] : memref<2x10240xf32, #tpu.memory_space<vmem>>, vector<1x10000xf32>
    %get3A_17 = vector.shape_cast %get3A_16 : vector<1x10000xf32> to vector<10000xf32>
    %add3A_18 = arith.addf %get3A_13, %get3A_17 : vector<10000xf32>
    %add3A_19 = arith.constant 1.000000e+00 : f32
    %add3A_20 = vector.broadcast %add3A_19 : f32 to vector<10000xf32>
    %add3A_21 = arith.addf %add3A_18, %add3A_20 : vector<10000xf32>
    %rsqrt3A = math.rsqrt %add3A_21 : vector<10000xf32>
    %mul3A = arith.mulf %rsqrt3A, %add3A_9 : vector<10000xf32>
    %get3A_22 = arith.constant 0 : index
    %get3A_23 = vector.load %arg3[%get3A_22] : memref<1xf32, #tpu.memory_space<vmem>>, vector<1xf32>
    %get3A_24 = vector.extract %get3A_23[0] : f32 from vector<1xf32>
    %add3A_25 = vector.broadcast %get3A_24 : f32 to vector<10000xf32>
    %add3A_26 = arith.addf %mul3A, %add3A_25 : vector<10000xf32>
    %swap3A = arith.constant 0 : index
    %swap3A_27 = arith.constant 0 : index
    %swap3A_28 = vector.load %arg4[%swap3A, %swap3A_27] : memref<1x10000xf32, #tpu.memory_space<vmem>>, vector<1x10000xf32>
    %swap3A_29 = vector.shape_cast %swap3A_28 : vector<1x10000xf32> to vector<10000xf32>
    %swap3A_30 = vector.shape_cast %add3A_26 : vector<10000xf32> to vector<1x10000xf32>
    tpu.vector_store %arg4[%swap3A, %swap3A_27], %swap3A_30 {strides = array<i32>} : memref<1x10000xf32, #tpu.memory_space<vmem>>, vector<1x10000xf32>,
    return
  }
}

</mosaic_0001>

<sc_bundles>
// kernel: kernel.11.cloned.1.call-start
scs
__scs_entry_jumppad:
0x0: {  	(pc) =	sbr.rel $0x88, $3  }
0x1: {  	(tag) =	ssettag $0x0;
	lr =	simm.s32 $0x1  }
0x2: {  	[smem:$0x3F9A] =	sst lr;
	_ =	strace $0xD0000000  }
0x3: {  	_ = 	snop  }
0x4: {  	_ = 	snop  }
0x5: {  	_ = 	snop  }
0x6: {  	_ = 	snop  }
0x7: {  	_ = 	snop  }
__scs_overlays_trampoline_lowered:
0x8: {  	[smem:$0x3FA9] =	sst s0  }
0x9: {  	[smem:$0x3FAA] =	sst s1  }
0xa: {  	[smem:$0x3FAB] =	sst s2  }
0xb: {  	[smem:$0x3FAC] =	sst s3  }
0xc: {  	[smem:$0x3FAD] =	sst s4  }
0xd: {  	[smem:$0x3FAE] =	sst s5  }
0xe: {  	[smem:$0x3FAF] =	sst s6  }
0xf: {  	[smem:$0x3FB0] =	sst s7  }
0x10: {  	[smem:$0x3FB1] =	sst s8  }
0x11: {  	[smem:$0x3FB2] =	sst s9;
	s0 =	simm.s32 @!p0 $0x0  }
0x12: {  	s1 =	sld [smem:$0x3F98];
	s0 =	simm.s32 @p0 $0x1  }
0x13: {  	[smem:$0x3FB3] =	sst s0;
	s0 =	simm.s32 @!p1 $0x0  }
0x14: {  	s2 =	sld [smem:$0x3F97];
	s0 =	simm.s32 @p1 $0x1  }
0x15: {  	[smem:$0x3FB4] =	sst s0;
	s0 =	simm.s32 @!p2 $0x0  }
0x16: {  	s3 =	sld [smem:$0x3FDB];
	s0 =	simm.s32 @p2 $0x1  }
0x17: {  	s4 =	simm.s32 $0x1BF5;
	[smem:$0x3FB6] =	sst s0  }
0x18: {  	s0 =	sld [smem:$0x3F99];
	_ =	swait.ge [sflag:s4], $0x0  }
0x19: {  	s7 =	sld [smem:$0x3F9A]  }
0x1a: {  	s8 =	sadd.s32 $0xFFFFE003, lr  }
0x1b: {  	s9 =	sadd.s32 $0xFFFFFEF7, lr;
	s5 =	simm.s32 $0xFFFFFFFF;
	p2 =	slt.u32 s8, $0xFFFFF086  }
0x1c: {  	p1 =	slt.u32 s9, $0xF7A;
	s5 =	simm.s32 @!p2 $0x0  }
0x1d: {  	s5 =	simm.s32 @p1 $0x1;
	p0 =	seq.s32 s7, s2  }
0x1e: {  	s7 =	smul.u32 @!p0 $0xF7A, s2;
	p2 =	seq.s32 @!p0 s5, $0x0  }
0x1f: {  	s9 =	smul.u32 $0xF7A, s1;
	s8 =	simm.s32 @!p0 $0x1BF5;
	p2 =	por !p2, p0  }
0x20: {  	[sflag:s8] =	ssyncset.s32 @!p0 $0xFFFFF086;
	s6 =	sadd.s32 @!p0 s3, s7;
	s7 =	simm.s32 @!p0 $0x108  }
0x21: {  	s3 =	sadd.s32 s3, s9;
	s6 =	sadd.s32 @!p0 $0x88, s6;
	s7 =	simm.s32 @p2 $0x1082  }
0x22: {  	[simem:s7], [sflag:s8] =	dma.local @!p0 [hbm:s6], $0xF7A  }
0x23: {  	s9 =	sor.u32 $0xD0000000, s2;
	s6 =	simm.s32 $0x108;
	_ =	swait.ge @!p0 [sflag:s8], $0x0  }
0x24: {  	s3 =	sadd.s32 $0x88, s3;
	s6 =	simm.s32 @!p1 $0x1082;
	[sflag:s4] =	ssyncset.s32 $0xFFFFF086  }
0x25: {  	[simem:s6], [sflag:s4] =	dma.local [hbm:s3], $0xF7A  }
0x26: {  	[smem:$0x3F9A] =	sst s1;
	(tag) =	ssettag s2;
	_ =	strace s9  }
0x27: {  	s1 =	sld [smem:$0x3FAA]  }
0x28: {  	s2 =	sld [smem:$0x3FAB]  }
0x29: {  	s4 =	sld [smem:$0x3FAD]  }
0x2a: {  	p0 =	seq.s32 s5, $0x0;
	s5 =	sld [smem:$0x3FAE]  }
0x2b: {  	s6 =	sld [smem:$0x3FAF]  }
0x2c: {  	s7 =	sld [smem:$0x3FB0]  }
0x2d: {  	s3 =	simm.s32 $0x108;
	s8 =	sld [smem:$0x3FB1]  }
0x2e: {  	s3 =	simm.s32 @!p0 $0x1082;
	s9 =	sld [smem:$0x3FB2]  }
0x2f: {  	lr =	sadd.s32 s0, s3;
	s0 =	sld [smem:$0x3FA9]  }
0x30: {  	s3 =	sld [smem:$0x3FAC]  }
0x31: {  	[smem:$0x3FB5] =	sst s10  }
0x32: {  	s10 =	sld [smem:$0x3FB3];
	_ =	sdelay $0x3  }
0x33: {  	p0 =	seq.s32 s10, $0x1;
	s10 =	sld [smem:$0x3FB5];
	_ =	sdelay $0x3  }
0x34: {  	[smem:$0x3FB5] =	sst s10  }
0x35: {  	s10 =	sld [smem:$0x3FB4];
	_ =	sdelay $0x3  }
0x36: {  	p1 =	seq.s32 s10, $0x1;
	s10 =	sld [smem:$0x3FB5];
	_ =	sdelay $0x3  }
0x37: {  	[smem:$0x3FB5] =	sst s10  }
0x38: {  	s10 =	sld [smem:$0x3FB6]  }
0x39: {  	_ = 	snop;
	(pc) =	sbr.ind lr, $3  }
0x3a: {  	_ = 	snop  }
0x3b: {  	_ = 	snop  }
0x3c: {  	p2 =	seq.s32 s10, $0x1;
	s10 =	sld [smem:$0x3FB5]  }
0x3d: {  	_ =	shalt  }
0x3e: {  	_ =	shalt  }
0x3f: {  	_ =	shalt  }
0x40: {  	_ =	shalt  }
0x41: {  	_ =	shalt  }
0x42: {  	_ =	shalt  }
0x43: {  	_ =	shalt  }
0x44: {  	_ =	shalt  }
0x45: {  	_ =	shalt  }
0x46: {  	_ =	shalt  }
0x47: {  	_ =	shalt  }
0x48: {  	_ =	shalt  }
0x49: {  	_ =	shalt  }
0x4a: {  	_ =	shalt  }
0x4b: {  	_ =	shalt  }
0x4c: {  	_ =	shalt  }
0x4d: {  	_ =	shalt  }
0x4e: {  	_ =	shalt  }
0x4f: {  	_ =	shalt  }
0x50: {  	_ =	shalt  }
0x51: {  	_ =	shalt  }
0x52: {  	_ =	shalt  }
0x53: {  	_ =	shalt  }
0x54: {  	_ =	shalt  }
0x55: {  	_ =	shalt  }
0x56: {  	_ =	shalt  }
0x57: {  	_ =	shalt  }
0x58: {  	_ =	shalt  }
0x59: {  	_ =	shalt  }
0x5a: {  	_ =	shalt  }
0x5b: {  	_ =	shalt  }
0x5c: {  	_ =	shalt  }
0x5d: {  	_ =	shalt  }
0x5e: {  	_ =	shalt  }
0x5f: {  	_ =	shalt  }
0x60: {  	_ =	shalt  }
0x61: {  	_ =	shalt  }
0x62: {  	_ =	shalt  }
0x63: {  	_ =	shalt  }
0x64: {  	_ =	shalt  }
0x65: {  	_ =	shalt  }
0x66: {  	_ =	shalt  }
0x67: {  	_ =	shalt  }
0x68: {  	_ =	shalt  }
0x69: {  	_ =	shalt  }
0x6a: {  	_ =	shalt  }
0x6b: {  	_ =	shalt  }
0x6c: {  	_ =	shalt  }
0x6d: {  	_ =	shalt  }
0x6e: {  	_ =	shalt  }
0x6f: {  	_ =	shalt  }
0x70: {  	_ =	shalt  }
0x71: {  	_ =	shalt  }
0x72: {  	_ =	shalt  }
0x73: {  	_ =	shalt  }
0x74: {  	_ =	shalt  }
0x75: {  	_ =	shalt  }
0x76: {  	_ =	shalt  }
0x77: {  	_ =	shalt  }
0x78: {  	_ =	shalt  }
0x79: {  	_ =	shalt  }
0x7a: {  	_ =	shalt  }
0x7b: {  	_ =	shalt  }
0x7c: {  	_ =	shalt  }
0x7d: {  	_ =	shalt  }
0x7e: {  	_ =	shalt  }
0x7f: {  	_ =	shalt  }
0x80: {  	_ =	shalt  }
0x81: {  	_ =	shalt  }
0x82: {  	_ =	shalt  }
0x83: {  	_ =	shalt  }
0x84: {  	_ =	shalt  }
0x85: {  	_ =	shalt  }
0x86: {  	_ =	shalt  }
0x87: {  	_ =	shalt  }
.Lfunc_end0:
.L_simem_size_0:
called_computation.1_lowered:
.L_overlay_start_0:
0x88: {  	s2 =	sld [smem:$0x3FD9]  }
0x89: {  	s3 =	sld [smem:$0x3FFE];
	_ =	sdelay $0x1  }
0x8a: {  	s1 =	srdreg.scid  }
0x8b: {  	s0 =	sand.u32 $0x1, s1  }
0x8c: {  	s16 =	sshll.u32 s0, $0xA;
	s2 =	sadd.s32 s3, s2  }
0x8d: {  	s2 =	sadd.s32 s2, s16  }
0x8e: {  	[smem:$0x3FC1] =	sst s2  }
0x8f: {  	_ = 	snop  }
0x90: {  	(tm) =	ssettm $0x1  }
0x91: {  	s17 =	sld [smem:$0x3FFB];
	_ =	sdelay $0x3  }
0x92: {  	_ =	strace s17  }
0x93: {  	s2 =	sld [smem:$0x3FFC];
	_ =	sdelay $0x3  }
0x94: {  	_ =	strace s2  }
0x95: {  	s2 =	sld [smem:$0x3FFD];
	_ =	sdelay $0x3  }
0x96: {  	_ =	strace s2  }
0x97: {  	_ =	strace $0x8FFFFFFF  }
0x98: {  	s18 =	sld [smem:$0x3FDB];
	_ =	sdelay $0x1  }
0x99: {  	s19 =	simm.s32 $_scs_section_size  }
0x9a: {  	s4 =	simm.s32 $_size__tile_overlayer_lowered;
	s5 =	simm.s32 $_tile_overlayer_lowered  }
0x9b: {  	s22 =	simm.s32 $0x1BFF;
	s21 =	sshll.u32 s5, $0x1;
	s2 =	sadd.s32 s19, s18  }
0x9c: {  	s6 =	simm.s32 $0x0;
	s20 =	sshll.u32 s4, $0x1;
	s4 =	sadd.s32 s21, s2  }
0x9d: {  	[timem:s6], [sflag:s22] =	dma.local [hbm:s4], s20  }
0x9e: {  	_ =	swait.ge [sflag:s22], s20  }
0x9f: {  	s3 =	ssub.s32 $0x0, s20;
	[sflag:s22] =	ssyncset.done $0x0  }
0xa0: {  	[sflag:s22] =	ssyncadd.s32 s3;
	_ =	sdelay $0x1  }
0xa1: {  	s23 =	simm.s32 $0x1B8B  }
0xa2: {  	_ =	swait.ge [sflag:s23], $0x1  }
0xa3: {  	[sflag:s23] =	ssyncset.done $0x0  }
0xa4: {  	s25 =	simm.s32 $0x1B8E;
	s24 =	sld [smem:$0x3FFE];
	[sflag:s23] =	ssyncadd.s32 $0xFFFFFFFF  }
0xa5: {  	s26 =	simm.s32 $execute0_lowered;
	[smem:$0x3FD2] =	sst s25  }
0xa6: {  	s4 =	sshll.u32 s26, $0x1;
	_ =	strace $0x80000049;
	[dreg:$0x1] =	wrdreg $0xFFFFFFFF  }
0xa7: {  	s28 =	simm.s32 $_size_execute0_lowered;
	s2 =	sadd.s32 s2, s4;
	[dreg:$0x0] =	wrdreg $0x0  }
0xa8: {  	s4 =	sshll.u32 s28, $0x1;
	[dreg:$0x2] =	wrdreg s2  }
0xa9: {  	[dreg:$0x3] =	wrdreg s4  }
0xaa: {  	[dreg:$0x4] =	wrdreg $0xC0  }
0xab: {  	_ =	task [dreg:s6], $0x5FFFF  }
0xac: {  	[dreg:$0x1] =	wrdreg $0xFFFFFFFF  }
0xad: {  	[dreg:$0x0] =	wrdreg $0x60  }
0xae: {  	[dreg:$0x2] =	wrdreg s24  }
0xaf: {  	[dreg:$0x3] =	wrdreg $0xB6000  }
0xb0: {  	[dreg:$0x4] =	wrdreg $0x9  }
0xb1: {  	_ =	task.clear_ibuf [dreg:s6], $0x5FFFF;
	_ =	strace $0x90000049  }
0xb2: {  	s29 =	simm.s32 $0x9;
	_ =	strace $0x8000004B  }
0xb3: {  	_ =	swait.ge [sflag:s29], $0x1  }
0xb4: {  	[sflag:s29] =	ssyncadd.s32 $0xFFFFFFFF  }
0xb5: {  	_ =	strace $0x9000004B  }
0xb6: {  	_ =	sfence  }
0xb7: {  	s30 =	sld [smem:$0x0];
	_ =	sdelay $0x2  }
0xb8: {  	s31 =	sshll.u32 s1, $0xD;
	s1 =	sshrl.u32 s1, $0x2  }
0xb9: {  	s3 =	sand.u32 $0x4000, s31;
	s1 =	sadd.s32 s1, s30  }
0xba: {  	s0 =	sor.u32 s3, s0;
	s1 =	sshll.u32 s1, $0x11  }
0xbb: {  	s0 =	sor.u32 s1, s0  }
0xbc: {  	s0 =	sadd.s32 $0x8F2B, s0  }
0xbd: {  	[sflag:s0] =	ssyncadd.remote.s32 $0x1  }
0xbe: {  	_ =	sfence.sel $0xFFFF  }
0xbf: {  	[dreg:$0x0] =	wrdreg $0xFFFFFFFF;
	(pc) =	sbr.abs _section_cstart, $3  }
0xc0: {  	[dreg:$0x1] =	wrdreg $0xFFFFFFFF  }
0xc1: {  	_ =	task.clear_ibuf [dreg:s6], $0x2FFFF;
	_ =	strace $0x9FFFFFFF  }
0xc2: {  	(tm) =	ssettm $0x7FFFFFFF  }
0xc3: {  	_ =	shalt  }
tec
execute0_lowered:
.L_overlay_start_1:
0x0: {  	(tag) =	ssettag $0x1  }
0x1: {  	s14 =	rddreg [dreg:$0x0];
	s0 =	stileid.u32  }
0x2: {  	s1 =	srdreg.scid;
	s2 =	rddreg [dreg:$0x1];
	s17 =	simm.s32 $0x3400  }
0x3: {  	s18 =	simm.s32 $0x3480;
	s19 =	simm.s32 $0x80;
	s20 =	simm.s32 $0x7600  }
0x4: {  	s21 =	simm.s32 $0x1;
	s22 =	simm.s32 $0x2;
	s3 =	smul.u32 $0x38, s0  }
0x5: {  	s23 =	simm.s32 $0x7;
	s24 =	simm.s32 $0x3500;
	s4 =	smul.u32 $0x68, s0  }
0x6: {  	s25 =	simm.s32 $0x3580;
	s6 =	sand.u32 $0x1, s1;
	s8 =	smul.u32 $0x14000, s0  }
0x7: {  	s5 =	sadd.s32 $0x2C400, s14;
	s10 =	smul.u32 $0x50000, s0;
	s31 =	sadd.s32 $0x17440, s14  }
0x8: {  	p0 =	seq.s32 s6, $0x0;
	s7 =	smul.u32 $0x140000, s6;
	s6 =	ssub.s32 $0x2, s6  }
0x9: {  	s13 =	sadd.s32 $0x680, s3;
	s3 =	simm.s32 $0x0;
	s26 =	sshrl.u32 s6, $0x1  }
0xa: {  	s28 =	sshrl.u32 s10, $0x2;
	s13 =	smov.u32 @p0 s4;
	[smem:$0x7FF] =	sst s3  }
0xb: {  	s4 =	sadd.s32 $0x17400, s14;
	s7 =	sadd.s32 s8, s7;
	s12 =	ssub.s32 s6, s26  }
0xc: {  	s6 =	simm.s32 $0x68;
	s8 =	sadd.s32 s28, s2;
	s26 =	simm.s32 $0x4  }
0xd: {  	s15 =	sshll.u32 s13, $0x4;
	_ =	strace $0x8000004A;
	s7 =	sshrl.u32 s7, $0x3  }
0xe: {  	s6 =	simm.s32 @!p0 $0x38;
	s12 =	smax.u32 s12, $0x1;
	[dreg:$0x4] =	wrdreg s31  }
0xf: {  	s13 =	sshll.u32 s13, $0x7;
	[dreg:$0x5] =	wrdreg s24;
	s24 =	simm.s32 $0x8  }
0x10: {  	[dreg:$0x6] =	wrdreg s25;
	s25 =	simm.s32 $0x3;
	s9 =	sadd.s32 s15, s14  }
0x11: {  	s11 =	sadd.s32 s7, s14;
	s7 =	sadd.s32 s4, s15;
	s16 =	sshll.u32 s6, $0x9  }
0x12: {  	s14 =	sor.u32 $0x50, s15;
	s29 =	sadd.s32 $0x21C00, s9;
	[dreg:$0x3] =	wrdreg s16  }
0x13: {  	s15 =	simm.s32 $0x3600;
	s30 =	sadd.s32 $0x10, s7;
	[dreg:$0x7] =	wrdreg s29  }
0x14: {  	v0 =	vimm.f32 $0.0e+00;
	s11 =	sadd.s32 $0x54400, s11;
	s16 =	simm.s32 $0x9;
	[dreg:$0x8] =	wrdreg s30  }
.LBB2_1:
0x15: {  	[tilespmem:$0x3600] =	vst v0  }
0x16: {  	[tilespmem:$0x3610] =	vst v0  }
0x17: {  	[tilespmem:$0x3620] =	vst v0  }
0x18: {  	[tilespmem:$0x3630] =	vst v0  }
0x19: {  	[tilespmem:$0x3640] =	vst v0  }
0x1a: {  	[tilespmem:$0x3650] =	vst v0  }
0x1b: {  	[tilespmem:$0x3660] =	vst v0  }
0x1c: {  	[tilespmem:$0x3670] =	vst v0  }
0x1d: {  	[tilespmem:$0x3680] =	vst v0  }
0x1e: {  	[tilespmem:$0x3690] =	vst v0  }
0x1f: {  	[tilespmem:$0x36A0] =	vst v0  }
0x20: {  	[tilespmem:$0x36B0] =	vst v0  }
0x21: {  	[tilespmem:$0x36C0] =	vst v0  }
0x22: {  	[tilespmem:$0x36D0] =	vst v0  }
0x23: {  	[tilespmem:$0x36E0] =	vst v0  }
0x24: {  	[tilespmem:$0x36F0] =	vst v0  }
0x25: {  	[tilespmem:$0x3700] =	vst v0  }
0x26: {  	[tilespmem:$0x3710] =	vst v0  }
0x27: {  	[tilespmem:$0x3720] =	vst v0  }
0x28: {  	[tilespmem:$0x3730] =	vst v0  }
0x29: {  	[tilespmem:$0x3740] =	vst v0  }
0x2a: {  	[tilespmem:$0x3750] =	vst v0  }
0x2b: {  	[tilespmem:$0x3760] =	vst v0  }
0x2c: {  	[tilespmem:$0x3770] =	vst v0  }
0x2d: {  	[tilespmem:$0x3780] =	vst v0  }
0x2e: {  	[tilespmem:$0x3790] =	vst v0  }
0x2f: {  	[tilespmem:$0x37A0] =	vst v0  }
0x30: {  	[tilespmem:$0x37B0] =	vst v0  }
0x31: {  	[tilespmem:$0x37C0] =	vst v0  }
0x32: {  	[tilespmem:$0x37D0] =	vst v0  }
0x33: {  	[tilespmem:$0x37E0] =	vst v0  }
0x34: {  	[tilespmem:$0x37F0] =	vst v0  }
0x35: {  	[tilespmem:$0x3800] =	vst v0  }
0x36: {  	[tilespmem:$0x3810] =	vst v0  }
0x37: {  	[tilespmem:$0x3820] =	vst v0  }
0x38: {  	[tilespmem:$0x3830] =	vst v0  }
0x39: {  	[tilespmem:$0x3840] =	vst v0  }
0x3a: {  	[tilespmem:$0x3850] =	vst v0  }
0x3b: {  	[tilespmem:$0x3860] =	vst v0  }
0x3c: {  	[tilespmem:$0x3870] =	vst v0  }
0x3d: {  	[tilespmem:$0x3880] =	vst v0  }
0x3e: {  	[tilespmem:$0x3890] =	vst v0  }
0x3f: {  	[tilespmem:$0x38A0] =	vst v0  }
0x40: {  	[tilespmem:$0x38B0] =	vst v0  }
0x41: {  	[tilespmem:$0x38C0] =	vst v0  }
0x42: {  	[tilespmem:$0x38D0] =	vst v0  }
0x43: {  	[tilespmem:$0x38E0] =	vst v0  }
0x44: {  	[tilespmem:$0x38F0] =	vst v0  }
0x45: {  	[tilespmem:$0x3900] =	vst v0  }
0x46: {  	[tilespmem:$0x3910] =	vst v0  }
0x47: {  	[tilespmem:$0x3920] =	vst v0  }
0x48: {  	[tilespmem:$0x3930] =	vst v0  }
0x49: {  	[tilespmem:$0x3940] =	vst v0  }
0x4a: {  	[tilespmem:$0x3950] =	vst v0  }
0x4b: {  	[tilespmem:$0x3960] =	vst v0  }
0x4c: {  	[tilespmem:$0x3970] =	vst v0  }
0x4d: {  	[tilespmem:$0x3980] =	vst v0  }
0x4e: {  	[tilespmem:$0x3990] =	vst v0  }
0x4f: {  	[tilespmem:$0x39A0] =	vst v0  }
0x50: {  	[tilespmem:$0x39B0] =	vst v0  }
0x51: {  	[tilespmem:$0x39C0] =	vst v0  }
0x52: {  	[tilespmem:$0x39D0] =	vst v0  }
0x53: {  	[tilespmem:$0x39E0] =	vst v0  }
0x54: {  	[tilespmem:$0x39F0] =	vst v0  }
0x55: {  	[tilespmem:$0x3A00] =	vst v0  }
0x56: {  	[tilespmem:$0x3A10] =	vst v0  }
0x57: {  	[tilespmem:$0x3A20] =	vst v0  }
0x58: {  	[tilespmem:$0x3A30] =	vst v0  }
0x59: {  	[tilespmem:$0x3A40] =	vst v0  }
0x5a: {  	[tilespmem:$0x3A50] =	vst v0  }
0x5b: {  	[tilespmem:$0x3A60] =	vst v0  }
0x5c: {  	[tilespmem:$0x3A70] =	vst v0  }
0x5d: {  	[tilespmem:$0x3A80] =	vst v0  }
0x5e: {  	[tilespmem:$0x3A90] =	vst v0  }
0x5f: {  	[tilespmem:$0x3AA0] =	vst v0  }
0x60: {  	[tilespmem:$0x3AB0] =	vst v0  }
0x61: {  	[tilespmem:$0x3AC0] =	vst v0  }
0x62: {  	[tilespmem:$0x3AD0] =	vst v0  }
0x63: {  	[tilespmem:$0x3AE0] =	vst v0  }
0x64: {  	[tilespmem:$0x3AF0] =	vst v0  }
0x65: {  	[tilespmem:$0x3B00] =	vst v0  }
0x66: {  	[tilespmem:$0x3B10] =	vst v0  }
0x67: {  	[tilespmem:$0x3B20] =	vst v0  }
0x68: {  	[tilespmem:$0x3B30] =	vst v0  }
0x69: {  	[tilespmem:$0x3B40] =	vst v0  }
0x6a: {  	[tilespmem:$0x3B50] =	vst v0  }
0x6b: {  	[tilespmem:$0x3B60] =	vst v0  }
0x6c: {  	[tilespmem:$0x3B70] =	vst v0  }
0x6d: {  	[tilespmem:$0x3B80] =	vst v0  }
0x6e: {  	[tilespmem:$0x3B90] =	vst v0  }
0x6f: {  	[tilespmem:$0x3BA0] =	vst v0  }
0x70: {  	[tilespmem:$0x3BB0] =	vst v0  }
0x71: {  	[tilespmem:$0x3BC0] =	vst v0  }
0x72: {  	[tilespmem:$0x3BD0] =	vst v0  }
0x73: {  	[tilespmem:$0x3BE0] =	vst v0  }
0x74: {  	[tilespmem:$0x3BF0] =	vst v0  }
0x75: {  	[tilespmem:$0x3C00] =	vst v0  }
0x76: {  	[tilespmem:$0x3C10] =	vst v0  }
0x77: {  	[tilespmem:$0x3C20] =	vst v0  }
0x78: {  	[tilespmem:$0x3C30] =	vst v0  }
0x79: {  	[tilespmem:$0x3C40] =	vst v0  }
0x7a: {  	[tilespmem:$0x3C50] =	vst v0  }
0x7b: {  	[tilespmem:$0x3C60] =	vst v0  }
0x7c: {  	[tilespmem:$0x3C70] =	vst v0  }
0x7d: {  	[tilespmem:$0x3C80] =	vst v0  }
0x7e: {  	[tilespmem:$0x3C90] =	vst v0  }
0x7f: {  	[tilespmem:$0x3CA0] =	vst v0  }
0x80: {  	[tilespmem:$0x3CB0] =	vst v0  }
0x81: {  	[tilespmem:$0x3CC0] =	vst v0  }
0x82: {  	[tilespmem:$0x3CD0] =	vst v0  }
0x83: {  	[tilespmem:$0x3CE0] =	vst v0  }
0x84: {  	[tilespmem:$0x3CF0] =	vst v0  }
0x85: {  	[tilespmem:$0x3D00] =	vst v0  }
0x86: {  	[tilespmem:$0x3D10] =	vst v0  }
0x87: {  	[tilespmem:$0x3D20] =	vst v0  }
0x88: {  	[tilespmem:$0x3D30] =	vst v0  }
0x89: {  	[tilespmem:$0x3D40] =	vst v0  }
0x8a: {  	[tilespmem:$0x3D50] =	vst v0  }
0x8b: {  	[tilespmem:$0x3D60] =	vst v0  }
0x8c: {  	[tilespmem:$0x3D70] =	vst v0  }
0x8d: {  	[tilespmem:$0x3D80] =	vst v0  }
0x8e: {  	[tilespmem:$0x3D90] =	vst v0  }
0x8f: {  	[tilespmem:$0x3DA0] =	vst v0  }
0x90: {  	[tilespmem:$0x3DB0] =	vst v0  }
0x91: {  	[tilespmem:$0x3DC0] =	vst v0  }
0x92: {  	[tilespmem:$0x3DD0] =	vst v0  }
0x93: {  	[tilespmem:$0x3DE0] =	vst v0  }
0x94: {  	[tilespmem:$0x3DF0] =	vst v0;
	s28 =	sadd.s32 $0x0, s8  }
0x95: {  	[spmem:s28] =	stream.linear.scatter [tilespmem:s15], [sflag:$0x9], $0x800, $0x38;
	[tilespmem:$0x1F600] =	vst v63  }
0x96: {  	s28 =	simm.s32 $0x2000;
	_ =	swait.ge [sflag:s16], $0x800  }
.LBB2_2:
0x97: {  	s29 =	sshra.s32 s28, $0x2;
	[sflag:s16] =	ssyncset.done $0x0;
	p0 =	sne.s32 s28, $0x4E000  }
.Ltmp0:
0x98: {  	s29 =	sadd.s32 s29, s8;
	[sflag:s16] =	ssyncadd.s32 $0xFFFFF800;
	(pc) =	sbr.rel @p0 .LBB2_2-.Ltmp0, $3  }
0x99: {  	[spmem:s29] =	stream.linear.scatter [tilespmem:s15], [sflag:$0x9], $0x800, $0x38;
	[tilespmem:$0x1F600] =	vst v63  }
0x9a: {  	s28 =	sadd.s32 $0x2000, s28;
	_ =	sdelay $0x1  }
0x9b: {  	_ =	swait.ge [sflag:s16], $0x800  }
0x9c: {  	[sflag:s16] =	ssyncset.done $0x0  }
0x9d: {  	s28 =	simm.s32 $0x0;
	s0 =	rddreg [dreg:$0x7];
	[sflag:s16] =	ssyncadd.s32 $0xFFFFF800  }
0x9e: {  	[tilespmem:s28], [sflag:$0x9] =	stream.linear.gather [hbm4b:s0+s28], $0x3400, $0x38;
	[tilespmem:$0x1F600] =	vst v63  }
0x9f: {  	_ =	swait.ge [sflag:s16], $0x3400  }
0xa0: {  	[sflag:s16] =	ssyncset.done $0x0  }
0xa1: {  	[sflag:s16] =	ssyncadd.s32 $0xFFFFCC00  }
0xa2: {  	[bflag:$0x0] =	sbarrier.arrive $0xFFFF  }
0xa3: {  	[tilespmem:s17], [sflag:$0x9] =	stream.linear.gather [hbm4b:s7+s28], $0x80, $0x38;
	[tilespmem:$0x1F600] =	vst v63  }
0xa4: {  	_ =	swait.ge [sflag:s16], $0x80  }
0xa5: {  	[sflag:s16] =	ssyncset.done $0x0  }
0xa6: {  	s10 =	rddreg [dreg:$0x8];
	[sflag:s16] =	ssyncadd.s32 $0xFFFFFF80  }
0xa7: {  	[tilespmem:s18], [sflag:$0x9] =	stream.linear.gather [hbm4b:s10+s28], $0x80, $0x38;
	[tilespmem:$0x1F600] =	vst v63  }
0xa8: {  	_ =	swait.ge [sflag:s16], $0x80  }
0xa9: {  	[sflag:s16] =	ssyncset.done $0x0  }
0xaa: {  	[sflag:s16] =	ssyncadd.s32 $0xFFFFFF80  }
0xab: {  	[tilespmem:s15], [sflag:$0x1] =	stream.indirect.gather [hbm4b:s5+s19], $0x80, s28, s19, $0xb8;
	[tilespmem:$0x1F600] =	vst v63  }
0xac: {  	s29 =	simm.s32 $0x5;
	s30 =	smov.u32 s14;
	s31 =	simm.s32 $0x0  }
0xad: {  	[tilespmem:s20], [sflag:$0x2] =	stream.indirect.gather [hbm4b:s5+s19], $0x80, s19, s19, $0xb8;
	[tilespmem:$0x1F600] =	vst v63  }
.LBB2_4:
0xae: {  	p0 =	seq.s32 s31, $0x0  }
0xaf: {  	s1 =	simm.s32 @!p0 $0x5  }
0xb0: {  	_ =	swait.ge @!p0 [sflag:s1], $0x80  }
0xb1: {  	[sflag:s1] =	ssyncset.done @!p0 $0x0  }
0xb2: {  	[sflag:s1] =	ssyncadd.s32 @!p0 $0xFFFFFF80  }
0xb3: {  	s9 =	sadd.s32 $0xFFFFFFFD, s29;
	_ =	swait.ge [sflag:s21], $0x4000  }
0xb4: {  	p1 =	sge.u32 s9, s6;
	[sflag:s21] =	ssyncset.done $0x0  }
0xb5: {  	s1 =	simm.s32 @!p1 $0x3;
	[sflag:s21] =	ssyncadd.s32 $0xFFFFC000  }
0xb6: {  	[spmem:s2] =	stream.indirect.scatter.add.f32 [tilespmem:s15], [sflag:$0x3], $0x80, s17, s19, $0xb8;
	[tilespmem:$0x1F600] =	vst v63  }
0xb7: {  	_ =	swait.ge @!p1 [sflag:s1], $0x4000  }
0xb8: {  	[sflag:s1] =	ssyncset.done @!p1 $0x0  }
0xb9: {  	[sflag:s1] =	ssyncadd.s32 @!p1 $0xFFFFC000;
	s1 =	sshra.s32 @!p1 s31, $0x2  }
0xba: {  	s0 =	simm.s32 @!p1 $0x80;
	s9 =	simm.s32 @!p1 $0x3600;
	s1 =	sadd.s32 @!p1 $0x100, s1  }
0xbb: {  	[tilespmem:s9], [sflag:$0x1] =	stream.indirect.gather @!p1 [hbm4b:s5+s0], $0x80, s1, s0, $0xb8;
	[tilespmem:$0x1F600] =	vst v63  }
0xbc: {  	s0 =	sadd.s32 @!p1 s28, s13  }
0xbd: {  	s1 =	sand.u32 @!p1 $0x200, s28;
	s0 =	sand.u32 @!p1 $0xFFFFFC00, s0  }
0xbe: {  	s0 =	sor.u32 @!p1 s0, s1  }
0xbf: {  	s0 =	sshrl.u32 @!p1 s0, $0x3  }
0xc0: {  	s0 =	sadd.s32 @!p1 s0, s4  }
0xc1: {  	s9 =	simm.s32 @!p1 $0x3500;
	s1 =	simm.s32 @!p1 $0x0;
	s0 =	sadd.s32 @!p1 $0x20, s0  }
0xc2: {  	[tilespmem:s9], [sflag:$0x7] =	stream.linear.gather @!p1 [hbm4b:s0+s1], $0x80, $0x38;
	[tilespmem:$0x1F600] =	vst v63  }
0xc3: {  	s0 =	simm.s32 @!p0 $0x6  }
0xc4: {  	_ =	swait.ge @!p0 [sflag:s0], $0x80  }
0xc5: {  	[sflag:s0] =	ssyncset.done @!p0 $0x0  }
0xc6: {  	[sflag:s0] =	ssyncadd.s32 @!p0 $0xFFFFFF80  }
0xc7: {  	s10 =	sadd.s32 $0xFFFFFFFE, s29;
	_ =	swait.ge [sflag:s22], $0x4000  }
0xc8: {  	p0 =	sge.u32 s10, s6;
	[sflag:s22] =	ssyncset.done $0x0  }
0xc9: {  	s0 =	simm.s32 @!p0 $0x4;
	[sflag:s22] =	ssyncadd.s32 $0xFFFFC000  }
0xca: {  	[spmem:s2] =	stream.indirect.scatter.add.f32 [tilespmem:s20], [sflag:$0x4], $0x80, s18, s19, $0xb8;
	[tilespmem:$0x1F600] =	vst v63  }
0xcb: {  	_ =	swait.ge @!p0 [sflag:s0], $0x4000  }
0xcc: {  	[sflag:s0] =	ssyncset.done @!p0 $0x0  }
0xcd: {  	[sflag:s0] =	ssyncadd.s32 @!p0 $0xFFFFC000;
	s0 =	sshra.s32 @!p0 s31, $0x2  }
0xce: {  	s1 =	simm.s32 @!p0 $0x80;
	s9 =	simm.s32 @!p0 $0x7600;
	s0 =	sadd.s32 @!p0 $0x180, s0  }
0xcf: {  	[tilespmem:s9], [sflag:$0x2] =	stream.indirect.gather @!p0 [hbm4b:s5+s1], $0x80, s0, s1, $0xb8;
	[tilespmem:$0x1F600] =	vst v63  }
0xd0: {  	s0 =	sadd.s32 @!p0 s28, s13  }
0xd1: {  	s1 =	sand.u32 @!p0 $0x200, s28;
	s0 =	sand.u32 @!p0 $0xFFFFFC00, s0  }
0xd2: {  	s0 =	sor.u32 @!p0 s0, s1  }
0xd3: {  	s0 =	sshrl.u32 @!p0 s0, $0x3  }
0xd4: {  	s0 =	sadd.s32 @!p0 s0, s4  }
0xd5: {  	s9 =	simm.s32 @!p0 $0x3580;
	s1 =	simm.s32 @!p0 $0x0;
	s0 =	sadd.s32 @!p0 $0x30, s0  }
0xd6: {  	[tilespmem:s9], [sflag:$0x8] =	stream.linear.gather @!p0 [hbm4b:s0+s1], $0x80, $0x38;
	[tilespmem:$0x1F600] =	vst v63  }
0xd7: {  	_ =	swait.ge [sflag:s23], $0x80  }
0xd8: {  	[sflag:s23] =	ssyncset.done $0x0  }
0xd9: {  	[sflag:s23] =	ssyncadd.s32 $0xFFFFFF80  }
0xda: {  	s9 =	sadd.s32 $0xFFFFFFFF, s29;
	_ =	swait.ge [sflag:s21], $0x4000  }
0xdb: {  	p0 =	sge.u32 s9, s6;
	[sflag:s21] =	ssyncset.done $0x0  }
0xdc: {  	s0 =	simm.s32 @!p0 $0x3;
	s1 =	rddreg [dreg:$0x5];
	[sflag:s21] =	ssyncadd.s32 $0xFFFFC000  }
0xdd: {  	[spmem:s2] =	stream.indirect.scatter.add.f32 [tilespmem:s15], [sflag:$0x3], $0x80, s1, s19, $0xb8;
	[tilespmem:$0x1F600] =	vst v63  }
0xde: {  	_ =	swait.ge @!p0 [sflag:s0], $0x4000  }
0xdf: {  	[sflag:s0] =	ssyncset.done @!p0 $0x0  }
0xe0: {  	s9 =	simm.s32 @!p0 $0x80;
	[sflag:s0] =	ssyncadd.s32 @!p0 $0xFFFFC000;
	s0 =	sshra.s32 @!p0 s31, $0x2  }
0xe1: {  	s10 =	simm.s32 @!p0 $0x3600;
	s1 =	rddreg [dreg:$0x4];
	s0 =	sadd.s32 @!p0 $0x200, s0  }
0xe2: {  	[tilespmem:s10], [sflag:$0x1] =	stream.indirect.gather @!p0 [hbm4b:s5+s9], $0x80, s0, s9, $0xb8;
	[tilespmem:$0x1F600] =	vst v63  }
0xe3: {  	s0 =	sadd.s32 @!p0 s30, s1  }
0xe4: {  	s1 =	simm.s32 @!p0 $0x0;
	s9 =	simm.s32 @!p0 $0x3400;
	s0 =	sadd.s32 @!p0 $0xFFFFFFB0, s0  }
0xe5: {  	[tilespmem:s9], [sflag:$0x5] =	stream.linear.gather @!p0 [hbm4b:s0+s1], $0x80, $0x38;
	[tilespmem:$0x1F600] =	vst v63  }
0xe6: {  	_ =	swait.ge [sflag:s24], $0x80  }
0xe7: {  	[sflag:s24] =	ssyncset.done $0x0  }
0xe8: {  	[sflag:s24] =	ssyncadd.s32 $0xFFFFFF80  }
0xe9: {  	_ =	swait.ge [sflag:s22], $0x4000  }
0xea: {  	p0 =	sge.u32 s29, s6;
	[sflag:s22] =	ssyncset.done $0x0  }
0xeb: {  	s0 =	simm.s32 @!p0 $0x4;
	s10 =	rddreg [dreg:$0x6];
	[sflag:s22] =	ssyncadd.s32 $0xFFFFC000  }
0xec: {  	[spmem:s2] =	stream.indirect.scatter.add.f32 [tilespmem:s20], [sflag:$0x4], $0x80, s10, s19, $0xb8;
	[tilespmem:$0x1F600] =	vst v63  }
0xed: {  	_ =	swait.ge @!p0 [sflag:s0], $0x4000  }
0xee: {  	[sflag:s0] =	ssyncset.done @!p0 $0x0  }
0xef: {  	[sflag:s0] =	ssyncadd.s32 @!p0 $0xFFFFC000;
	s0 =	sshra.s32 @!p0 s31, $0x2  }
0xf0: {  	s1 =	simm.s32 @!p0 $0x80;
	s9 =	simm.s32 @!p0 $0x7600;
	s0 =	sadd.s32 @!p0 $0x280, s0  }
0xf1: {  	[tilespmem:s9], [sflag:$0x2] =	stream.indirect.gather @!p0 [hbm4b:s5+s1], $0x80, s0, s1, $0xb8;
	[tilespmem:$0x1F600] =	vst v63  }
0xf2: {  	s10 =	rddreg [dreg:$0x3];
	s31 =	sadd.s32 $0x800, s31;
	s0 =	sand.u32 @!p0 $0x1FFFFFD0, s30  }
0xf3: {  	s1 =	simm.s32 @!p0 $0x0;
	s9 =	simm.s32 @!p0 $0x3480;
	s0 =	sadd.s32 @!p0 s4, s0  }
0xf4: {  	[tilespmem:s9], [sflag:$0x6] =	stream.linear.gather @!p0 [hbm4b:s0+s1], $0x80, $0x38;
	[tilespmem:$0x1F600] =	vst v63  }
0xf5: {  	p0 =	sne.s32 s10, s31  }
.Ltmp1:
0xf6: {  	_ = 	snop;
	(pc) =	sbr.rel @p0 .LBB2_4-.Ltmp1, $2  }
0xf7: {  	_ =	sdelay $0x2  }
0xf8: {  	s28 =	sadd.s32 $0x200, s28;
	s29 =	sadd.s32 $0x4, s29;
	s30 =	sadd.s32 $0x40, s30  }
0xf9: {  	_ =	swait.ge [sflag:s25], $0x4000  }
0xfa: {  	[sflag:s25] =	ssyncset.done $0x0  }
0xfb: {  	[sflag:s25] =	ssyncadd.s32 $0xFFFFC000  }
0xfc: {  	s0 =	stileid.u32;
	_ =	swait.ge [sflag:s26], $0x4000  }
0xfd: {  	s1 =	sshrl.u32 s8, $0x3;
	s3 =	sadd.s32 $0x1, s3;
	[sflag:s26] =	ssyncset.done $0x0  }
0xfe: {  	s0 =	sshll.u32 s0, $0x6;
	p0 =	sne.s32 s3, s12;
	[sflag:s26] =	ssyncadd.s32 $0xFFFFC000  }
.Ltmp2:
0xff: {  	s0 =	sor.u32 $0x1C09, s0;
	[bflag:$0x0] =	sbarrier.arrive $0xFFFF;
	(pc) =	sbr.rel @p0 .LBB2_1-.Ltmp2, $4  }
0x100: {  	[hbm:s11], [sflag:s0] =	dma.local [spmem:s1], $0x2800  }
0x101: {  	_ =	swait.ge [sflag:s16], $0x2800  }
0x102: {  	[sflag:s16] =	ssyncset.done $0x0  }
0x103: {  	[sflag:s16] =	ssyncadd.s32 $0xFFFFD800  }
0x104: {  	_ =	sfence.sel $0x180000  }
0x105: {  	[bflag:$0x0] =	sbarrier.arrive $0xFFFF  }
0x106: {  	_ =	strace $0x9000004A  }
0x107: {  	s0 =	stileid.u32;
	[bflag:$0x2] =	sbarrier.arrive $0xFFFF  }
0x108: {  	p0 =	sne.s32 s0, $0x0;
	s0 =	rddreg [dreg:$0x2]  }
0x109: {  	s0 =	sadd.s32 @!p0 $0x100000, s0  }
0x10a: {  	[sflag:s0] =	ssyncadd.tile.s32 @!p0 $0x1;
	_ =	shalt  }
.Lfunc_end2:
_tile_overlayer_lowered:
.L_overlay_start_2:
0x10b: {  	(tag) =	ssettag $0x2  }
0x10c: {  	s0 =	rddreg [dreg:$0x0];
	s2 =	stileid.u32  }
0x10d: {  	s1 =	rddreg [dreg:$0x1];
	p0 =	sne.s32 s2, $0x0  }
0x10e: {  	s3 =	rddreg [dreg:$0x2];
	[bflag:$0x3] =	sbarrier.arrive $0xFFFF;
	s2 =	simm.s32 @!p0 $0x1C09  }
0x10f: {  	[timem:s3], [sflag:s2] =	dma.local @!p0 [hbm:s0], s1  }
0x110: {  	s0 =	simm.s32 @!p0 $0x9  }
0x111: {  	_ =	swait.ge @!p0 [sflag:s0], s1  }
0x112: {  	s1 =	ssub.s32 @!p0 $0x0, s1;
	[sflag:s0] =	ssyncset.done @!p0 $0x0  }
0x113: {  	[sflag:s0] =	ssyncadd.s32 @!p0 s1  }
0x114: {  	[bflag:$0x3] =	sbarrier.arrive $0xFFFF  }
0x115: {  	_ =	shalt  }

// kernel: kernel.14.cloned.1.call-start
scs
__scs_entry_jumppad:
0x0: {  	(pc) =	sbr.rel $0x88, $3  }
0x1: {  	(tag) =	ssettag $0x0;
	lr =	simm.s32 $0x1  }
0x2: {  	[smem:$0x3F9A] =	sst lr;
	_ =	strace $0xD0000000  }
0x3: {  	_ = 	snop  }
0x4: {  	_ = 	snop  }
0x5: {  	_ = 	snop  }
0x6: {  	_ = 	snop  }
0x7: {  	_ = 	snop  }
__scs_overlays_trampoline_lowered:
0x8: {  	[smem:$0x3FA9] =	sst s0  }
0x9: {  	[smem:$0x3FAA] =	sst s1  }
0xa: {  	[smem:$0x3FAB] =	sst s2  }
0xb: {  	[smem:$0x3FAC] =	sst s3  }
0xc: {  	[smem:$0x3FAD] =	sst s4  }
0xd: {  	[smem:$0x3FAE] =	sst s5  }
0xe: {  	[smem:$0x3FAF] =	sst s6  }
0xf: {  	[smem:$0x3FB0] =	sst s7  }
0x10: {  	[smem:$0x3FB1] =	sst s8  }
0x11: {  	[smem:$0x3FB2] =	sst s9;
	s0 =	simm.s32 @!p0 $0x0  }
0x12: {  	s1 =	sld [smem:$0x3F98];
	s0 =	simm.s32 @p0 $0x1  }
0x13: {  	[smem:$0x3FB3] =	sst s0;
	s0 =	simm.s32 @!p1 $0x0  }
0x14: {  	s2 =	sld [smem:$0x3F97];
	s0 =	simm.s32 @p1 $0x1  }
0x15: {  	[smem:$0x3FB4] =	sst s0;
	s0 =	simm.s32 @!p2 $0x0  }
0x16: {  	s3 =	sld [smem:$0x3FDB];
	s0 =	simm.s32 @p2 $0x1  }
0x17: {  	s4 =	simm.s32 $0x1BF5;
	[smem:$0x3FB6] =	sst s0  }
0x18: {  	s0 =	sld [smem:$0x3F99];
	_ =	swait.ge [sflag:s4], $0x0  }
0x19: {  	s7 =	sld [smem:$0x3F9A]  }
0x1a: {  	s8 =	sadd.s32 $0xFFFFE003, lr  }
0x1b: {  	s9 =	sadd.s32 $0xFFFFFEF7, lr;
	s5 =	simm.s32 $0xFFFFFFFF;
	p2 =	slt.u32 s8, $0xFFFFF086  }
0x1c: {  	p1 =	slt.u32 s9, $0xF7A;
	s5 =	simm.s32 @!p2 $0x0  }
0x1d: {  	s5 =	simm.s32 @p1 $0x1;
	p0 =	seq.s32 s7, s2  }
0x1e: {  	s7 =	smul.u32 @!p0 $0xF7A, s2;
	p2 =	seq.s32 @!p0 s5, $0x0  }
0x1f: {  	s9 =	smul.u32 $0xF7A, s1;
	s8 =	simm.s32 @!p0 $0x1BF5;
	p2 =	por !p2, p0  }
0x20: {  	[sflag:s8] =	ssyncset.s32 @!p0 $0xFFFFF086;
	s6 =	sadd.s32 @!p0 s3, s7;
	s7 =	simm.s32 @!p0 $0x108  }
0x21: {  	s3 =	sadd.s32 s3, s9;
	s6 =	sadd.s32 @!p0 $0x88, s6;
	s7 =	simm.s32 @p2 $0x1082  }
0x22: {  	[simem:s7], [sflag:s8] =	dma.local @!p0 [hbm:s6], $0xF7A  }
0x23: {  	s9 =	sor.u32 $0xD0000000, s2;
	s6 =	simm.s32 $0x108;
	_ =	swait.ge @!p0 [sflag:s8], $0x0  }
0x24: {  	s3 =	sadd.s32 $0x88, s3;
	s6 =	simm.s32 @!p1 $0x1082;
	[sflag:s4] =	ssyncset.s32 $0xFFFFF086  }
0x25: {  	[simem:s6], [sflag:s4] =	dma.local [hbm:s3], $0xF7A  }
0x26: {  	[smem:$0x3F9A] =	sst s1;
	(tag) =	ssettag s2;
	_ =	strace s9  }
0x27: {  	s1 =	sld [smem:$0x3FAA]  }
0x28: {  	s2 =	sld [smem:$0x3FAB]  }
0x29: {  	s4 =	sld [smem:$0x3FAD]  }
0x2a: {  	p0 =	seq.s32 s5, $0x0;
	s5 =	sld [smem:$0x3FAE]  }
0x2b: {  	s6 =	sld [smem:$0x3FAF]  }
0x2c: {  	s7 =	sld [smem:$0x3FB0]  }
0x2d: {  	s3 =	simm.s32 $0x108;
	s8 =	sld [smem:$0x3FB1]  }
0x2e: {  	s3 =	simm.s32 @!p0 $0x1082;
	s9 =	sld [smem:$0x3FB2]  }
0x2f: {  	lr =	sadd.s32 s0, s3;
	s0 =	sld [smem:$0x3FA9]  }
0x30: {  	s3 =	sld [smem:$0x3FAC]  }
0x31: {  	[smem:$0x3FB5] =	sst s10  }
0x32: {  	s10 =	sld [smem:$0x3FB3];
	_ =	sdelay $0x3  }
0x33: {  	p0 =	seq.s32 s10, $0x1;
	s10 =	sld [smem:$0x3FB5];
	_ =	sdelay $0x3  }
0x34: {  	[smem:$0x3FB5] =	sst s10  }
0x35: {  	s10 =	sld [smem:$0x3FB4];
	_ =	sdelay $0x3  }
0x36: {  	p1 =	seq.s32 s10, $0x1;
	s10 =	sld [smem:$0x3FB5];
	_ =	sdelay $0x3  }
0x37: {  	[smem:$0x3FB5] =	sst s10  }
0x38: {  	s10 =	sld [smem:$0x3FB6]  }
0x39: {  	_ = 	snop;
	(pc) =	sbr.ind lr, $3  }
0x3a: {  	_ = 	snop  }
0x3b: {  	_ = 	snop  }
0x3c: {  	p2 =	seq.s32 s10, $0x1;
	s10 =	sld [smem:$0x3FB5]  }
0x3d: {  	_ =	shalt  }
0x3e: {  	_ =	shalt  }
0x3f: {  	_ =	shalt  }
0x40: {  	_ =	shalt  }
0x41: {  	_ =	shalt  }
0x42: {  	_ =	shalt  }
0x43: {  	_ =	shalt  }
0x44: {  	_ =	shalt  }
0x45: {  	_ =	shalt  }
0x46: {  	_ =	shalt  }
0x47: {  	_ =	shalt  }
0x48: {  	_ =	shalt  }
0x49: {  	_ =	shalt  }
0x4a: {  	_ =	shalt  }
0x4b: {  	_ =	shalt  }
0x4c: {  	_ =	shalt  }
0x4d: {  	_ =	shalt  }
0x4e: {  	_ =	shalt  }
0x4f: {  	_ =	shalt  }
0x50: {  	_ =	shalt  }
0x51: {  	_ =	shalt  }
0x52: {  	_ =	shalt  }
0x53: {  	_ =	shalt  }
0x54: {  	_ =	shalt  }
0x55: {  	_ =	shalt  }
0x56: {  	_ =	shalt  }
0x57: {  	_ =	shalt  }
0x58: {  	_ =	shalt  }
0x59: {  	_ =	shalt  }
0x5a: {  	_ =	shalt  }
0x5b: {  	_ =	shalt  }
0x5c: {  	_ =	shalt  }
0x5d: {  	_ =	shalt  }
0x5e: {  	_ =	shalt  }
0x5f: {  	_ =	shalt  }
0x60: {  	_ =	shalt  }
0x61: {  	_ =	shalt  }
0x62: {  	_ =	shalt  }
0x63: {  	_ =	shalt  }
0x64: {  	_ =	shalt  }
0x65: {  	_ =	shalt  }
0x66: {  	_ =	shalt  }
0x67: {  	_ =	shalt  }
0x68: {  	_ =	shalt  }
0x69: {  	_ =	shalt  }
0x6a: {  	_ =	shalt  }
0x6b: {  	_ =	shalt  }
0x6c: {  	_ =	shalt  }
0x6d: {  	_ =	shalt  }
0x6e: {  	_ =	shalt  }
0x6f: {  	_ =	shalt  }
0x70: {  	_ =	shalt  }
0x71: {  	_ =	shalt  }
0x72: {  	_ =	shalt  }
0x73: {  	_ =	shalt  }
0x74: {  	_ =	shalt  }
0x75: {  	_ =	shalt  }
0x76: {  	_ =	shalt  }
0x77: {  	_ =	shalt  }
0x78: {  	_ =	shalt  }
0x79: {  	_ =	shalt  }
0x7a: {  	_ =	shalt  }
0x7b: {  	_ =	shalt  }
0x7c: {  	_ =	shalt  }
0x7d: {  	_ =	shalt  }
0x7e: {  	_ =	shalt  }
0x7f: {  	_ =	shalt  }
0x80: {  	_ =	shalt  }
0x81: {  	_ =	shalt  }
0x82: {  	_ =	shalt  }
0x83: {  	_ =	shalt  }
0x84: {  	_ =	shalt  }
0x85: {  	_ =	shalt  }
0x86: {  	_ =	shalt  }
0x87: {  	_ =	shalt  }
.Lfunc_end0:
.L_simem_size_0:
called_computation.2_lowered:
.L_overlay_start_0:
0x88: {  	s2 =	sld [smem:$0x3FD9]  }
0x89: {  	s3 =	sld [smem:$0x3FFE];
	_ =	sdelay $0x1  }
0x8a: {  	s1 =	srdreg.scid  }
0x8b: {  	s0 =	sand.u32 $0x1, s1  }
0x8c: {  	s16 =	sshll.u32 s0, $0xA;
	s2 =	sadd.s32 s3, s2  }
0x8d: {  	s2 =	sadd.s32 s2, s16  }
0x8e: {  	[smem:$0x3FC1] =	sst s2  }
0x8f: {  	_ = 	snop  }
0x90: {  	(tm) =	ssettm $0x1  }
0x91: {  	s17 =	sld [smem:$0x3FFB];
	_ =	sdelay $0x3  }
0x92: {  	_ =	strace s17  }
0x93: {  	s2 =	sld [smem:$0x3FFC];
	_ =	sdelay $0x3  }
0x94: {  	_ =	strace s2  }
0x95: {  	s2 =	sld [smem:$0x3FFD];
	_ =	sdelay $0x3  }
0x96: {  	_ =	strace s2  }
0x97: {  	_ =	strace $0x8FFFFFFF  }
0x98: {  	s18 =	sld [smem:$0x3FDB];
	_ =	sdelay $0x1  }
0x99: {  	s19 =	simm.s32 $_scs_section_size  }
0x9a: {  	s4 =	simm.s32 $_size__tile_overlayer_lowered;
	s5 =	simm.s32 $_tile_overlayer_lowered  }
0x9b: {  	s22 =	simm.s32 $0x1BFF;
	s21 =	sshll.u32 s5, $0x1;
	s2 =	sadd.s32 s19, s18  }
0x9c: {  	s6 =	simm.s32 $0x0;
	s20 =	sshll.u32 s4, $0x1;
	s4 =	sadd.s32 s21, s2  }
0x9d: {  	[timem:s6], [sflag:s22] =	dma.local [hbm:s4], s20  }
0x9e: {  	_ =	swait.ge [sflag:s22], s20  }
0x9f: {  	s3 =	ssub.s32 $0x0, s20;
	[sflag:s22] =	ssyncset.done $0x0  }
0xa0: {  	[sflag:s22] =	ssyncadd.s32 s3;
	_ =	sdelay $0x1  }
0xa1: {  	s23 =	simm.s32 $0x1B8B  }
0xa2: {  	_ =	swait.ge [sflag:s23], $0x1  }
0xa3: {  	[sflag:s23] =	ssyncset.done $0x0  }
0xa4: {  	s25 =	simm.s32 $0x1B8E;
	s24 =	sld [smem:$0x3FFE];
	[sflag:s23] =	ssyncadd.s32 $0xFFFFFFFF  }
0xa5: {  	s26 =	simm.s32 $execute0_lowered;
	[smem:$0x3FD2] =	sst s25  }
0xa6: {  	s4 =	sshll.u32 s26, $0x1;
	_ =	strace $0x8000004C;
	[dreg:$0x1] =	wrdreg $0xFFFFFFFF  }
0xa7: {  	s28 =	simm.s32 $_size_execute0_lowered;
	s2 =	sadd.s32 s2, s4;
	[dreg:$0x0] =	wrdreg $0x0  }
0xa8: {  	s4 =	sshll.u32 s28, $0x1;
	[dreg:$0x2] =	wrdreg s2  }
0xa9: {  	[dreg:$0x3] =	wrdreg s4  }
0xaa: {  	[dreg:$0x4] =	wrdreg $0xC0  }
0xab: {  	_ =	task [dreg:s6], $0x5FFFF  }
0xac: {  	[dreg:$0x1] =	wrdreg $0xFFFFFFFF  }
0xad: {  	[dreg:$0x0] =	wrdreg $0x60  }
0xae: {  	[dreg:$0x2] =	wrdreg s24  }
0xaf: {  	[dreg:$0x3] =	wrdreg $0x7A800  }
0xb0: {  	[dreg:$0x4] =	wrdreg $0x9  }
0xb1: {  	_ =	task.clear_ibuf [dreg:s6], $0x5FFFF;
	_ =	strace $0x9000004C  }
0xb2: {  	s29 =	simm.s32 $0x9;
	_ =	strace $0x8000004E  }
0xb3: {  	_ =	swait.ge [sflag:s29], $0x1  }
0xb4: {  	[sflag:s29] =	ssyncadd.s32 $0xFFFFFFFF  }
0xb5: {  	_ =	strace $0x9000004E  }
0xb6: {  	_ =	sfence  }
0xb7: {  	s30 =	sld [smem:$0x0];
	_ =	sdelay $0x2  }
0xb8: {  	s31 =	sshll.u32 s1, $0xD;
	s1 =	sshrl.u32 s1, $0x2  }
0xb9: {  	s3 =	sand.u32 $0x4000, s31;
	s1 =	sadd.s32 s1, s30  }
0xba: {  	s0 =	sor.u32 s3, s0;
	s1 =	sshll.u32 s1, $0x11  }
0xbb: {  	s0 =	sor.u32 s1, s0  }
0xbc: {  	s0 =	sadd.s32 $0x8F2B, s0  }
0xbd: {  	[sflag:s0] =	ssyncadd.remote.s32 $0x1  }
0xbe: {  	_ =	sfence.sel $0xFFFF  }
0xbf: {  	[dreg:$0x0] =	wrdreg $0xFFFFFFFF;
	(pc) =	sbr.abs _section_cstart, $3  }
0xc0: {  	[dreg:$0x1] =	wrdreg $0xFFFFFFFF  }
0xc1: {  	_ =	task.clear_ibuf [dreg:s6], $0x2FFFF;
	_ =	strace $0x9FFFFFFF  }
0xc2: {  	(tm) =	ssettm $0x7FFFFFFF  }
0xc3: {  	_ =	shalt  }
tec
execute0_lowered:
.L_overlay_start_1:
0x0: {  	(tag) =	ssettag $0x1  }
0x1: {  	s0 =	srdreg.scid;
	s6 =	rddreg [dreg:$0x0]  }
0x2: {  	s2 =	rddreg [dreg:$0x1];
	s3 =	simm.s32 $0x0;
	s12 =	simm.s32 $0x2800  }
0x3: {  	s13 =	simm.s32 $0x80;
	s14 =	simm.s32 $0x1;
	s15 =	simm.s32 $0x2  }
0x4: {  	s18 =	simm.s32 $0x20;
	s19 =	simm.s32 $0x10;
	s20 =	simm.s32 $0x0  }
0x5: {  	s5 =	sand.u32 $0x1, s0;
	s0 =	stileid.u32;
	[smem:$0x7FF] =	sst s3  }
0x6: {  	s1 =	sshll.u32 s5, $0x4;
	s7 =	smul.u32 $0x500, s0;
	s8 =	sshll.u32 s5, $0x7  }
0x7: {  	s29 =	smul.u32 $0xA00, s0;
	s5 =	ssub.s32 $0x2, s5;
	s16 =	sshll.u32 s0, $0x6  }
0x8: {  	s4 =	sor.u32 s0, s1;
	s1 =	rddreg [dreg:$0x2];
	_ =	strace $0x8000004D  }
0x9: {  	s30 =	sshrl.u32 s5, $0x1;
	s16 =	sor.u32 $0x1C03, s16;
	s4 =	smul.u32 $0x500, s4  }
0xa: {  	s7 =	sor.u32 s8, s7;
	s31 =	sshrl.u32 s29, $0x2;
	s11 =	ssub.s32 s5, s30  }
0xb: {  	s7 =	sshrl.u32 s7, $0x3;
	s5 =	sadd.s32 s31, s2;
	s9 =	sadd.s32 s4, s6  }
0xc: {  	s4 =	sadd.s32 $0x16A00, s6;
	s10 =	sadd.s32 s7, s6;
	s17 =	sshrl.u32 s5, $0x3  }
0xd: {  	s6 =	sadd.s32 $0xCA00, s9;
	s7 =	sadd.s32 $0x2A00, s9;
	s8 =	sadd.s32 $0x17000, s10  }
0xe: {  	v0 =	vimm.f32 $0.0e+00;
	s9 =	smax.u32 s11, $0x1;
	s10 =	simm.s32 $0x7800;
	s11 =	simm.s32 $0x3  }
.LBB2_1:
0xf: {  	[tilespmem:$0x7800] =	vst v0  }
0x10: {  	[tilespmem:$0x7810] =	vst v0  }
0x11: {  	[tilespmem:$0x7820] =	vst v0  }
0x12: {  	[tilespmem:$0x7830] =	vst v0  }
0x13: {  	[tilespmem:$0x7840] =	vst v0  }
0x14: {  	[tilespmem:$0x7850] =	vst v0  }
0x15: {  	[tilespmem:$0x7860] =	vst v0  }
0x16: {  	[tilespmem:$0x7870] =	vst v0  }
0x17: {  	[tilespmem:$0x7880] =	vst v0  }
0x18: {  	[tilespmem:$0x7890] =	vst v0  }
0x19: {  	[tilespmem:$0x78A0] =	vst v0  }
0x1a: {  	[tilespmem:$0x78B0] =	vst v0  }
0x1b: {  	[tilespmem:$0x78C0] =	vst v0  }
0x1c: {  	[tilespmem:$0x78D0] =	vst v0  }
0x1d: {  	[tilespmem:$0x78E0] =	vst v0  }
0x1e: {  	[tilespmem:$0x78F0] =	vst v0  }
0x1f: {  	[tilespmem:$0x7900] =	vst v0  }
0x20: {  	[tilespmem:$0x7910] =	vst v0  }
0x21: {  	[tilespmem:$0x7920] =	vst v0  }
0x22: {  	[tilespmem:$0x7930] =	vst v0  }
0x23: {  	[tilespmem:$0x7940] =	vst v0  }
0x24: {  	[tilespmem:$0x7950] =	vst v0  }
0x25: {  	[tilespmem:$0x7960] =	vst v0  }
0x26: {  	[tilespmem:$0x7970] =	vst v0  }
0x27: {  	[tilespmem:$0x7980] =	vst v0  }
0x28: {  	[tilespmem:$0x7990] =	vst v0  }
0x29: {  	[tilespmem:$0x79A0] =	vst v0  }
0x2a: {  	[tilespmem:$0x79B0] =	vst v0  }
0x2b: {  	[tilespmem:$0x79C0] =	vst v0  }
0x2c: {  	[tilespmem:$0x79D0] =	vst v0  }
0x2d: {  	[tilespmem:$0x79E0] =	vst v0  }
0x2e: {  	[tilespmem:$0x79F0] =	vst v0  }
0x2f: {  	[tilespmem:$0x7A00] =	vst v0  }
0x30: {  	[tilespmem:$0x7A10] =	vst v0  }
0x31: {  	[tilespmem:$0x7A20] =	vst v0  }
0x32: {  	[tilespmem:$0x7A30] =	vst v0  }
0x33: {  	[tilespmem:$0x7A40] =	vst v0  }
0x34: {  	[tilespmem:$0x7A50] =	vst v0  }
0x35: {  	[tilespmem:$0x7A60] =	vst v0  }
0x36: {  	[tilespmem:$0x7A70] =	vst v0  }
0x37: {  	[spmem:s5] =	stream.linear.scatter [tilespmem:s10], [sflag:$0x3], $0x280, $0x38;
	[tilespmem:$0x7D00] =	vst v63  }
0x38: {  	_ =	swait.ge [sflag:s11], $0x280  }
0x39: {  	[sflag:s11] =	ssyncset.done $0x0  }
0x3a: {  	[sflag:s11] =	ssyncadd.s32 $0xFFFFFD80  }
0x3b: {  	[tilespmem:s3], [sflag:$0x3] =	stream.linear.gather [hbm4b:s6+s3], $0x2800, $0x38;
	[tilespmem:$0x7D00] =	vst v63  }
0x3c: {  	_ =	swait.ge [sflag:s11], $0x2800  }
0x3d: {  	[sflag:s11] =	ssyncset.done $0x0  }
0x3e: {  	[sflag:s11] =	ssyncadd.s32 $0xFFFFD800  }
0x3f: {  	[tilespmem:s12], [sflag:$0x3] =	stream.linear.gather [hbm4b:s7+s3], $0x2800, $0x38;
	[tilespmem:$0x7D00] =	vst v63  }
0x40: {  	_ =	swait.ge [sflag:s11], $0x2800  }
0x41: {  	[sflag:s11] =	ssyncset.done $0x0  }
0x42: {  	[sflag:s11] =	ssyncadd.s32 $0xFFFFD800  }
0x43: {  	s21 =	simm.s32 $0x0;
	[bflag:$0x0] =	sbarrier.arrive $0xFFFF  }
.LBB2_2:
0x44: {  	p0 =	sne.s32 s21, $0x9E00  }
.Ltmp0:
0x45: {  	_ = 	snop;
	(pc) =	sbr.rel @p0 .LBB2_2-.Ltmp0, $4  }
0x46: {  	_ = 	snop  }
0x47: {  	s22 =	sshra.s32 s21, $0x2  }
0x48: {  	s21 =	sadd.s32 $0x200, s21;
	s23 =	sadd.s32 $0x5000, s22  }
0x49: {  	[tilespmem:s23], [sflag:$0x1] =	stream.indirect.gather [hbm4b:s4+s13], $0x1, s22, s13, $0xb8;
	[tilespmem:$0x7D00] =	vst v63  }
0x4a: {  	s21 =	simm.s32 $0x50  }
.LBB2_4:
0x4b: {  	p0 =	sne.s32 s21, $0x1  }
.Ltmp1:
0x4c: {  	_ = 	snop;
	(pc) =	sbr.rel @p0 .LBB2_4-.Ltmp1, $4  }
0x4d: {  	_ = 	snop  }
0x4e: {  	_ =	swait.ge [sflag:s14], $0x80  }
0x4f: {  	[sflag:s14] =	ssyncset.done $0x0  }
0x50: {  	s21 =	sadd.s32 $0xFFFFFFFF, s21;
	[sflag:s14] =	ssyncadd.s32 $0xFFFFFF80  }
0x51: {  	s21 =	simm.s32 $0x0  }
.LBB2_6:
0x52: {  	p0 =	sne.s32 s21, $0x9E00  }
.Ltmp2:
0x53: {  	_ = 	snop;
	(pc) =	sbr.rel @p0 .LBB2_6-.Ltmp2, $4  }
0x54: {  	_ = 	snop  }
0x55: {  	s22 =	sshra.s32 s21, $0x2  }
0x56: {  	s21 =	sadd.s32 $0x200, s21;
	s23 =	sadd.s32 $0x5000, s22;
	s22 =	sadd.s32 $0x2800, s22  }
0x57: {  	[spmem:s2] =	stream.indirect.scatter.add.f32 [tilespmem:s23], [sflag:$0x2], $0x1, s22, s13, $0xb8;
	[tilespmem:$0x7D00] =	vst v63  }
0x58: {  	_ =	swait.ge [sflag:s15], $0x80  }
0x59: {  	s21 =	simm.s32 $0x4F;
	[sflag:s15] =	ssyncset.done $0x0  }
.LBB2_8:
0x5a: {  	p0 =	sne.s32 s21, $0x1;
	s21 =	sadd.s32 $0xFFFFFFFF, s21;
	[sflag:s15] =	ssyncadd.s32 $0xFFFFFF80  }
.Ltmp3:
0x5b: {  	(pc) =	sbr.rel @p0 .LBB2_8-.Ltmp3, $3  }
0x5c: {  	_ =	sdelay $0x1  }
0x5d: {  	_ =	swait.ge [sflag:s15], $0x80  }
0x5e: {  	[sflag:s15] =	ssyncset.done $0x0  }
0x5f: {  	s20 =	sadd.s32 $0x1, s20  }
0x60: {  	[sflag:s15] =	ssyncadd.s32 $0xFFFFFF80;
	p0 =	sne.s32 s20, s9  }
.Ltmp4:
0x61: {  	[bflag:$0x0] =	sbarrier.arrive $0xFFFF;
	(pc) =	sbr.rel @p0 .LBB2_1-.Ltmp4, $4  }
0x62: {  	[hbm:s8@s18], [sflag:s16] =	dma.strided [spmem:s17@s19], $0x50, s14, $0x10   }
0x63: {  	_ =	swait.ge [sflag:s11], $0x50  }
0x64: {  	[sflag:s11] =	ssyncset.done $0x0  }
0x65: {  	[sflag:s11] =	ssyncadd.s32 $0xFFFFFFB0  }
0x66: {  	_ =	sfence.sel $0x180000  }
0x67: {  	[bflag:$0x0] =	sbarrier.arrive $0xFFFF  }
0x68: {  	p0 =	sne.s32 s0, $0x0;
	_ =	strace $0x9000004D  }
0x69: {  	s0 =	sadd.s32 @!p0 $0x100000, s1;
	[bflag:$0x2] =	sbarrier.arrive $0xFFFF  }
0x6a: {  	[sflag:s0] =	ssyncadd.tile.s32 @!p0 $0x1;
	_ =	shalt  }
.Lfunc_end2:
_tile_overlayer_lowered:
.L_overlay_start_2:
0x6b: {  	(tag) =	ssettag $0x2  }
0x6c: {  	s0 =	rddreg [dreg:$0x0];
	s2 =	stileid.u32  }
0x6d: {  	s1 =	rddreg [dreg:$0x1];
	p0 =	sne.s32 s2, $0x0  }
0x6e: {  	s3 =	rddreg [dreg:$0x2];
	[bflag:$0x3] =	sbarrier.arrive $0xFFFF;
	s2 =	simm.s32 @!p0 $0x1C03  }
0x6f: {  	[timem:s3], [sflag:s2] =	dma.local @!p0 [hbm:s0], s1  }
0x70: {  	s0 =	simm.s32 @!p0 $0x3  }
0x71: {  	_ =	swait.ge @!p0 [sflag:s0], s1  }
0x72: {  	s1 =	ssub.s32 @!p0 $0x0, s1;
	[sflag:s0] =	ssyncset.done @!p0 $0x0  }
0x73: {  	[sflag:s0] =	ssyncadd.s32 @!p0 s1  }
0x74: {  	[bflag:$0x3] =	sbarrier.arrive $0xFFFF  }
0x75: {  	_ =	shalt  }

// kernel: kernel.8.cloned.1.call-start
scs
__scs_entry_jumppad:
0x0: {  	(pc) =	sbr.rel $0x88, $3  }
0x1: {  	(tag) =	ssettag $0x0;
	lr =	simm.s32 $0x1  }
0x2: {  	[smem:$0x3F9A] =	sst lr;
	_ =	strace $0xD0000000  }
0x3: {  	_ = 	snop  }
0x4: {  	_ = 	snop  }
0x5: {  	_ = 	snop  }
0x6: {  	_ = 	snop  }
0x7: {  	_ = 	snop  }
__scs_overlays_trampoline_lowered:
0x8: {  	[smem:$0x3FA9] =	sst s0  }
0x9: {  	[smem:$0x3FAA] =	sst s1  }
0xa: {  	[smem:$0x3FAB] =	sst s2  }
0xb: {  	[smem:$0x3FAC] =	sst s3  }
0xc: {  	[smem:$0x3FAD] =	sst s4  }
0xd: {  	[smem:$0x3FAE] =	sst s5  }
0xe: {  	[smem:$0x3FAF] =	sst s6  }
0xf: {  	[smem:$0x3FB0] =	sst s7  }
0x10: {  	[smem:$0x3FB1] =	sst s8  }
0x11: {  	[smem:$0x3FB2] =	sst s9;
	s0 =	simm.s32 @!p0 $0x0  }
0x12: {  	s1 =	sld [smem:$0x3F98];
	s0 =	simm.s32 @p0 $0x1  }
0x13: {  	[smem:$0x3FB3] =	sst s0;
	s0 =	simm.s32 @!p1 $0x0  }
0x14: {  	s2 =	sld [smem:$0x3F97];
	s0 =	simm.s32 @p1 $0x1  }
0x15: {  	[smem:$0x3FB4] =	sst s0;
	s0 =	simm.s32 @!p2 $0x0  }
0x16: {  	s3 =	sld [smem:$0x3FDB];
	s0 =	simm.s32 @p2 $0x1  }
0x17: {  	s4 =	simm.s32 $0x1BF5;
	[smem:$0x3FB6] =	sst s0  }
0x18: {  	s0 =	sld [smem:$0x3F99];
	_ =	swait.ge [sflag:s4], $0x0  }
0x19: {  	s7 =	sld [smem:$0x3F9A]  }
0x1a: {  	s8 =	sadd.s32 $0xFFFFE003, lr  }
0x1b: {  	s9 =	sadd.s32 $0xFFFFFEF7, lr;
	s5 =	simm.s32 $0xFFFFFFFF;
	p2 =	slt.u32 s8, $0xFFFFF086  }
0x1c: {  	p1 =	slt.u32 s9, $0xF7A;
	s5 =	simm.s32 @!p2 $0x0  }
0x1d: {  	s5 =	simm.s32 @p1 $0x1;
	p0 =	seq.s32 s7, s2  }
0x1e: {  	s7 =	smul.u32 @!p0 $0xF7A, s2;
	p2 =	seq.s32 @!p0 s5, $0x0  }
0x1f: {  	s9 =	smul.u32 $0xF7A, s1;
	s8 =	simm.s32 @!p0 $0x1BF5;
	p2 =	por !p2, p0  }
0x20: {  	[sflag:s8] =	ssyncset.s32 @!p0 $0xFFFFF086;
	s6 =	sadd.s32 @!p0 s3, s7;
	s7 =	simm.s32 @!p0 $0x108  }
0x21: {  	s3 =	sadd.s32 s3, s9;
	s6 =	sadd.s32 @!p0 $0x88, s6;
	s7 =	simm.s32 @p2 $0x1082  }
0x22: {  	[simem:s7], [sflag:s8] =	dma.local @!p0 [hbm:s6], $0xF7A  }
0x23: {  	s9 =	sor.u32 $0xD0000000, s2;
	s6 =	simm.s32 $0x108;
	_ =	swait.ge @!p0 [sflag:s8], $0x0  }
0x24: {  	s3 =	sadd.s32 $0x88, s3;
	s6 =	simm.s32 @!p1 $0x1082;
	[sflag:s4] =	ssyncset.s32 $0xFFFFF086  }
0x25: {  	[simem:s6], [sflag:s4] =	dma.local [hbm:s3], $0xF7A  }
0x26: {  	[smem:$0x3F9A] =	sst s1;
	(tag) =	ssettag s2;
	_ =	strace s9  }
0x27: {  	s1 =	sld [smem:$0x3FAA]  }
0x28: {  	s2 =	sld [smem:$0x3FAB]  }
0x29: {  	s4 =	sld [smem:$0x3FAD]  }
0x2a: {  	p0 =	seq.s32 s5, $0x0;
	s5 =	sld [smem:$0x3FAE]  }
0x2b: {  	s6 =	sld [smem:$0x3FAF]  }
0x2c: {  	s7 =	sld [smem:$0x3FB0]  }
0x2d: {  	s3 =	simm.s32 $0x108;
	s8 =	sld [smem:$0x3FB1]  }
0x2e: {  	s3 =	simm.s32 @!p0 $0x1082;
	s9 =	sld [smem:$0x3FB2]  }
0x2f: {  	lr =	sadd.s32 s0, s3;
	s0 =	sld [smem:$0x3FA9]  }
0x30: {  	s3 =	sld [smem:$0x3FAC]  }
0x31: {  	[smem:$0x3FB5] =	sst s10  }
0x32: {  	s10 =	sld [smem:$0x3FB3];
	_ =	sdelay $0x3  }
0x33: {  	p0 =	seq.s32 s10, $0x1;
	s10 =	sld [smem:$0x3FB5];
	_ =	sdelay $0x3  }
0x34: {  	[smem:$0x3FB5] =	sst s10  }
0x35: {  	s10 =	sld [smem:$0x3FB4];
	_ =	sdelay $0x3  }
0x36: {  	p1 =	seq.s32 s10, $0x1;
	s10 =	sld [smem:$0x3FB5];
	_ =	sdelay $0x3  }
0x37: {  	[smem:$0x3FB5] =	sst s10  }
0x38: {  	s10 =	sld [smem:$0x3FB6]  }
0x39: {  	_ = 	snop;
	(pc) =	sbr.ind lr, $3  }
0x3a: {  	_ = 	snop  }
0x3b: {  	_ = 	snop  }
0x3c: {  	p2 =	seq.s32 s10, $0x1;
	s10 =	sld [smem:$0x3FB5]  }
0x3d: {  	_ =	shalt  }
0x3e: {  	_ =	shalt  }
0x3f: {  	_ =	shalt  }
0x40: {  	_ =	shalt  }
0x41: {  	_ =	shalt  }
0x42: {  	_ =	shalt  }
0x43: {  	_ =	shalt  }
0x44: {  	_ =	shalt  }
0x45: {  	_ =	shalt  }
0x46: {  	_ =	shalt  }
0x47: {  	_ =	shalt  }
0x48: {  	_ =	shalt  }
0x49: {  	_ =	shalt  }
0x4a: {  	_ =	shalt  }
0x4b: {  	_ =	shalt  }
0x4c: {  	_ =	shalt  }
0x4d: {  	_ =	shalt  }
0x4e: {  	_ =	shalt  }
0x4f: {  	_ =	shalt  }
0x50: {  	_ =	shalt  }
0x51: {  	_ =	shalt  }
0x52: {  	_ =	shalt  }
0x53: {  	_ =	shalt  }
0x54: {  	_ =	shalt  }
0x55: {  	_ =	shalt  }
0x56: {  	_ =	shalt  }
0x57: {  	_ =	shalt  }
0x58: {  	_ =	shalt  }
0x59: {  	_ =	shalt  }
0x5a: {  	_ =	shalt  }
0x5b: {  	_ =	shalt  }
0x5c: {  	_ =	shalt  }
0x5d: {  	_ =	shalt  }
0x5e: {  	_ =	shalt  }
0x5f: {  	_ =	shalt  }
0x60: {  	_ =	shalt  }
0x61: {  	_ =	shalt  }
0x62: {  	_ =	shalt  }
0x63: {  	_ =	shalt  }
0x64: {  	_ =	shalt  }
0x65: {  	_ =	shalt  }
0x66: {  	_ =	shalt  }
0x67: {  	_ =	shalt  }
0x68: {  	_ =	shalt  }
0x69: {  	_ =	shalt  }
0x6a: {  	_ =	shalt  }
0x6b: {  	_ =	shalt  }
0x6c: {  	_ =	shalt  }
0x6d: {  	_ =	shalt  }
0x6e: {  	_ =	shalt  }
0x6f: {  	_ =	shalt  }
0x70: {  	_ =	shalt  }
0x71: {  	_ =	shalt  }
0x72: {  	_ =	shalt  }
0x73: {  	_ =	shalt  }
0x74: {  	_ =	shalt  }
0x75: {  	_ =	shalt  }
0x76: {  	_ =	shalt  }
0x77: {  	_ =	shalt  }
0x78: {  	_ =	shalt  }
0x79: {  	_ =	shalt  }
0x7a: {  	_ =	shalt  }
0x7b: {  	_ =	shalt  }
0x7c: {  	_ =	shalt  }
0x7d: {  	_ =	shalt  }
0x7e: {  	_ =	shalt  }
0x7f: {  	_ =	shalt  }
0x80: {  	_ =	shalt  }
0x81: {  	_ =	shalt  }
0x82: {  	_ =	shalt  }
0x83: {  	_ =	shalt  }
0x84: {  	_ =	shalt  }
0x85: {  	_ =	shalt  }
0x86: {  	_ =	shalt  }
0x87: {  	_ =	shalt  }
.Lfunc_end0:
.L_simem_size_0:
called_computation_lowered:
.L_overlay_start_0:
0x88: {  	s2 =	sld [smem:$0x3FD9]  }
0x89: {  	s3 =	sld [smem:$0x3FFE];
	_ =	sdelay $0x1  }
0x8a: {  	s1 =	srdreg.scid  }
0x8b: {  	s0 =	sand.u32 $0x1, s1  }
0x8c: {  	s16 =	sshll.u32 s0, $0xA;
	s2 =	sadd.s32 s3, s2  }
0x8d: {  	s2 =	sadd.s32 s2, s16  }
0x8e: {  	[smem:$0x3FC1] =	sst s2  }
0x8f: {  	_ = 	snop  }
0x90: {  	(tm) =	ssettm $0x1  }
0x91: {  	s17 =	sld [smem:$0x3FFB];
	_ =	sdelay $0x3  }
0x92: {  	_ =	strace s17  }
0x93: {  	s2 =	sld [smem:$0x3FFC];
	_ =	sdelay $0x3  }
0x94: {  	_ =	strace s2  }
0x95: {  	s2 =	sld [smem:$0x3FFD];
	_ =	sdelay $0x3  }
0x96: {  	_ =	strace s2  }
0x97: {  	_ =	strace $0x8FFFFFFF  }
0x98: {  	s18 =	sld [smem:$0x3FDB];
	_ =	sdelay $0x1  }
0x99: {  	s19 =	simm.s32 $_scs_section_size  }
0x9a: {  	s4 =	simm.s32 $_size__tile_overlayer_lowered;
	s5 =	simm.s32 $_tile_overlayer_lowered  }
0x9b: {  	s22 =	simm.s32 $0x1BFF;
	s21 =	sshll.u32 s5, $0x1;
	s2 =	sadd.s32 s19, s18  }
0x9c: {  	s6 =	simm.s32 $0x0;
	s20 =	sshll.u32 s4, $0x1;
	s4 =	sadd.s32 s21, s2  }
0x9d: {  	[timem:s6], [sflag:s22] =	dma.local [hbm:s4], s20  }
0x9e: {  	_ =	swait.ge [sflag:s22], s20  }
0x9f: {  	s3 =	ssub.s32 $0x0, s20;
	[sflag:s22] =	ssyncset.done $0x0  }
0xa0: {  	[sflag:s22] =	ssyncadd.s32 s3;
	_ =	sdelay $0x1  }
0xa1: {  	s23 =	simm.s32 $0x1B8B  }
0xa2: {  	_ =	swait.ge [sflag:s23], $0x1  }
0xa3: {  	[sflag:s23] =	ssyncset.done $0x0  }
0xa4: {  	s25 =	simm.s32 $0x1B8E;
	s24 =	sld [smem:$0x3FFE];
	[sflag:s23] =	ssyncadd.s32 $0xFFFFFFFF  }
0xa5: {  	s26 =	simm.s32 $execute0_lowered;
	[smem:$0x3FD2] =	sst s25  }
0xa6: {  	s4 =	sshll.u32 s26, $0x1;
	_ =	strace $0x80000046;
	[dreg:$0x1] =	wrdreg $0xFFFFFFFF  }
0xa7: {  	s28 =	simm.s32 $_size_execute0_lowered;
	s2 =	sadd.s32 s2, s4;
	[dreg:$0x0] =	wrdreg $0x0  }
0xa8: {  	s4 =	sshll.u32 s28, $0x1;
	[dreg:$0x2] =	wrdreg s2  }
0xa9: {  	[dreg:$0x3] =	wrdreg s4  }
0xaa: {  	[dreg:$0x4] =	wrdreg $0xC0  }
0xab: {  	_ =	task [dreg:s6], $0x5FFFF  }
0xac: {  	[dreg:$0x1] =	wrdreg $0xFFFFFFFF  }
0xad: {  	[dreg:$0x0] =	wrdreg $0x60  }
0xae: {  	[dreg:$0x2] =	wrdreg s24  }
0xaf: {  	[dreg:$0x3] =	wrdreg $0x52800  }
0xb0: {  	[dreg:$0x4] =	wrdreg $0x9  }
0xb1: {  	_ =	task.clear_ibuf [dreg:s6], $0x5FFFF;
	_ =	strace $0x90000046  }
0xb2: {  	s29 =	simm.s32 $0x9;
	_ =	strace $0x80000048  }
0xb3: {  	_ =	swait.ge [sflag:s29], $0x1  }
0xb4: {  	[sflag:s29] =	ssyncadd.s32 $0xFFFFFFFF  }
0xb5: {  	_ =	strace $0x90000048  }
0xb6: {  	_ =	sfence  }
0xb7: {  	s30 =	sld [smem:$0x0];
	_ =	sdelay $0x2  }
0xb8: {  	s31 =	sshll.u32 s1, $0xD;
	s1 =	sshrl.u32 s1, $0x2  }
0xb9: {  	s3 =	sand.u32 $0x4000, s31;
	s1 =	sadd.s32 s1, s30  }
0xba: {  	s0 =	sor.u32 s3, s0;
	s1 =	sshll.u32 s1, $0x11  }
0xbb: {  	s0 =	sor.u32 s1, s0  }
0xbc: {  	s0 =	sadd.s32 $0x8F2B, s0  }
0xbd: {  	[sflag:s0] =	ssyncadd.remote.s32 $0x1  }
0xbe: {  	_ =	sfence.sel $0xFFFF  }
0xbf: {  	[dreg:$0x0] =	wrdreg $0xFFFFFFFF;
	(pc) =	sbr.abs _section_cstart, $3  }
0xc0: {  	[dreg:$0x1] =	wrdreg $0xFFFFFFFF  }
0xc1: {  	_ =	task.clear_ibuf [dreg:s6], $0x2FFFF;
	_ =	strace $0x9FFFFFFF  }
0xc2: {  	(tm) =	ssettm $0x7FFFFFFF  }
0xc3: {  	_ =	shalt  }
tec
execute0_lowered:
.L_overlay_start_1:
0x0: {  	(tag) =	ssettag $0x1  }
0x1: {  	s5 =	rddreg [dreg:$0x0]  }
0x2: {  	s0 =	srdreg.scid;
	s2 =	rddreg [dreg:$0x1]  }
0x3: {  	s3 =	simm.s32 $0x0;
	s10 =	simm.s32 $0x2;
	s11 =	simm.s32 $0x2800  }
0x4: {  	s12 =	simm.s32 $0x80;
	s13 =	simm.s32 $0x1;
	s16 =	simm.s32 $0x20  }
0x5: {  	s17 =	simm.s32 $0x10;
	s4 =	sand.u32 $0x1, s0;
	s0 =	stileid.u32  }
0x6: {  	s18 =	simm.s32 $0x0;
	[smem:$0x7FF] =	sst s3;
	s7 =	smul.u32 $0x500, s0  }
0x7: {  	s1 =	sshll.u32 s4, $0x4;
	s8 =	sshll.u32 s4, $0x7;
	s9 =	smul.u32 $0xA00, s0  }
0x8: {  	s4 =	ssub.s32 $0x2, s4;
	s14 =	sshll.u32 s0, $0x6;
	s6 =	sor.u32 s0, s1  }
0x9: {  	s1 =	rddreg [dreg:$0x2];
	_ =	strace $0x80000047;
	s31 =	sshrl.u32 s4, $0x1  }
0xa: {  	s14 =	sor.u32 $0x1C02, s14;
	s6 =	smul.u32 $0x500, s6;
	s7 =	sor.u32 s8, s7  }
0xb: {  	s9 =	sshrl.u32 s9, $0x2;
	s8 =	ssub.s32 s4, s31;
	s7 =	sshrl.u32 s7, $0x3  }
0xc: {  	s4 =	sadd.s32 s9, s2;
	s8 =	smax.u32 s8, $0x1;
	s9 =	simm.s32 $0x5000  }
0xd: {  	s6 =	sadd.s32 s6, s5;
	s7 =	sadd.s32 s7, s5;
	s15 =	sshrl.u32 s4, $0x3  }
0xe: {  	v0 =	vimm.f32 $0.0e+00;
	s5 =	sadd.s32 $0x2A00, s6;
	s6 =	sadd.s32 $0xCA00, s6;
	s7 =	sadd.s32 $0x16A00, s7  }
.LBB2_1:
0xf: {  	[tilespmem:$0x5000] =	vst v0  }
0x10: {  	[tilespmem:$0x5010] =	vst v0  }
0x11: {  	[tilespmem:$0x5020] =	vst v0  }
0x12: {  	[tilespmem:$0x5030] =	vst v0  }
0x13: {  	[tilespmem:$0x5040] =	vst v0  }
0x14: {  	[tilespmem:$0x5050] =	vst v0  }
0x15: {  	[tilespmem:$0x5060] =	vst v0  }
0x16: {  	[tilespmem:$0x5070] =	vst v0  }
0x17: {  	[tilespmem:$0x5080] =	vst v0  }
0x18: {  	[tilespmem:$0x5090] =	vst v0  }
0x19: {  	[tilespmem:$0x50A0] =	vst v0  }
0x1a: {  	[tilespmem:$0x50B0] =	vst v0  }
0x1b: {  	[tilespmem:$0x50C0] =	vst v0  }
0x1c: {  	[tilespmem:$0x50D0] =	vst v0  }
0x1d: {  	[tilespmem:$0x50E0] =	vst v0  }
0x1e: {  	[tilespmem:$0x50F0] =	vst v0  }
0x1f: {  	[tilespmem:$0x5100] =	vst v0  }
0x20: {  	[tilespmem:$0x5110] =	vst v0  }
0x21: {  	[tilespmem:$0x5120] =	vst v0  }
0x22: {  	[tilespmem:$0x5130] =	vst v0  }
0x23: {  	[tilespmem:$0x5140] =	vst v0  }
0x24: {  	[tilespmem:$0x5150] =	vst v0  }
0x25: {  	[tilespmem:$0x5160] =	vst v0  }
0x26: {  	[tilespmem:$0x5170] =	vst v0  }
0x27: {  	[tilespmem:$0x5180] =	vst v0  }
0x28: {  	[tilespmem:$0x5190] =	vst v0  }
0x29: {  	[tilespmem:$0x51A0] =	vst v0  }
0x2a: {  	[tilespmem:$0x51B0] =	vst v0  }
0x2b: {  	[tilespmem:$0x51C0] =	vst v0  }
0x2c: {  	[tilespmem:$0x51D0] =	vst v0  }
0x2d: {  	[tilespmem:$0x51E0] =	vst v0  }
0x2e: {  	[tilespmem:$0x51F0] =	vst v0  }
0x2f: {  	[tilespmem:$0x5200] =	vst v0  }
0x30: {  	[tilespmem:$0x5210] =	vst v0  }
0x31: {  	[tilespmem:$0x5220] =	vst v0  }
0x32: {  	[tilespmem:$0x5230] =	vst v0  }
0x33: {  	[tilespmem:$0x5240] =	vst v0  }
0x34: {  	[tilespmem:$0x5250] =	vst v0  }
0x35: {  	[tilespmem:$0x5260] =	vst v0  }
0x36: {  	[tilespmem:$0x5270] =	vst v0  }
0x37: {  	[spmem:s4] =	stream.linear.scatter [tilespmem:s9], [sflag:$0x2], $0x280, $0x38;
	[tilespmem:$0x5500] =	vst v63  }
0x38: {  	_ =	swait.ge [sflag:s10], $0x280  }
0x39: {  	[sflag:s10] =	ssyncset.done $0x0  }
0x3a: {  	[sflag:s10] =	ssyncadd.s32 $0xFFFFFD80  }
0x3b: {  	[tilespmem:s3], [sflag:$0x2] =	stream.linear.gather [hbm4b:s5+s3], $0x2800, $0x38;
	[tilespmem:$0x5500] =	vst v63  }
0x3c: {  	_ =	swait.ge [sflag:s10], $0x2800  }
0x3d: {  	[sflag:s10] =	ssyncset.done $0x0  }
0x3e: {  	[sflag:s10] =	ssyncadd.s32 $0xFFFFD800  }
0x3f: {  	[tilespmem:s11], [sflag:$0x2] =	stream.linear.gather [hbm4b:s6+s3], $0x2800, $0x38;
	[tilespmem:$0x5500] =	vst v63  }
0x40: {  	_ =	swait.ge [sflag:s10], $0x2800  }
0x41: {  	[sflag:s10] =	ssyncset.done $0x0  }
0x42: {  	[sflag:s10] =	ssyncadd.s32 $0xFFFFD800  }
0x43: {  	s19 =	simm.s32 $0x0;
	[bflag:$0x0] =	sbarrier.arrive $0xFFFF  }
.LBB2_2:
0x44: {  	p0 =	sne.s32 s19, $0x9E00  }
.Ltmp0:
0x45: {  	_ = 	snop;
	(pc) =	sbr.rel @p0 .LBB2_2-.Ltmp0, $4  }
0x46: {  	_ = 	snop  }
0x47: {  	s20 =	sshra.s32 s19, $0x2  }
0x48: {  	s19 =	sadd.s32 $0x200, s19;
	s21 =	sadd.s32 $0x2800, s20  }
0x49: {  	[spmem:s2] =	stream.indirect.scatter.add.f32 [tilespmem:s21], [sflag:$0x1], $0x1, s20, s12, $0xb8;
	[tilespmem:$0x5500] =	vst v63  }
0x4a: {  	_ =	swait.ge [sflag:s13], $0x80  }
0x4b: {  	s19 =	simm.s32 $0x4F;
	[sflag:s13] =	ssyncset.done $0x0  }
.LBB2_4:
0x4c: {  	p0 =	sne.s32 s19, $0x1;
	s19 =	sadd.s32 $0xFFFFFFFF, s19;
	[sflag:s13] =	ssyncadd.s32 $0xFFFFFF80  }
.Ltmp1:
0x4d: {  	(pc) =	sbr.rel @p0 .LBB2_4-.Ltmp1, $3  }
0x4e: {  	_ =	sdelay $0x1  }
0x4f: {  	_ =	swait.ge [sflag:s13], $0x80  }
0x50: {  	[sflag:s13] =	ssyncset.done $0x0  }
0x51: {  	s18 =	sadd.s32 $0x1, s18  }
0x52: {  	[sflag:s13] =	ssyncadd.s32 $0xFFFFFF80;
	p0 =	sne.s32 s18, s8  }
.Ltmp2:
0x53: {  	[bflag:$0x0] =	sbarrier.arrive $0xFFFF;
	(pc) =	sbr.rel @p0 .LBB2_1-.Ltmp2, $4  }
0x54: {  	[hbm:s7@s16], [sflag:s14] =	dma.strided [spmem:s15@s17], $0x50, s13, $0x10   }
0x55: {  	_ =	swait.ge [sflag:s10], $0x50  }
0x56: {  	[sflag:s10] =	ssyncset.done $0x0  }
0x57: {  	[sflag:s10] =	ssyncadd.s32 $0xFFFFFFB0  }
0x58: {  	_ =	sfence.sel $0x180000  }
0x59: {  	[bflag:$0x0] =	sbarrier.arrive $0xFFFF  }
0x5a: {  	p0 =	sne.s32 s0, $0x0;
	_ =	strace $0x90000047  }
0x5b: {  	s0 =	sadd.s32 @!p0 $0x100000, s1;
	[bflag:$0x2] =	sbarrier.arrive $0xFFFF  }
0x5c: {  	[sflag:s0] =	ssyncadd.tile.s32 @!p0 $0x1;
	_ =	shalt  }
.Lfunc_end2:
_tile_overlayer_lowered:
.L_overlay_start_2:
0x5d: {  	(tag) =	ssettag $0x2  }
0x5e: {  	s0 =	rddreg [dreg:$0x0];
	s2 =	stileid.u32  }
0x5f: {  	s1 =	rddreg [dreg:$0x1];
	p0 =	sne.s32 s2, $0x0  }
0x60: {  	s3 =	rddreg [dreg:$0x2];
	[bflag:$0x3] =	sbarrier.arrive $0xFFFF;
	s2 =	simm.s32 @!p0 $0x1C02  }
0x61: {  	[timem:s3], [sflag:s2] =	dma.local @!p0 [hbm:s0], s1  }
0x62: {  	s0 =	simm.s32 @!p0 $0x2  }
0x63: {  	_ =	swait.ge @!p0 [sflag:s0], s1  }
0x64: {  	s1 =	ssub.s32 @!p0 $0x0, s1;
	[sflag:s0] =	ssyncset.done @!p0 $0x0  }
0x65: {  	[sflag:s0] =	ssyncadd.s32 @!p0 s1  }
0x66: {  	[bflag:$0x3] =	sbarrier.arrive $0xFFFF  }
0x67: {  	_ =	shalt  }

</sc_bundles>
